<compile_context>
chip_gen: v7x
topology: tpu7x:2x2x1
jax: 0.10.2.dev20260603
libtpu: 0.0.44.dev20260713+nightly
codegen_flags: <defaults>
</compile_context>

<pallas_src>
import functools

import jax
import jax.numpy as jnp
from jax import lax
from jax.experimental import pallas as pl
from jax.experimental.pallas import tpu as pltpu
from jax.experimental.pallas import tpu_sc as plsc

N = 10000
D = 128
E = 320000

NC = 2
NS = 16
NW = NC * NS
L = 16

CHUNK = 96
T_FAST = 172
T_SLOW = 40
FAST_CORE = 0
W_ST = 86
TOT_CH = NS * (T_FAST + T_SLOW)
T_DEG = TOT_CH // NW
E_PAD = TOT_CH * CHUNK
NPAD = 10240
ROWS_PER_TILE = NPAD // NS
SINK = N + 64

_mesh = functools.partial(
    plsc.VectorSubcoreMesh, core_axis_name="c", subcore_axis_name="s"
)
_sc_params = pltpu.CompilerParams(
    use_tc_tiling_on_sc=False, needs_layout_passes=False
)


@functools.partial(
    pl.kernel,
    out_type=jax.ShapeDtypeStruct((NC, NPAD), jnp.float32),
    mesh=_mesh(),
    compiler_params=_sc_params,
    scratch_types=[
        pltpu.VMEM((T_DEG, CHUNK), jnp.int32),
        pltpu.VMEM((NPAD,), jnp.float32),
        pltpu.VMEM((NS, ROWS_PER_TILE), jnp.float32),
        pltpu.VMEM((ROWS_PER_TILE,), jnp.float32),
        pltpu.VMEM_SHARED((NS, NPAD), jnp.float32),
    ],
)
def _deg_kernel(colf_hbm, out_hbm, colbuf, dloc, partbuf, outbuf, shared):
    c = lax.axis_index("c")
    s = lax.axis_index("s")
    w = c * NS + s

    zeros16 = jnp.zeros((L,), jnp.float32)
    ones16 = jnp.ones((L,), jnp.float32)

    def zero_body(i, _):
        dloc[pl.ds(i * L, L)] = zeros16
        return 0

    lax.fori_loop(0, NPAD // L, zero_body, 0)

    pltpu.sync_copy(colf_hbm.at[pl.ds(w * T_DEG, T_DEG)], colbuf)

    def acc_body(j, _):
        for k in range(CHUNK // L):
            idx = colbuf[j, pl.ds(k * L, L)]
            plsc.addupdate_scatter(dloc, [idx], ones16)
        return 0

    lax.fori_loop(0, T_DEG, acc_body, 0)

    pltpu.sync_copy(dloc, shared.at[s])
    plsc.subcore_barrier()

    def gather_part(p, _):
        pltpu.sync_copy(
            shared.at[p, pl.ds(s * ROWS_PER_TILE, ROWS_PER_TILE)],
            partbuf.at[p],
        )
        return 0

    lax.fori_loop(0, NS, gather_part, 0)

    def sum_body(v, _):
        tot = partbuf[0, pl.ds(v * L, L)]
        for p in range(1, NS):
            tot = tot + partbuf[p, pl.ds(v * L, L)]
        outbuf[pl.ds(v * L, L)] = tot
        return 0

    lax.fori_loop(0, ROWS_PER_TILE // L, sum_body, 0)

    pltpu.sync_copy(
        outbuf, out_hbm.at[c, pl.ds(s * ROWS_PER_TILE, ROWS_PER_TILE)]
    )


@functools.partial(
    pl.kernel,
    out_type=jax.ShapeDtypeStruct((NC, 2 * NPAD, D), jnp.bfloat16),
    mesh=_mesh(),
    compiler_params=_sc_params,
    scratch_types=[
        pltpu.VMEM((W_ST, CHUNK), jnp.int32),
        pltpu.VMEM((W_ST, CHUNK), jnp.int32),
        pltpu.VMEM((CHUNK, D), jnp.bfloat16),
        pltpu.VMEM((CHUNK, D), jnp.bfloat16),
        pltpu.VMEM_SHARED((2 * NPAD, D), jnp.bfloat16),
        pltpu.SemaphoreType.DMA,
        pltpu.SemaphoreType.DMA,
    ],
)
def _prop_kernel(zp_hbm, rowf_hbm, colf_hbm, zeros_hbm, out_hbm,
                 ridx_st, cidx_st, rows0, rows1, acc, gsem, ssem):
    c = lax.axis_index("c")
    s = lax.axis_index("s")
    base = s * ROWS_PER_TILE

    pltpu.sync_copy(
        zeros_hbm.at[pl.ds(base, ROWS_PER_TILE)],
        acc.at[pl.ds(base, ROWS_PER_TILE)],
    )
    pltpu.sync_copy(
        zeros_hbm.at[pl.ds(base, ROWS_PER_TILE)],
        acc.at[pl.ds(NPAD + base, ROWS_PER_TILE)],
    )
    plsc.subcore_barrier()

    def half(j, rows_this, rows_other, n):
        @pl.when(j >= 1)
        def _():
            pltpu.make_async_copy(
                rows_other, acc.at[cidx_st.at[j - 1]], ssem
            ).wait()

        @pl.when(j + 1 < n)
        def _():
            pltpu.async_copy(zp_hbm.at[ridx_st.at[j + 1]], rows_other, gsem)

        pltpu.make_async_copy(
            zp_hbm.at[ridx_st.at[j]], rows_this, gsem
        ).wait()
        pltpu.async_copy(rows_this, acc.at[cidx_st.at[j]], ssem, add=True)

    def window(sb, n):
        pltpu.sync_copy(rowf_hbm.at[pl.ds(sb, n)], ridx_st.at[pl.ds(0, n)])
        pltpu.sync_copy(colf_hbm.at[pl.ds(sb, n)], cidx_st.at[pl.ds(0, n)])
        pltpu.async_copy(zp_hbm.at[ridx_st.at[0]], rows0, gsem)

        def body(j2, _):
            half(2 * j2, rows0, rows1, n)
            half(2 * j2 + 1, rows1, rows0, n)
            return 0

        lax.fori_loop(0, n // 2, body, 0)
        pltpu.make_async_copy(
            rows1, acc.at[cidx_st.at[n - 1]], ssem
        ).wait()

    @pl.when(c == FAST_CORE)
    def _():
        base_ch = s * T_FAST
        for st in range(T_FAST // W_ST):
            window(base_ch + st * W_ST, W_ST)

    @pl.when(c != FAST_CORE)
    def _():
        base_ch = NS * T_FAST + s * T_SLOW
        window(base_ch, T_SLOW)

    plsc.subcore_barrier()
    pltpu.sync_copy(
        acc.at[pl.ds(base, ROWS_PER_TILE)],
        out_hbm.at[c, pl.ds(base, ROWS_PER_TILE)],
    )
    pltpu.sync_copy(
        acc.at[pl.ds(NPAD + base, ROWS_PER_TILE)],
        out_hbm.at[c, pl.ds(NPAD + base, ROWS_PER_TILE)],
    )


def _bn(x, gamma, beta, eps=1e-5):
    mean = jnp.mean(x, axis=0)
    var = jnp.mean(jnp.square(x - mean), axis=0)
    return (x - mean) * lax.rsqrt(var + eps) * gamma + beta


def _tc1_body(x_ref, wg_ref, degp_ref, z1_ref, z1b_ref, dis_ref):
    deg = degp_ref[0, :N] + degp_ref[1, :N] + 1.0
    dis = lax.rsqrt(deg)
    dis_ref[...] = dis
    xl = jnp.dot(x_ref[...], wg_ref[...], preferred_element_type=jnp.float32)
    z1 = xl * dis[:, None]
    z1_ref[...] = z1
    z1b_ref[...] = z1.astype(jnp.bfloat16)


def _tc2_body(acc_ref, z1_ref, dis_ref, bg_ref, g1_ref, be1_ref, wd_ref,
              h_ref, z2_ref, z2b_ref):
    dis = dis_ref[...]
    z1 = z1_ref[...]
    tot = (acc_ref[0, :N, :].astype(jnp.float32)
           + acc_ref[0, NPAD:NPAD + N, :].astype(jnp.float32)
           + acc_ref[1, :N, :].astype(jnp.float32)
           + acc_ref[1, NPAD:NPAD + N, :].astype(jnp.float32) + z1)
    h = _bn(tot * dis[:, None] + bg_ref[...], g1_ref[...], be1_ref[...])
    h_ref[...] = h
    xd = jnp.dot(h, wd_ref[...], preferred_element_type=jnp.float32)
    z2 = xd * dis[:, None]
    z2_ref[...] = z2
    z2b_ref[...] = z2.astype(jnp.bfloat16)


def _tc3_body(acc_ref, z2_ref, h_ref, dis_ref, bd_ref, g3_ref, be3_ref,
              wo_ref, bo_ref, out_ref):
    dis = dis_ref[...]
    h = h_ref[...]
    tot = (acc_ref[0, :N, :].astype(jnp.float32)
           + acc_ref[0, NPAD:NPAD + N, :].astype(jnp.float32)
           + acc_ref[1, :N, :].astype(jnp.float32)
           + acc_ref[1, NPAD:NPAD + N, :].astype(jnp.float32) + z2_ref[...])
    o = tot * dis[:, None] * h + bd_ref[...]
    o = _bn(o, g3_ref[...], be3_ref[...])
    out_ref[...] = (
        jnp.dot(h, wo_ref[:D, :], preferred_element_type=jnp.float32)
        + jnp.dot(o, wo_ref[D:, :], preferred_element_type=jnp.float32)
        + bo_ref[...]
    )


def kernel(x, W_gcn, b_gcn, g1, be1, W_deg, b_deg, g3, be3, W_out, b_out,
           edge_index):
    row = edge_index[0]
    col = edge_index[1]
    pad = E_PAD - E
    rowp = jnp.concatenate([row, jnp.zeros((pad,), jnp.int32)])
    colp = jnp.concatenate([col, jnp.full((pad,), SINK, jnp.int32)])
    row3d = rowp.reshape(TOT_CH, CHUNK)
    col3d = colp.reshape(TOT_CH, CHUNK)
    parity = (jnp.arange(TOT_CH, dtype=jnp.int32) % 2)[:, None]
    col3dp = col3d + NPAD * parity
    zeros_acc = jnp.zeros((NPAD, D), jnp.bfloat16)

    deg_partials = _deg_kernel(col3d)

    z1, z1b, dis = pl.pallas_call(
        _tc1_body,
        out_shape=(
            jax.ShapeDtypeStruct((N, D), jnp.float32),
            jax.ShapeDtypeStruct((N, D), jnp.bfloat16),
            jax.ShapeDtypeStruct((N,), jnp.float32),
        ),
    )(x, W_gcn, deg_partials)

    acc1 = _prop_kernel(z1b, row3d, col3dp, zeros_acc)

    h, z2, z2b = pl.pallas_call(
        _tc2_body,
        out_shape=(
            jax.ShapeDtypeStruct((N, D), jnp.float32),
            jax.ShapeDtypeStruct((N, D), jnp.float32),
            jax.ShapeDtypeStruct((N, D), jnp.bfloat16),
        ),
    )(acc1, z1, dis, b_gcn, g1, be1, W_deg)

    acc2 = _prop_kernel(z2b, row3d, col3dp, zeros_acc)

    out = pl.pallas_call(
        _tc3_body,
        out_shape=jax.ShapeDtypeStruct((N, D), jnp.float32),
    )(acc2, z2, h, dis, b_deg, g3, be3, W_out, b_out)

    return out

# --- scband reference (transcript-rebuilt; emitter-appended) ---
"""Pipeline reference for scband-dgnn-63290638074458 (READ-ONLY COPY).

The authoritative reference and input builder live on the scoring server;
editing this copy changes nothing except your own understanding.
"""

import jax, jax.numpy as jnp
import numpy as np

N = 10000
E = 320000
D = 128


def add_self_loops(edge_index, num_nodes):
    loop = jnp.arange(num_nodes, dtype=edge_index.dtype)
    return jnp.concatenate([edge_index, jnp.stack([loop, loop])], axis=1)


def batchnorm(x, gamma, beta, eps=1e-5):
    mean = jnp.mean(x, axis=0)
    var = jnp.var(x, axis=0)
    return (x - mean) / jnp.sqrt(var + eps) * gamma + beta


def setup_inputs(seed: int = 0):
    key = jax.random.key(seed)
    ks = jax.random.split(key, 8)
    x = jax.random.normal(ks[0], (N, D), dtype=jnp.float32)
    edge_index = jax.random.randint(ks[1], (2, E), 0, N, dtype=jnp.int32)
    W_gcn = jax.random.normal(ks[2], (D, D), dtype=jnp.float32) * 0.05
    b_gcn = jnp.zeros((D,), dtype=jnp.float32)
    g1 = jnp.ones((D,), dtype=jnp.float32)
    be1 = jnp.zeros((D,), dtype=jnp.float32)
    W_deg = jax.random.normal(ks[3], (D, D), dtype=jnp.float32) * 0.05
    b_deg = jnp.zeros((D,), dtype=jnp.float32)
    g3 = jnp.ones((D,), dtype=jnp.float32)
    be3 = jnp.zeros((D,), dtype=jnp.float32)
    W_out = jax.random.normal(ks[4], (2 * D, D), dtype=jnp.float32) * 0.05
    b_out = jnp.zeros((D,), dtype=jnp.float32)
    return {"x": x, "W_gcn": W_gcn, "b_gcn": b_gcn, "g1": g1, "be1": be1,
            "W_deg": W_deg, "b_deg": b_deg, "g3": g3, "be3": be3,
            "W_out": W_out, "b_out": b_out, "edge_index": edge_index}


def reference(x, W_gcn, b_gcn, g1, be1, W_deg, b_deg, g3, be3, W_out, b_out, edge_index):
    num_nodes = x.shape[0]
    ei = add_self_loops(edge_index, num_nodes)
    row, col = ei[0], ei[1]
    # symmetric normalization (shared by GCNConv and DegGNNConv since both add self-loops)
    deg = jnp.zeros((num_nodes,), dtype=x.dtype).at[col].add(1.0)
    dis = deg ** -0.5
    dis = jnp.where(jnp.isinf(dis), 0.0, dis)
    norm = dis[row] * dis[col]
    # GCNConv: out = scatter_add(norm * (xW)[row] -> col) + bias
    xl = x @ W_gcn
    h = jnp.zeros_like(xl).at[col].add(norm[:, None] * xl[row]) + b_gcn
    h = batchnorm(h, g1, be1)
    # DegGNNConv
    xd = h @ W_deg
    out = jnp.zeros_like(xd).at[col].add(norm[:, None] * xd[row])
    out = out * h + b_deg
    out = batchnorm(out, g3, be3)
    # dropout in eval mode -> identity
    xc = jnp.concatenate([h, out], axis=-1)
    return xc @ W_out + b_out

if __name__ == "__main__":
    import jax
    _d = setup_inputs()
    print(jax.jit(kernel)(*tuple(_d.values())))

</pallas_src>

<mosaic_0001>
#map = affine_map<(d0, d1) -> (0, 0)>
module attributes {stable_mosaic.version = 14 : i64} {
  func.func @_deg_kernel(%arg0: i32, %arg1: i32, %arg2: memref<3392x96xi32, #tpu.memory_space<hbm>>, %arg3: memref<2x10240xf32, #tpu.memory_space<hbm>>, %arg4: memref<106x96xi32, #tpu.memory_space<vmem>>, %arg5: memref<10240xf32, #tpu.memory_space<vmem>>, %arg6: memref<16x640xf32, #tpu.memory_space<vmem>>, %arg7: memref<640xf32, #tpu.memory_space<vmem>>, %arg8: memref<16x10240xf32, #tpu.memory_space<vmem_shared>>) attributes {dimension_semantics = [#tpu.dimension_semantics<core_parallel>, #tpu.dimension_semantics<subcore_parallel>], iteration_bounds = array<i64: 2, 16>, scalar_prefetch = 0 : i64, scratch_operands = 5 : i64, tpu.core_type = #tpu.core_type<sc_vector_subcore>, window_params = [{transform_indices = #map}, {transform_indices = #map}]} {
    %mul3A = arith.constant 16 : i32
    %mul3A_0 = arith.muli %arg0, %mul3A : i32
    %add3A = arith.addi %mul3A_0, %arg1 : i32
    %broadcast_in_dim3A = arith.constant 0.000000e+00 : f32
    %broadcast_in_dim3A_1 = vector.broadcast %broadcast_in_dim3A : f32 to vector<16xf32>
    %broadcast_in_dim3A_2 = arith.constant 1.000000e+00 : f32
    %broadcast_in_dim3A_3 = vector.broadcast %broadcast_in_dim3A_2 : f32 to vector<16xf32>
    %scan3A = arith.constant 0 : i32
    %scan3A_4 = arith.constant 0 : i32
    %scan3A_5 = arith.constant 640 : i32
    %scan3A_6 = arith.addi %scan3A_4, %scan3A_5 : i32
    %scan3A_7 = arith.constant 1 : i32
    %scan3A_8 = scf.for %scan3A_35 = %scan3A_4 to %scan3A_6 step %scan3A_7 iter_args(%scan3A_36 = %scan3A) -> (i32)  : i32 {
      %mul3A_37 = arith.constant 16 : i32
      %mul3A_38 = arith.muli %scan3A_35, %mul3A_37 : i32
      %swap3A = arith.index_cast %mul3A_38 : i32 to index
      %swap3A_39 = tpu.vector_load %arg5[%swap3A] {strides = array<i32>} : memref<10240xf32, #tpu.memory_space<vmem>>, vector<16xf32>,
      tpu.vector_store %arg5[%swap3A], %broadcast_in_dim3A_1 {strides = array<i32>} : memref<10240xf32, #tpu.memory_space<vmem>>, vector<16xf32>,
      %scan3A_40 = arith.constant 0 : i32
      scf.yield %scan3A_40 : i32
    }
    %scan3A_9 = arith.constant 640 : i32
    %mul3A_10 = arith.constant 106 : i32
    %mul3A_11 = arith.muli %add3A, %mul3A_10 : i32
    "tpu.region"() ({
      %run_scoped3A = tpu.sem_alloc : memref<!tpu.dma_semaphore, #tpu.memory_space<semaphore_mem>>
      %dma_start3A = arith.constant 0 : i32
      %dma_start3A_35 = tpu.memref_slice %arg2[%mul3A_11, %dma_start3A] : memref<3392x96xi32, #tpu.memory_space<hbm>> -> memref<106x96xi32, #tpu.memory_space<hbm>>
      %dma_start3A_36 = arith.constant 0 : i32
      %dma_start3A_37 = tpu.memref_slice %arg2[%mul3A_11, %dma_start3A_36] : memref<3392x96xi32, #tpu.memory_space<hbm>> -> memref<106x96xi32, #tpu.memory_space<hbm>>
      tpu.enqueue_dma source(%dma_start3A_37 : memref<106x96xi32, #tpu.memory_space<hbm>>) target(%arg4 : memref<106x96xi32, #tpu.memory_space<vmem>>) target_semaphore(%run_scoped3A : memref<!tpu.dma_semaphore, #tpu.memory_space<semaphore_mem>>)
      %dma_wait3A = arith.constant 0 : i32
      %dma_wait3A_38 = tpu.memref_slice %arg2[%mul3A_11, %dma_wait3A] : memref<3392x96xi32, #tpu.memory_space<hbm>> -> memref<106x96xi32, #tpu.memory_space<hbm>>
      %dma_wait3A_39 = arith.constant 0 : i32
      %dma_wait3A_40 = tpu.memref_slice %arg2[%mul3A_11, %dma_wait3A_39] : memref<3392x96xi32, #tpu.memory_space<hbm>> -> memref<106x96xi32, #tpu.memory_space<hbm>>
      tpu.wait_dma2 semaphore(%run_scoped3A : memref<!tpu.dma_semaphore, #tpu.memory_space<semaphore_mem>>) src(%dma_wait3A_40 : memref<106x96xi32, #tpu.memory_space<hbm>>) dst(%arg4 : memref<106x96xi32, #tpu.memory_space<vmem>>)
      tpu.yield
    }) : () -> ()
    %scan3A_12 = arith.constant 0 : i32
    %scan3A_13 = arith.constant 0 : i32
    %scan3A_14 = arith.constant 106 : i32
    %scan3A_15 = arith.addi %scan3A_13, %scan3A_14 : i32
    %scan3A_16 = arith.constant 1 : i32
    %scan3A_17 = scf.for %scan3A_35 = %scan3A_13 to %scan3A_15 step %scan3A_16 iter_args(%scan3A_36 = %scan3A_12) -> (i32)  : i32 {
      %get3A = arith.index_cast %scan3A_35 : i32 to index
      %get3A_37 = arith.constant 0 : index
      %get3A_38 = tpu.vector_load %arg4[%get3A, %get3A_37] {strides = array<i32>} : memref<106x96xi32, #tpu.memory_space<vmem>>, vector<16xi32>,
      tpu.vector_store_idx %arg5[%get3A_38], %broadcast_in_dim3A_3 {add = true} : memref<10240xf32, #tpu.memory_space<vmem>>[vector<16xi32>], vector<16xf32>,
      %get3A_39 = arith.index_cast %scan3A_35 : i32 to index
      %get3A_40 = arith.constant 16 : index
      %get3A_41 = tpu.vector_load %arg4[%get3A_39, %get3A_40] {strides = array<i32>} : memref<106x96xi32, #tpu.memory_space<vmem>>, vector<16xi32>,
      tpu.vector_store_idx %arg5[%get3A_41], %broadcast_in_dim3A_3 {add = true} : memref<10240xf32, #tpu.memory_space<vmem>>[vector<16xi32>], vector<16xf32>,
      %get3A_42 = arith.index_cast %scan3A_35 : i32 to index
      %get3A_43 = arith.constant 32 : index
      %get3A_44 = tpu.vector_load %arg4[%get3A_42, %get3A_43] {strides = array<i32>} : memref<106x96xi32, #tpu.memory_space<vmem>>, vector<16xi32>,
      tpu.vector_store_idx %arg5[%get3A_44], %broadcast_in_dim3A_3 {add = true} : memref<10240xf32, #tpu.memory_space<vmem>>[vector<16xi32>], vector<16xf32>,
      %get3A_45 = arith.index_cast %scan3A_35 : i32 to index
      %get3A_46 = arith.constant 48 : index
      %get3A_47 = tpu.vector_load %arg4[%get3A_45, %get3A_46] {strides = array<i32>} : memref<106x96xi32, #tpu.memory_space<vmem>>, vector<16xi32>,
      tpu.vector_store_idx %arg5[%get3A_47], %broadcast_in_dim3A_3 {add = true} : memref<10240xf32, #tpu.memory_space<vmem>>[vector<16xi32>], vector<16xf32>,
      %get3A_48 = arith.index_cast %scan3A_35 : i32 to index
      %get3A_49 = arith.constant 64 : index
      %get3A_50 = tpu.vector_load %arg4[%get3A_48, %get3A_49] {strides = array<i32>} : memref<106x96xi32, #tpu.memory_space<vmem>>, vector<16xi32>,
      tpu.vector_store_idx %arg5[%get3A_50], %broadcast_in_dim3A_3 {add = true} : memref<10240xf32, #tpu.memory_space<vmem>>[vector<16xi32>], vector<16xf32>,
      %get3A_51 = arith.index_cast %scan3A_35 : i32 to index
      %get3A_52 = arith.constant 80 : index
      %get3A_53 = tpu.vector_load %arg4[%get3A_51, %get3A_52] {strides = array<i32>} : memref<106x96xi32, #tpu.memory_space<vmem>>, vector<16xi32>,
      tpu.vector_store_idx %arg5[%get3A_53], %broadcast_in_dim3A_3 {add = true} : memref<10240xf32, #tpu.memory_space<vmem>>[vector<16xi32>], vector<16xf32>,
      %scan3A_54 = arith.constant 0 : i32
      scf.yield %scan3A_54 : i32
    }
    %scan3A_18 = arith.constant 106 : i32
    "tpu.region"() ({
      %run_scoped3A = tpu.sem_alloc : memref<!tpu.dma_semaphore, #tpu.memory_space<semaphore_mem>>
      %dma_start3A = arith.constant 0 : i32
      %dma_start3A_35 = tpu.memref_slice %arg8[%arg1, %dma_start3A] : memref<16x10240xf32, #tpu.memory_space<vmem_shared>> -> memref<1x10240xf32, #tpu.memory_space<vmem_shared>>
      %dma_start3A_36 = tpu.memref_squeeze %dma_start3A_35 : memref<1x10240xf32, #tpu.memory_space<vmem_shared>> -> memref<10240xf32, #tpu.memory_space<vmem_shared>>
      %dma_start3A_37 = arith.constant 0 : i32
      %dma_start3A_38 = tpu.memref_slice %arg8[%arg1, %dma_start3A_37] : memref<16x10240xf32, #tpu.memory_space<vmem_shared>> -> memref<1x10240xf32, #tpu.memory_space<vmem_shared>>
      %dma_start3A_39 = tpu.memref_squeeze %dma_start3A_38 : memref<1x10240xf32, #tpu.memory_space<vmem_shared>> -> memref<10240xf32, #tpu.memory_space<vmem_shared>>
      tpu.enqueue_dma source(%arg5 : memref<10240xf32, #tpu.memory_space<vmem>>) target(%dma_start3A_39 : memref<10240xf32, #tpu.memory_space<vmem_shared>>) target_semaphore(%run_scoped3A : memref<!tpu.dma_semaphore, #tpu.memory_space<semaphore_mem>>)
      %dma_wait3A = arith.constant 0 : i32
      %dma_wait3A_40 = tpu.memref_slice %arg8[%arg1, %dma_wait3A] : memref<16x10240xf32, #tpu.memory_space<vmem_shared>> -> memref<1x10240xf32, #tpu.memory_space<vmem_shared>>
      %dma_wait3A_41 = tpu.memref_squeeze %dma_wait3A_40 : memref<1x10240xf32, #tpu.memory_space<vmem_shared>> -> memref<10240xf32, #tpu.memory_space<vmem_shared>>
      %dma_wait3A_42 = arith.constant 0 : i32
      %dma_wait3A_43 = tpu.memref_slice %arg8[%arg1, %dma_wait3A_42] : memref<16x10240xf32, #tpu.memory_space<vmem_shared>> -> memref<1x10240xf32, #tpu.memory_space<vmem_shared>>
      %dma_wait3A_44 = tpu.memref_squeeze %dma_wait3A_43 : memref<1x10240xf32, #tpu.memory_space<vmem_shared>> -> memref<10240xf32, #tpu.memory_space<vmem_shared>>
      tpu.wait_dma2 semaphore(%run_scoped3A : memref<!tpu.dma_semaphore, #tpu.memory_space<semaphore_mem>>) src(%arg5 : memref<10240xf32, #tpu.memory_space<vmem>>) dst(%dma_wait3A_44 : memref<10240xf32, #tpu.memory_space<vmem_shared>>)
      tpu.yield
    }) : () -> ()
    %barrier3A = arith.constant 0 : index
    tpu.barrier barrier_id(%barrier3A)
    %scan3A_19 = arith.constant 0 : i32
    %scan3A_20 = arith.constant 0 : i32
    %scan3A_21 = arith.constant 16 : i32
    %scan3A_22 = arith.addi %scan3A_20, %scan3A_21 : i32
    %scan3A_23 = arith.constant 1 : i32
    %scan3A_24 = scf.for %scan3A_35 = %scan3A_20 to %scan3A_22 step %scan3A_23 iter_args(%scan3A_36 = %scan3A_19) -> (i32)  : i32 {
      %mul3A_37 = arith.constant 640 : i32
      %mul3A_38 = arith.muli %arg1, %mul3A_37 : i32
      "tpu.region"() ({
        %run_scoped3A = tpu.sem_alloc : memref<!tpu.dma_semaphore, #tpu.memory_space<semaphore_mem>>
        %dma_start3A = arith.constant 0 : i32
        %dma_start3A_40 = tpu.memref_slice %arg6[%scan3A_35, %dma_start3A] : memref<16x640xf32, #tpu.memory_space<vmem>> -> memref<1x640xf32, #tpu.memory_space<vmem>>
        %dma_start3A_41 = tpu.memref_squeeze %dma_start3A_40 : memref<1x640xf32, #tpu.memory_space<vmem>> -> memref<640xf32, #tpu.memory_space<vmem>>
        %dma_start3A_42 = tpu.memref_slice %arg8[%scan3A_35, %mul3A_38] : memref<16x10240xf32, #tpu.memory_space<vmem_shared>> -> memref<1x640xf32, #tpu.memory_space<vmem_shared>>
        %dma_start3A_43 = tpu.memref_squeeze %dma_start3A_42 : memref<1x640xf32, #tpu.memory_space<vmem_shared>> -> memref<640xf32, #tpu.memory_space<vmem_shared>>
        %dma_start3A_44 = arith.constant 0 : i32
        %dma_start3A_45 = tpu.memref_slice %arg6[%scan3A_35, %dma_start3A_44] : memref<16x640xf32, #tpu.memory_space<vmem>> -> memref<1x640xf32, #tpu.memory_space<vmem>>
        %dma_start3A_46 = tpu.memref_squeeze %dma_start3A_45 : memref<1x640xf32, #tpu.memory_space<vmem>> -> memref<640xf32, #tpu.memory_space<vmem>>
        %dma_start3A_47 = tpu.memref_slice %arg8[%scan3A_35, %mul3A_38] : memref<16x10240xf32, #tpu.memory_space<vmem_shared>> -> memref<1x640xf32, #tpu.memory_space<vmem_shared>>
        %dma_start3A_48 = tpu.memref_squeeze %dma_start3A_47 : memref<1x640xf32, #tpu.memory_space<vmem_shared>> -> memref<640xf32, #tpu.memory_space<vmem_shared>>
        tpu.enqueue_dma source(%dma_start3A_48 : memref<640xf32, #tpu.memory_space<vmem_shared>>) target(%dma_start3A_46 : memref<640xf32, #tpu.memory_space<vmem>>) target_semaphore(%run_scoped3A : memref<!tpu.dma_semaphore, #tpu.memory_space<semaphore_mem>>)
        %dma_wait3A = arith.constant 0 : i32
        %dma_wait3A_49 = tpu.memref_slice %arg6[%scan3A_35, %dma_wait3A] : memref<16x640xf32, #tpu.memory_space<vmem>> -> memref<1x640xf32, #tpu.memory_space<vmem>>
        %dma_wait3A_50 = tpu.memref_squeeze %dma_wait3A_49 : memref<1x640xf32, #tpu.memory_space<vmem>> -> memref<640xf32, #tpu.memory_space<vmem>>
        %dma_wait3A_51 = tpu.memref_slice %arg8[%scan3A_35, %mul3A_38] : memref<16x10240xf32, #tpu.memory_space<vmem_shared>> -> memref<1x640xf32, #tpu.memory_space<vmem_shared>>
        %dma_wait3A_52 = tpu.memref_squeeze %dma_wait3A_51 : memref<1x640xf32, #tpu.memory_space<vmem_shared>> -> memref<640xf32, #tpu.memory_space<vmem_shared>>
        %dma_wait3A_53 = arith.constant 0 : i32
        %dma_wait3A_54 = tpu.memref_slice %arg6[%scan3A_35, %dma_wait3A_53] : memref<16x640xf32, #tpu.memory_space<vmem>> -> memref<1x640xf32, #tpu.memory_space<vmem>>
        %dma_wait3A_55 = tpu.memref_squeeze %dma_wait3A_54 : memref<1x640xf32, #tpu.memory_space<vmem>> -> memref<640xf32, #tpu.memory_space<vmem>>
        %dma_wait3A_56 = tpu.memref_slice %arg8[%scan3A_35, %mul3A_38] : memref<16x10240xf32, #tpu.memory_space<vmem_shared>> -> memref<1x640xf32, #tpu.memory_space<vmem_shared>>
        %dma_wait3A_57 = tpu.memref_squeeze %dma_wait3A_56 : memref<1x640xf32, #tpu.memory_space<vmem_shared>> -> memref<640xf32, #tpu.memory_space<vmem_shared>>
        tpu.wait_dma2 semaphore(%run_scoped3A : memref<!tpu.dma_semaphore, #tpu.memory_space<semaphore_mem>>) src(%dma_wait3A_57 : memref<640xf32, #tpu.memory_space<vmem_shared>>) dst(%dma_wait3A_55 : memref<640xf32, #tpu.memory_space<vmem>>)
        tpu.yield
      }) : () -> ()
      %scan3A_39 = arith.constant 0 : i32
      scf.yield %scan3A_39 : i32
    }
    %scan3A_25 = arith.constant 16 : i32
    %scan3A_26 = arith.constant 0 : i32
    %scan3A_27 = arith.constant 0 : i32
    %scan3A_28 = arith.constant 40 : i32
    %scan3A_29 = arith.addi %scan3A_27, %scan3A_28 : i32
    %scan3A_30 = arith.constant 1 : i32
    %scan3A_31 = scf.for %scan3A_35 = %scan3A_27 to %scan3A_29 step %scan3A_30 iter_args(%scan3A_36 = %scan3A_26) -> (i32)  : i32 {
      %mul3A_37 = arith.constant 16 : i32
      %mul3A_38 = arith.muli %scan3A_35, %mul3A_37 : i32
      %get3A = arith.constant 0 : i32
      %get3A_39 = arith.index_cast %get3A : i32 to index
      %get3A_40 = arith.index_cast %mul3A_38 : i32 to index
      %get3A_41 = tpu.vector_load %arg6[%get3A_39, %get3A_40] {strides = array<i32>} : memref<16x640xf32, #tpu.memory_space<vmem>>, vector<16xf32>,
      %mul3A_42 = arith.constant 16 : i32
      %mul3A_43 = arith.muli %scan3A_35, %mul3A_42 : i32
      %get3A_44 = arith.constant 1 : i32
      %get3A_45 = arith.index_cast %get3A_44 : i32 to index
      %get3A_46 = arith.index_cast %mul3A_43 : i32 to index
      %get3A_47 = tpu.vector_load %arg6[%get3A_45, %get3A_46] {strides = array<i32>} : memref<16x640xf32, #tpu.memory_space<vmem>>, vector<16xf32>,
      %add3A_48 = arith.addf %get3A_41, %get3A_47 : vector<16xf32>
      %mul3A_49 = arith.constant 16 : i32
      %mul3A_50 = arith.muli %scan3A_35, %mul3A_49 : i32
      %get3A_51 = arith.constant 2 : i32
      %get3A_52 = arith.index_cast %get3A_51 : i32 to index
      %get3A_53 = arith.index_cast %mul3A_50 : i32 to index
      %get3A_54 = tpu.vector_load %arg6[%get3A_52, %get3A_53] {strides = array<i32>} : memref<16x640xf32, #tpu.memory_space<vmem>>, vector<16xf32>,
      %add3A_55 = arith.addf %add3A_48, %get3A_54 : vector<16xf32>
      %mul3A_56 = arith.constant 16 : i32
      %mul3A_57 = arith.muli %scan3A_35, %mul3A_56 : i32
      %get3A_58 = arith.constant 3 : i32
      %get3A_59 = arith.index_cast %get3A_58 : i32 to index
      %get3A_60 = arith.index_cast %mul3A_57 : i32 to index
      %get3A_61 = tpu.vector_load %arg6[%get3A_59, %get3A_60] {strides = array<i32>} : memref<16x640xf32, #tpu.memory_space<vmem>>, vector<16xf32>,
      %add3A_62 = arith.addf %add3A_55, %get3A_61 : vector<16xf32>
      %mul3A_63 = arith.constant 16 : i32
      %mul3A_64 = arith.muli %scan3A_35, %mul3A_63 : i32
      %get3A_65 = arith.constant 4 : i32
      %get3A_66 = arith.index_cast %get3A_65 : i32 to index
      %get3A_67 = arith.index_cast %mul3A_64 : i32 to index
      %get3A_68 = tpu.vector_load %arg6[%get3A_66, %get3A_67] {strides = array<i32>} : memref<16x640xf32, #tpu.memory_space<vmem>>, vector<16xf32>,
      %add3A_69 = arith.addf %add3A_62, %get3A_68 : vector<16xf32>
      %mul3A_70 = arith.constant 16 : i32
      %mul3A_71 = arith.muli %scan3A_35, %mul3A_70 : i32
      %get3A_72 = arith.constant 5 : i32
      %get3A_73 = arith.index_cast %get3A_72 : i32 to index
      %get3A_74 = arith.index_cast %mul3A_71 : i32 to index
      %get3A_75 = tpu.vector_load %arg6[%get3A_73, %get3A_74] {strides = array<i32>} : memref<16x640xf32, #tpu.memory_space<vmem>>, vector<16xf32>,
      %add3A_76 = arith.addf %add3A_69, %get3A_75 : vector<16xf32>
      %mul3A_77 = arith.constant 16 : i32
      %mul3A_78 = arith.muli %scan3A_35, %mul3A_77 : i32
      %get3A_79 = arith.constant 6 : i32
      %get3A_80 = arith.index_cast %get3A_79 : i32 to index
      %get3A_81 = arith.index_cast %mul3A_78 : i32 to index
      %get3A_82 = tpu.vector_load %arg6[%get3A_80, %get3A_81] {strides = array<i32>} : memref<16x640xf32, #tpu.memory_space<vmem>>, vector<16xf32>,
      %add3A_83 = arith.addf %add3A_76, %get3A_82 : vector<16xf32>
      %mul3A_84 = arith.constant 16 : i32
      %mul3A_85 = arith.muli %scan3A_35, %mul3A_84 : i32
      %get3A_86 = arith.constant 7 : i32
      %get3A_87 = arith.index_cast %get3A_86 : i32 to index
      %get3A_88 = arith.index_cast %mul3A_85 : i32 to index
      %get3A_89 = tpu.vector_load %arg6[%get3A_87, %get3A_88] {strides = array<i32>} : memref<16x640xf32, #tpu.memory_space<vmem>>, vector<16xf32>,
      %add3A_90 = arith.addf %add3A_83, %get3A_89 : vector<16xf32>
      %mul3A_91 = arith.constant 16 : i32
      %mul3A_92 = arith.muli %scan3A_35, %mul3A_91 : i32
      %get3A_93 = arith.constant 8 : i32
      %get3A_94 = arith.index_cast %get3A_93 : i32 to index
      %get3A_95 = arith.index_cast %mul3A_92 : i32 to index
      %get3A_96 = tpu.vector_load %arg6[%get3A_94, %get3A_95] {strides = array<i32>} : memref<16x640xf32, #tpu.memory_space<vmem>>, vector<16xf32>,
      %add3A_97 = arith.addf %add3A_90, %get3A_96 : vector<16xf32>
      %mul3A_98 = arith.constant 16 : i32
      %mul3A_99 = arith.muli %scan3A_35, %mul3A_98 : i32
      %get3A_100 = arith.constant 9 : i32
      %get3A_101 = arith.index_cast %get3A_100 : i32 to index
      %get3A_102 = arith.index_cast %mul3A_99 : i32 to index
      %get3A_103 = tpu.vector_load %arg6[%get3A_101, %get3A_102] {strides = array<i32>} : memref<16x640xf32, #tpu.memory_space<vmem>>, vector<16xf32>,
      %add3A_104 = arith.addf %add3A_97, %get3A_103 : vector<16xf32>
      %mul3A_105 = arith.constant 16 : i32
      %mul3A_106 = arith.muli %scan3A_35, %mul3A_105 : i32
      %get3A_107 = arith.constant 10 : i32
      %get3A_108 = arith.index_cast %get3A_107 : i32 to index
      %get3A_109 = arith.index_cast %mul3A_106 : i32 to index
      %get3A_110 = tpu.vector_load %arg6[%get3A_108, %get3A_109] {strides = array<i32>} : memref<16x640xf32, #tpu.memory_space<vmem>>, vector<16xf32>,
      %add3A_111 = arith.addf %add3A_104, %get3A_110 : vector<16xf32>
      %mul3A_112 = arith.constant 16 : i32
      %mul3A_113 = arith.muli %scan3A_35, %mul3A_112 : i32
      %get3A_114 = arith.constant 11 : i32
      %get3A_115 = arith.index_cast %get3A_114 : i32 to index
      %get3A_116 = arith.index_cast %mul3A_113 : i32 to index
      %get3A_117 = tpu.vector_load %arg6[%get3A_115, %get3A_116] {strides = array<i32>} : memref<16x640xf32, #tpu.memory_space<vmem>>, vector<16xf32>,
      %add3A_118 = arith.addf %add3A_111, %get3A_117 : vector<16xf32>
      %mul3A_119 = arith.constant 16 : i32
      %mul3A_120 = arith.muli %scan3A_35, %mul3A_119 : i32
      %get3A_121 = arith.constant 12 : i32
      %get3A_122 = arith.index_cast %get3A_121 : i32 to index
      %get3A_123 = arith.index_cast %mul3A_120 : i32 to index
      %get3A_124 = tpu.vector_load %arg6[%get3A_122, %get3A_123] {strides = array<i32>} : memref<16x640xf32, #tpu.memory_space<vmem>>, vector<16xf32>,
      %add3A_125 = arith.addf %add3A_118, %get3A_124 : vector<16xf32>
      %mul3A_126 = arith.constant 16 : i32
      %mul3A_127 = arith.muli %scan3A_35, %mul3A_126 : i32
      %get3A_128 = arith.constant 13 : i32
      %get3A_129 = arith.index_cast %get3A_128 : i32 to index
      %get3A_130 = arith.index_cast %mul3A_127 : i32 to index
      %get3A_131 = tpu.vector_load %arg6[%get3A_129, %get3A_130] {strides = array<i32>} : memref<16x640xf32, #tpu.memory_space<vmem>>, vector<16xf32>,
      %add3A_132 = arith.addf %add3A_125, %get3A_131 : vector<16xf32>
      %mul3A_133 = arith.constant 16 : i32
      %mul3A_134 = arith.muli %scan3A_35, %mul3A_133 : i32
      %get3A_135 = arith.constant 14 : i32
      %get3A_136 = arith.index_cast %get3A_135 : i32 to index
      %get3A_137 = arith.index_cast %mul3A_134 : i32 to index
      %get3A_138 = tpu.vector_load %arg6[%get3A_136, %get3A_137] {strides = array<i32>} : memref<16x640xf32, #tpu.memory_space<vmem>>, vector<16xf32>,
      %add3A_139 = arith.addf %add3A_132, %get3A_138 : vector<16xf32>
      %mul3A_140 = arith.constant 16 : i32
      %mul3A_141 = arith.muli %scan3A_35, %mul3A_140 : i32
      %get3A_142 = arith.constant 15 : i32
      %get3A_143 = arith.index_cast %get3A_142 : i32 to index
      %get3A_144 = arith.index_cast %mul3A_141 : i32 to index
      %get3A_145 = tpu.vector_load %arg6[%get3A_143, %get3A_144] {strides = array<i32>} : memref<16x640xf32, #tpu.memory_space<vmem>>, vector<16xf32>,
      %add3A_146 = arith.addf %add3A_139, %get3A_145 : vector<16xf32>
      %mul3A_147 = arith.constant 16 : i32
      %mul3A_148 = arith.muli %scan3A_35, %mul3A_147 : i32
      %swap3A = arith.index_cast %mul3A_148 : i32 to index
      %swap3A_149 = tpu.vector_load %arg7[%swap3A] {strides = array<i32>} : memref<640xf32, #tpu.memory_space<vmem>>, vector<16xf32>,
      tpu.vector_store %arg7[%swap3A], %add3A_146 {strides = array<i32>} : memref<640xf32, #tpu.memory_space<vmem>>, vector<16xf32>,
      %scan3A_150 = arith.constant 0 : i32
      scf.yield %scan3A_150 : i32
    }
    %scan3A_32 = arith.constant 40 : i32
    %mul3A_33 = arith.constant 640 : i32
    %mul3A_34 = arith.muli %arg1, %mul3A_33 : i32
    "tpu.region"() ({
      %run_scoped3A = tpu.sem_alloc : memref<!tpu.dma_semaphore, #tpu.memory_space<semaphore_mem>>
      %dma_start3A = tpu.memref_slice %arg3[%arg0, %mul3A_34] : memref<2x10240xf32, #tpu.memory_space<hbm>> -> memref<1x640xf32, #tpu.memory_space<hbm>>
      %dma_start3A_35 = tpu.memref_squeeze %dma_start3A : memref<1x640xf32, #tpu.memory_space<hbm>> -> memref<640xf32, #tpu.memory_space<hbm>>
      %dma_start3A_36 = tpu.memref_slice %arg3[%arg0, %mul3A_34] : memref<2x10240xf32, #tpu.memory_space<hbm>> -> memref<1x640xf32, #tpu.memory_space<hbm>>
      %dma_start3A_37 = tpu.memref_squeeze %dma_start3A_36 : memref<1x640xf32, #tpu.memory_space<hbm>> -> memref<640xf32, #tpu.memory_space<hbm>>
      tpu.enqueue_dma source(%arg7 : memref<640xf32, #tpu.memory_space<vmem>>) target(%dma_start3A_37 : memref<640xf32, #tpu.memory_space<hbm>>) target_semaphore(%run_scoped3A : memref<!tpu.dma_semaphore, #tpu.memory_space<semaphore_mem>>)
      %dma_wait3A = tpu.memref_slice %arg3[%arg0, %mul3A_34] : memref<2x10240xf32, #tpu.memory_space<hbm>> -> memref<1x640xf32, #tpu.memory_space<hbm>>
      %dma_wait3A_38 = tpu.memref_squeeze %dma_wait3A : memref<1x640xf32, #tpu.memory_space<hbm>> -> memref<640xf32, #tpu.memory_space<hbm>>
      %dma_wait3A_39 = tpu.memref_slice %arg3[%arg0, %mul3A_34] : memref<2x10240xf32, #tpu.memory_space<hbm>> -> memref<1x640xf32, #tpu.memory_space<hbm>>
      %dma_wait3A_40 = tpu.memref_squeeze %dma_wait3A_39 : memref<1x640xf32, #tpu.memory_space<hbm>> -> memref<640xf32, #tpu.memory_space<hbm>>
      tpu.wait_dma2 semaphore(%run_scoped3A : memref<!tpu.dma_semaphore, #tpu.memory_space<semaphore_mem>>) src(%arg7 : memref<640xf32, #tpu.memory_space<vmem>>) dst(%dma_wait3A_40 : memref<640xf32, #tpu.memory_space<hbm>>)
      tpu.yield
    }) : () -> ()
    return
  }
}

#map = affine_map<(d0, d1) -> (0, 0)>
#map1 = affine_map<(d0, d1) -> (0, 0, 0)>
module attributes {stable_mosaic.version = 14 : i64} {
  func.func @_prop_kernel(%arg0: i32, %arg1: i32, %arg2: memref<10000x128xbf16, #tpu.memory_space<hbm>>, %arg3: memref<3392x96xi32, #tpu.memory_space<hbm>>, %arg4: memref<3392x96xi32, #tpu.memory_space<hbm>>, %arg5: memref<10240x128xbf16, #tpu.memory_space<hbm>>, %arg6: memref<2x20480x128xbf16, #tpu.memory_space<hbm>>, %arg7: memref<86x96xi32, #tpu.memory_space<vmem>>, %arg8: memref<86x96xi32, #tpu.memory_space<vmem>>, %arg9: memref<96x128xbf16, #tpu.memory_space<vmem>>, %arg10: memref<96x128xbf16, #tpu.memory_space<vmem>>, %arg11: memref<20480x128xbf16, #tpu.memory_space<vmem_shared>>, %arg12: memref<!tpu.dma_semaphore, #tpu.memory_space<semaphore_mem>>, %arg13: memref<!tpu.dma_semaphore, #tpu.memory_space<semaphore_mem>>) attributes {dimension_semantics = [#tpu.dimension_semantics<core_parallel>, #tpu.dimension_semantics<subcore_parallel>], iteration_bounds = array<i64: 2, 16>, scalar_prefetch = 0 : i64, scratch_operands = 7 : i64, tpu.core_type = #tpu.core_type<sc_vector_subcore>, window_params = [{transform_indices = #map}, {transform_indices = #map}, {transform_indices = #map}, {transform_indices = #map}, {transform_indices = #map1}]} {
    %mul3A = arith.constant 640 : i32
    %mul3A_0 = arith.muli %arg1, %mul3A : i32
    "tpu.region"() ({
      %run_scoped3A = tpu.sem_alloc : memref<!tpu.dma_semaphore, #tpu.memory_space<semaphore_mem>>
      %dma_start3A = arith.constant 0 : i32
      %dma_start3A_13 = tpu.memref_slice %arg11[%mul3A_0, %dma_start3A] : memref<20480x128xbf16, #tpu.memory_space<vmem_shared>> -> memref<640x128xbf16, #tpu.memory_space<vmem_shared>>
      %dma_start3A_14 = arith.constant 0 : i32
      %dma_start3A_15 = tpu.memref_slice %arg5[%mul3A_0, %dma_start3A_14] : memref<10240x128xbf16, #tpu.memory_space<hbm>> -> memref<640x128xbf16, #tpu.memory_space<hbm>>
      tpu.enqueue_dma source(%dma_start3A_15 : memref<640x128xbf16, #tpu.memory_space<hbm>>) target(%dma_start3A_13 : memref<640x128xbf16, #tpu.memory_space<vmem_shared>>) target_semaphore(%run_scoped3A : memref<!tpu.dma_semaphore, #tpu.memory_space<semaphore_mem>>)
      %dma_wait3A = arith.constant 0 : i32
      %dma_wait3A_16 = tpu.memref_slice %arg11[%mul3A_0, %dma_wait3A] : memref<20480x128xbf16, #tpu.memory_space<vmem_shared>> -> memref<640x128xbf16, #tpu.memory_space<vmem_shared>>
      %dma_wait3A_17 = arith.constant 0 : i32
      %dma_wait3A_18 = tpu.memref_slice %arg5[%mul3A_0, %dma_wait3A_17] : memref<10240x128xbf16, #tpu.memory_space<hbm>> -> memref<640x128xbf16, #tpu.memory_space<hbm>>
      tpu.wait_dma2 semaphore(%run_scoped3A : memref<!tpu.dma_semaphore, #tpu.memory_space<semaphore_mem>>) src(%dma_wait3A_18 : memref<640x128xbf16, #tpu.memory_space<hbm>>) dst(%dma_wait3A_16 : memref<640x128xbf16, #tpu.memory_space<vmem_shared>>)
      tpu.yield
    }) : () -> ()
    %add3A = arith.constant 10240 : i32
    %add3A_1 = arith.addi %add3A, %mul3A_0 : i32
    "tpu.region"() ({
      %run_scoped3A = tpu.sem_alloc : memref<!tpu.dma_semaphore, #tpu.memory_space<semaphore_mem>>
      %dma_start3A = arith.constant 0 : i32
      %dma_start3A_13 = tpu.memref_slice %arg11[%add3A_1, %dma_start3A] : memref<20480x128xbf16, #tpu.memory_space<vmem_shared>> -> memref<640x128xbf16, #tpu.memory_space<vmem_shared>>
      %dma_start3A_14 = arith.constant 0 : i32
      %dma_start3A_15 = tpu.memref_slice %arg5[%mul3A_0, %dma_start3A_14] : memref<10240x128xbf16, #tpu.memory_space<hbm>> -> memref<640x128xbf16, #tpu.memory_space<hbm>>
      tpu.enqueue_dma source(%dma_start3A_15 : memref<640x128xbf16, #tpu.memory_space<hbm>>) target(%dma_start3A_13 : memref<640x128xbf16, #tpu.memory_space<vmem_shared>>) target_semaphore(%run_scoped3A : memref<!tpu.dma_semaphore, #tpu.memory_space<semaphore_mem>>)
      %dma_wait3A = arith.constant 0 : i32
      %dma_wait3A_16 = tpu.memref_slice %arg11[%add3A_1, %dma_wait3A] : memref<20480x128xbf16, #tpu.memory_space<vmem_shared>> -> memref<640x128xbf16, #tpu.memory_space<vmem_shared>>
      %dma_wait3A_17 = arith.constant 0 : i32
      %dma_wait3A_18 = tpu.memref_slice %arg5[%mul3A_0, %dma_wait3A_17] : memref<10240x128xbf16, #tpu.memory_space<hbm>> -> memref<640x128xbf16, #tpu.memory_space<hbm>>
      tpu.wait_dma2 semaphore(%run_scoped3A : memref<!tpu.dma_semaphore, #tpu.memory_space<semaphore_mem>>) src(%dma_wait3A_18 : memref<640x128xbf16, #tpu.memory_space<hbm>>) dst(%dma_wait3A_16 : memref<640x128xbf16, #tpu.memory_space<vmem_shared>>)
      tpu.yield
    }) : () -> ()
    %barrier3A = arith.constant 0 : index
    tpu.barrier barrier_id(%barrier3A)
    %eq3A = arith.constant 0 : i32
    %eq3A_2 = arith.cmpi eq, %arg0, %eq3A : i32
    %convert_element_type3A = arith.extui %eq3A_2 : i1 to i32
    %cond3A = arith.constant 0 : i32
    %cond3A_3 = arith.cmpi ne, %convert_element_type3A, %cond3A : i32
    scf.if %cond3A_3 {
      %mul3A_13 = arith.constant 172 : i32
      %mul3A_14 = arith.muli %arg1, %mul3A_13 : i32
      %add3A_15 = arith.constant 0 : i32
      %add3A_16 = arith.addi %mul3A_14, %add3A_15 : i32
      "tpu.region"() ({
        %run_scoped3A = tpu.sem_alloc : memref<!tpu.dma_semaphore, #tpu.memory_space<semaphore_mem>>
        %dma_start3A_58 = arith.constant 0 : i32
        %dma_start3A_59 = arith.constant 0 : i32
        %dma_start3A_60 = tpu.memref_slice %arg7[%dma_start3A_58, %dma_start3A_59] : memref<86x96xi32, #tpu.memory_space<vmem>> -> memref<86x96xi32, #tpu.memory_space<vmem>>
        %dma_start3A_61 = arith.constant 0 : i32
        %dma_start3A_62 = tpu.memref_slice %arg3[%add3A_16, %dma_start3A_61] : memref<3392x96xi32, #tpu.memory_space<hbm>> -> memref<86x96xi32, #tpu.memory_space<hbm>>
        %dma_start3A_63 = arith.constant 0 : i32
        %dma_start3A_64 = arith.constant 0 : i32
        %dma_start3A_65 = tpu.memref_slice %arg7[%dma_start3A_63, %dma_start3A_64] : memref<86x96xi32, #tpu.memory_space<vmem>> -> memref<86x96xi32, #tpu.memory_space<vmem>>
        %dma_start3A_66 = arith.constant 0 : i32
        %dma_start3A_67 = tpu.memref_slice %arg3[%add3A_16, %dma_start3A_66] : memref<3392x96xi32, #tpu.memory_space<hbm>> -> memref<86x96xi32, #tpu.memory_space<hbm>>
        tpu.enqueue_dma source(%dma_start3A_67 : memref<86x96xi32, #tpu.memory_space<hbm>>) target(%dma_start3A_65 : memref<86x96xi32, #tpu.memory_space<vmem>>) target_semaphore(%run_scoped3A : memref<!tpu.dma_semaphore, #tpu.memory_space<semaphore_mem>>)
        %dma_wait3A_68 = arith.constant 0 : i32
        %dma_wait3A_69 = arith.constant 0 : i32
        %dma_wait3A_70 = tpu.memref_slice %arg7[%dma_wait3A_68, %dma_wait3A_69] : memref<86x96xi32, #tpu.memory_space<vmem>> -> memref<86x96xi32, #tpu.memory_space<vmem>>
        %dma_wait3A_71 = arith.constant 0 : i32
        %dma_wait3A_72 = tpu.memref_slice %arg3[%add3A_16, %dma_wait3A_71] : memref<3392x96xi32, #tpu.memory_space<hbm>> -> memref<86x96xi32, #tpu.memory_space<hbm>>
        %dma_wait3A_73 = arith.constant 0 : i32
        %dma_wait3A_74 = arith.constant 0 : i32
        %dma_wait3A_75 = tpu.memref_slice %arg7[%dma_wait3A_73, %dma_wait3A_74] : memref<86x96xi32, #tpu.memory_space<vmem>> -> memref<86x96xi32, #tpu.memory_space<vmem>>
        %dma_wait3A_76 = arith.constant 0 : i32
        %dma_wait3A_77 = tpu.memref_slice %arg3[%add3A_16, %dma_wait3A_76] : memref<3392x96xi32, #tpu.memory_space<hbm>> -> memref<86x96xi32, #tpu.memory_space<hbm>>
        tpu.wait_dma2 semaphore(%run_scoped3A : memref<!tpu.dma_semaphore, #tpu.memory_space<semaphore_mem>>) src(%dma_wait3A_77 : memref<86x96xi32, #tpu.memory_space<hbm>>) dst(%dma_wait3A_75 : memref<86x96xi32, #tpu.memory_space<vmem>>)
        tpu.yield
      }) : () -> ()
      "tpu.region"() ({
        %run_scoped3A = tpu.sem_alloc : memref<!tpu.dma_semaphore, #tpu.memory_space<semaphore_mem>>
        %dma_start3A_58 = arith.constant 0 : i32
        %dma_start3A_59 = arith.constant 0 : i32
        %dma_start3A_60 = tpu.memref_slice %arg8[%dma_start3A_58, %dma_start3A_59] : memref<86x96xi32, #tpu.memory_space<vmem>> -> memref<86x96xi32, #tpu.memory_space<vmem>>
        %dma_start3A_61 = arith.constant 0 : i32
        %dma_start3A_62 = tpu.memref_slice %arg4[%add3A_16, %dma_start3A_61] : memref<3392x96xi32, #tpu.memory_space<hbm>> -> memref<86x96xi32, #tpu.memory_space<hbm>>
        %dma_start3A_63 = arith.constant 0 : i32
        %dma_start3A_64 = arith.constant 0 : i32
        %dma_start3A_65 = tpu.memref_slice %arg8[%dma_start3A_63, %dma_start3A_64] : memref<86x96xi32, #tpu.memory_space<vmem>> -> memref<86x96xi32, #tpu.memory_space<vmem>>
        %dma_start3A_66 = arith.constant 0 : i32
        %dma_start3A_67 = tpu.memref_slice %arg4[%add3A_16, %dma_start3A_66] : memref<3392x96xi32, #tpu.memory_space<hbm>> -> memref<86x96xi32, #tpu.memory_space<hbm>>
        tpu.enqueue_dma source(%dma_start3A_67 : memref<86x96xi32, #tpu.memory_space<hbm>>) target(%dma_start3A_65 : memref<86x96xi32, #tpu.memory_space<vmem>>) target_semaphore(%run_scoped3A : memref<!tpu.dma_semaphore, #tpu.memory_space<semaphore_mem>>)
        %dma_wait3A_68 = arith.constant 0 : i32
        %dma_wait3A_69 = arith.constant 0 : i32
        %dma_wait3A_70 = tpu.memref_slice %arg8[%dma_wait3A_68, %dma_wait3A_69] : memref<86x96xi32, #tpu.memory_space<vmem>> -> memref<86x96xi32, #tpu.memory_space<vmem>>
        %dma_wait3A_71 = arith.constant 0 : i32
        %dma_wait3A_72 = tpu.memref_slice %arg4[%add3A_16, %dma_wait3A_71] : memref<3392x96xi32, #tpu.memory_space<hbm>> -> memref<86x96xi32, #tpu.memory_space<hbm>>
        %dma_wait3A_73 = arith.constant 0 : i32
        %dma_wait3A_74 = arith.constant 0 : i32
        %dma_wait3A_75 = tpu.memref_slice %arg8[%dma_wait3A_73, %dma_wait3A_74] : memref<86x96xi32, #tpu.memory_space<vmem>> -> memref<86x96xi32, #tpu.memory_space<vmem>>
        %dma_wait3A_76 = arith.constant 0 : i32
        %dma_wait3A_77 = tpu.memref_slice %arg4[%add3A_16, %dma_wait3A_76] : memref<3392x96xi32, #tpu.memory_space<hbm>> -> memref<86x96xi32, #tpu.memory_space<hbm>>
        tpu.wait_dma2 semaphore(%run_scoped3A : memref<!tpu.dma_semaphore, #tpu.memory_space<semaphore_mem>>) src(%dma_wait3A_77 : memref<86x96xi32, #tpu.memory_space<hbm>>) dst(%dma_wait3A_75 : memref<86x96xi32, #tpu.memory_space<vmem>>)
        tpu.yield
      }) : () -> ()
      %dma_start3A = arith.constant 0 : i32
      %dma_start3A_17 = arith.constant 0 : i32
      %dma_start3A_18 = tpu.memref_slice %arg7[%dma_start3A, %dma_start3A_17] : memref<86x96xi32, #tpu.memory_space<vmem>> -> memref<1x96xi32, #tpu.memory_space<vmem>>
      %dma_start3A_19 = tpu.memref_squeeze %dma_start3A_18 : memref<1x96xi32, #tpu.memory_space<vmem>> -> memref<96xi32, #tpu.memory_space<vmem>>
      %dma_start3A_20 = arith.constant 0 : i32
      %dma_start3A_21 = arith.constant 0 : i32
      %dma_start3A_22 = tpu.memref_slice %arg2[%dma_start3A_20, %dma_start3A_21] : memref<10000x128xbf16, #tpu.memory_space<hbm>> -> memref<10000x128xbf16, #tpu.memory_space<hbm>>
      tpu.enqueue_indirect_dma source(%dma_start3A_22 : memref<10000x128xbf16, #tpu.memory_space<hbm>>) target(%arg9 : memref<96x128xbf16, #tpu.memory_space<vmem>>) offsets(%dma_start3A_19 : memref<96xi32, #tpu.memory_space<vmem>>) semaphore(%arg12 : memref<!tpu.dma_semaphore, #tpu.memory_space<semaphore_mem>>)
      %scan3A = arith.constant 0 : i32
      %scan3A_23 = arith.constant 0 : i32
      %scan3A_24 = arith.constant 43 : i32
      %scan3A_25 = arith.addi %scan3A_23, %scan3A_24 : i32
      %scan3A_26 = arith.constant 1 : i32
      %scan3A_27 = scf.for %scan3A_58 = %scan3A_23 to %scan3A_25 step %scan3A_26 iter_args(%scan3A_59 = %scan3A) -> (i32)  : i32 {
        %mul3A_60 = arith.constant 2 : i32
        %mul3A_61 = arith.muli %mul3A_60, %scan3A_58 : i32
        %ge3A = arith.constant 1 : i32
        %ge3A_62 = arith.cmpi sge, %mul3A_61, %ge3A : i32
        %convert_element_type3A_63 = arith.extui %ge3A_62 : i1 to i32
        %cond3A_64 = arith.constant 0 : i32
        %cond3A_65 = arith.cmpi ne, %convert_element_type3A_63, %cond3A_64 : i32
        scf.if %cond3A_65 {
          %sub3A = arith.constant 1 : i32
          %sub3A_113 = arith.subi %mul3A_61, %sub3A : i32
          %dma_wait3A_114 = arith.constant 0 : i32
          %dma_wait3A_115 = tpu.memref_slice %arg8[%sub3A_113, %dma_wait3A_114] : memref<86x96xi32, #tpu.memory_space<vmem>> -> memref<1x96xi32, #tpu.memory_space<vmem>>
          %dma_wait3A_116 = tpu.memref_squeeze %dma_wait3A_115 : memref<1x96xi32, #tpu.memory_space<vmem>> -> memref<96xi32, #tpu.memory_space<vmem>>
          %dma_wait3A_117 = arith.constant 0 : i32
          %dma_wait3A_118 = arith.constant 0 : i32
          %dma_wait3A_119 = tpu.memref_slice %arg11[%dma_wait3A_117, %dma_wait3A_118] : memref<20480x128xbf16, #tpu.memory_space<vmem_shared>> -> memref<20480x128xbf16, #tpu.memory_space<vmem_shared>>
          tpu.wait_indirect_dma semaphore(%arg13 : memref<!tpu.dma_semaphore, #tpu.memory_space<semaphore_mem>>) src(%arg10 : memref<96x128xbf16, #tpu.memory_space<vmem>>) dst(%dma_wait3A_119 : memref<20480x128xbf16, #tpu.memory_space<vmem_shared>>)
        } else {
        }
        %add3A_66 = arith.constant 1 : i32
        %add3A_67 = arith.addi %mul3A_61, %add3A_66 : i32
        %lt3A = arith.constant 86 : i32
        %lt3A_68 = arith.cmpi slt, %add3A_67, %lt3A : i32
        %convert_element_type3A_69 = arith.extui %lt3A_68 : i1 to i32
        %cond3A_70 = arith.constant 0 : i32
        %cond3A_71 = arith.cmpi ne, %convert_element_type3A_69, %cond3A_70 : i32
        scf.if %cond3A_71 {
          %add3A_113 = arith.constant 1 : i32
          %add3A_114 = arith.addi %mul3A_61, %add3A_113 : i32
          %dma_start3A_115 = arith.constant 0 : i32
          %dma_start3A_116 = tpu.memref_slice %arg7[%add3A_114, %dma_start3A_115] : memref<86x96xi32, #tpu.memory_space<vmem>> -> memref<1x96xi32, #tpu.memory_space<vmem>>
          %dma_start3A_117 = tpu.memref_squeeze %dma_start3A_116 : memref<1x96xi32, #tpu.memory_space<vmem>> -> memref<96xi32, #tpu.memory_space<vmem>>
          %dma_start3A_118 = arith.constant 0 : i32
          %dma_start3A_119 = arith.constant 0 : i32
          %dma_start3A_120 = tpu.memref_slice %arg2[%dma_start3A_118, %dma_start3A_119] : memref<10000x128xbf16, #tpu.memory_space<hbm>> -> memref<10000x128xbf16, #tpu.memory_space<hbm>>
          tpu.enqueue_indirect_dma source(%dma_start3A_120 : memref<10000x128xbf16, #tpu.memory_space<hbm>>) target(%arg10 : memref<96x128xbf16, #tpu.memory_space<vmem>>) offsets(%dma_start3A_117 : memref<96xi32, #tpu.memory_space<vmem>>) semaphore(%arg12 : memref<!tpu.dma_semaphore, #tpu.memory_space<semaphore_mem>>)
        } else {
        }
        %dma_wait3A_72 = arith.constant 0 : i32
        %dma_wait3A_73 = tpu.memref_slice %arg7[%mul3A_61, %dma_wait3A_72] : memref<86x96xi32, #tpu.memory_space<vmem>> -> memref<1x96xi32, #tpu.memory_space<vmem>>
        %dma_wait3A_74 = tpu.memref_squeeze %dma_wait3A_73 : memref<1x96xi32, #tpu.memory_space<vmem>> -> memref<96xi32, #tpu.memory_space<vmem>>
        %dma_wait3A_75 = arith.constant 0 : i32
        %dma_wait3A_76 = arith.constant 0 : i32
        %dma_wait3A_77 = tpu.memref_slice %arg2[%dma_wait3A_75, %dma_wait3A_76] : memref<10000x128xbf16, #tpu.memory_space<hbm>> -> memref<10000x128xbf16, #tpu.memory_space<hbm>>
        tpu.wait_indirect_dma semaphore(%arg12 : memref<!tpu.dma_semaphore, #tpu.memory_space<semaphore_mem>>) src(%dma_wait3A_77 : memref<10000x128xbf16, #tpu.memory_space<hbm>>) dst(%arg9 : memref<96x128xbf16, #tpu.memory_space<vmem>>)
        %dma_start3A_78 = arith.constant 0 : i32
        %dma_start3A_79 = tpu.memref_slice %arg8[%mul3A_61, %dma_start3A_78] : memref<86x96xi32, #tpu.memory_space<vmem>> -> memref<1x96xi32, #tpu.memory_space<vmem>>
        %dma_start3A_80 = tpu.memref_squeeze %dma_start3A_79 : memref<1x96xi32, #tpu.memory_space<vmem>> -> memref<96xi32, #tpu.memory_space<vmem>>
        %dma_start3A_81 = arith.constant 0 : i32
        %dma_start3A_82 = arith.constant 0 : i32
        %dma_start3A_83 = tpu.memref_slice %arg11[%dma_start3A_81, %dma_start3A_82] : memref<20480x128xbf16, #tpu.memory_space<vmem_shared>> -> memref<20480x128xbf16, #tpu.memory_space<vmem_shared>>
        tpu.enqueue_indirect_dma source(%arg9 : memref<96x128xbf16, #tpu.memory_space<vmem>>) target(%dma_start3A_83 : memref<20480x128xbf16, #tpu.memory_space<vmem_shared>>) offsets(%dma_start3A_80 : memref<96xi32, #tpu.memory_space<vmem>>) semaphore(%arg13 : memref<!tpu.dma_semaphore, #tpu.memory_space<semaphore_mem>>) {add = true}
        %mul3A_84 = arith.constant 2 : i32
        %mul3A_85 = arith.muli %mul3A_84, %scan3A_58 : i32
        %add3A_86 = arith.constant 1 : i32
        %add3A_87 = arith.addi %mul3A_85, %add3A_86 : i32
        %ge3A_88 = arith.constant 1 : i32
        %ge3A_89 = arith.cmpi sge, %add3A_87, %ge3A_88 : i32
        %convert_element_type3A_90 = arith.extui %ge3A_89 : i1 to i32
        %cond3A_91 = arith.constant 0 : i32
        %cond3A_92 = arith.cmpi ne, %convert_element_type3A_90, %cond3A_91 : i32
        scf.if %cond3A_92 {
          %sub3A = arith.constant 1 : i32
          %sub3A_113 = arith.subi %add3A_87, %sub3A : i32
          %dma_wait3A_114 = arith.constant 0 : i32
          %dma_wait3A_115 = tpu.memref_slice %arg8[%sub3A_113, %dma_wait3A_114] : memref<86x96xi32, #tpu.memory_space<vmem>> -> memref<1x96xi32, #tpu.memory_space<vmem>>
          %dma_wait3A_116 = tpu.memref_squeeze %dma_wait3A_115 : memref<1x96xi32, #tpu.memory_space<vmem>> -> memref<96xi32, #tpu.memory_space<vmem>>
          %dma_wait3A_117 = arith.constant 0 : i32
          %dma_wait3A_118 = arith.constant 0 : i32
          %dma_wait3A_119 = tpu.memref_slice %arg11[%dma_wait3A_117, %dma_wait3A_118] : memref<20480x128xbf16, #tpu.memory_space<vmem_shared>> -> memref<20480x128xbf16, #tpu.memory_space<vmem_shared>>
          tpu.wait_indirect_dma semaphore(%arg13 : memref<!tpu.dma_semaphore, #tpu.memory_space<semaphore_mem>>) src(%arg9 : memref<96x128xbf16, #tpu.memory_space<vmem>>) dst(%dma_wait3A_119 : memref<20480x128xbf16, #tpu.memory_space<vmem_shared>>)
        } else {
        }
        %add3A_93 = arith.constant 1 : i32
        %add3A_94 = arith.addi %add3A_87, %add3A_93 : i32
        %lt3A_95 = arith.constant 86 : i32
        %lt3A_96 = arith.cmpi slt, %add3A_94, %lt3A_95 : i32
        %convert_element_type3A_97 = arith.extui %lt3A_96 : i1 to i32
        %cond3A_98 = arith.constant 0 : i32
        %cond3A_99 = arith.cmpi ne, %convert_element_type3A_97, %cond3A_98 : i32
        scf.if %cond3A_99 {
          %add3A_113 = arith.constant 1 : i32
          %add3A_114 = arith.addi %add3A_87, %add3A_113 : i32
          %dma_start3A_115 = arith.constant 0 : i32
          %dma_start3A_116 = tpu.memref_slice %arg7[%add3A_114, %dma_start3A_115] : memref<86x96xi32, #tpu.memory_space<vmem>> -> memref<1x96xi32, #tpu.memory_space<vmem>>
          %dma_start3A_117 = tpu.memref_squeeze %dma_start3A_116 : memref<1x96xi32, #tpu.memory_space<vmem>> -> memref<96xi32, #tpu.memory_space<vmem>>
          %dma_start3A_118 = arith.constant 0 : i32
          %dma_start3A_119 = arith.constant 0 : i32
          %dma_start3A_120 = tpu.memref_slice %arg2[%dma_start3A_118, %dma_start3A_119] : memref<10000x128xbf16, #tpu.memory_space<hbm>> -> memref<10000x128xbf16, #tpu.memory_space<hbm>>
          tpu.enqueue_indirect_dma source(%dma_start3A_120 : memref<10000x128xbf16, #tpu.memory_space<hbm>>) target(%arg9 : memref<96x128xbf16, #tpu.memory_space<vmem>>) offsets(%dma_start3A_117 : memref<96xi32, #tpu.memory_space<vmem>>) semaphore(%arg12 : memref<!tpu.dma_semaphore, #tpu.memory_space<semaphore_mem>>)
        } else {
        }
        %dma_wait3A_100 = arith.constant 0 : i32
        %dma_wait3A_101 = tpu.memref_slice %arg7[%add3A_87, %dma_wait3A_100] : memref<86x96xi32, #tpu.memory_space<vmem>> -> memref<1x96xi32, #tpu.memory_space<vmem>>
        %dma_wait3A_102 = tpu.memref_squeeze %dma_wait3A_101 : memref<1x96xi32, #tpu.memory_space<vmem>> -> memref<96xi32, #tpu.memory_space<vmem>>
        %dma_wait3A_103 = arith.constant 0 : i32
        %dma_wait3A_104 = arith.constant 0 : i32
        %dma_wait3A_105 = tpu.memref_slice %arg2[%dma_wait3A_103, %dma_wait3A_104] : memref<10000x128xbf16, #tpu.memory_space<hbm>> -> memref<10000x128xbf16, #tpu.memory_space<hbm>>
        tpu.wait_indirect_dma semaphore(%arg12 : memref<!tpu.dma_semaphore, #tpu.memory_space<semaphore_mem>>) src(%dma_wait3A_105 : memref<10000x128xbf16, #tpu.memory_space<hbm>>) dst(%arg10 : memref<96x128xbf16, #tpu.memory_space<vmem>>)
        %dma_start3A_106 = arith.constant 0 : i32
        %dma_start3A_107 = tpu.memref_slice %arg8[%add3A_87, %dma_start3A_106] : memref<86x96xi32, #tpu.memory_space<vmem>> -> memref<1x96xi32, #tpu.memory_space<vmem>>
        %dma_start3A_108 = tpu.memref_squeeze %dma_start3A_107 : memref<1x96xi32, #tpu.memory_space<vmem>> -> memref<96xi32, #tpu.memory_space<vmem>>
        %dma_start3A_109 = arith.constant 0 : i32
        %dma_start3A_110 = arith.constant 0 : i32
        %dma_start3A_111 = tpu.memref_slice %arg11[%dma_start3A_109, %dma_start3A_110] : memref<20480x128xbf16, #tpu.memory_space<vmem_shared>> -> memref<20480x128xbf16, #tpu.memory_space<vmem_shared>>
        tpu.enqueue_indirect_dma source(%arg10 : memref<96x128xbf16, #tpu.memory_space<vmem>>) target(%dma_start3A_111 : memref<20480x128xbf16, #tpu.memory_space<vmem_shared>>) offsets(%dma_start3A_108 : memref<96xi32, #tpu.memory_space<vmem>>) semaphore(%arg13 : memref<!tpu.dma_semaphore, #tpu.memory_space<semaphore_mem>>) {add = true}
        %scan3A_112 = arith.constant 0 : i32
        scf.yield %scan3A_112 : i32
      }
      %scan3A_28 = arith.constant 43 : i32
      %dma_wait3A = arith.constant 85 : i32
      %dma_wait3A_29 = arith.constant 0 : i32
      %dma_wait3A_30 = tpu.memref_slice %arg8[%dma_wait3A, %dma_wait3A_29] : memref<86x96xi32, #tpu.memory_space<vmem>> -> memref<1x96xi32, #tpu.memory_space<vmem>>
      %dma_wait3A_31 = tpu.memref_squeeze %dma_wait3A_30 : memref<1x96xi32, #tpu.memory_space<vmem>> -> memref<96xi32, #tpu.memory_space<vmem>>
      %dma_wait3A_32 = arith.constant 0 : i32
      %dma_wait3A_33 = arith.constant 0 : i32
      %dma_wait3A_34 = tpu.memref_slice %arg11[%dma_wait3A_32, %dma_wait3A_33] : memref<20480x128xbf16, #tpu.memory_space<vmem_shared>> -> memref<20480x128xbf16, #tpu.memory_space<vmem_shared>>
      tpu.wait_indirect_dma semaphore(%arg13 : memref<!tpu.dma_semaphore, #tpu.memory_space<semaphore_mem>>) src(%arg10 : memref<96x128xbf16, #tpu.memory_space<vmem>>) dst(%dma_wait3A_34 : memref<20480x128xbf16, #tpu.memory_space<vmem_shared>>)
      %add3A_35 = arith.constant 86 : i32
      %add3A_36 = arith.addi %mul3A_14, %add3A_35 : i32
      "tpu.region"() ({
        %run_scoped3A = tpu.sem_alloc : memref<!tpu.dma_semaphore, #tpu.memory_space<semaphore_mem>>
        %dma_start3A_58 = arith.constant 0 : i32
        %dma_start3A_59 = arith.constant 0 : i32
        %dma_start3A_60 = tpu.memref_slice %arg7[%dma_start3A_58, %dma_start3A_59] : memref<86x96xi32, #tpu.memory_space<vmem>> -> memref<86x96xi32, #tpu.memory_space<vmem>>
        %dma_start3A_61 = arith.constant 0 : i32
        %dma_start3A_62 = tpu.memref_slice %arg3[%add3A_36, %dma_start3A_61] : memref<3392x96xi32, #tpu.memory_space<hbm>> -> memref<86x96xi32, #tpu.memory_space<hbm>>
        %dma_start3A_63 = arith.constant 0 : i32
        %dma_start3A_64 = arith.constant 0 : i32
        %dma_start3A_65 = tpu.memref_slice %arg7[%dma_start3A_63, %dma_start3A_64] : memref<86x96xi32, #tpu.memory_space<vmem>> -> memref<86x96xi32, #tpu.memory_space<vmem>>
        %dma_start3A_66 = arith.constant 0 : i32
        %dma_start3A_67 = tpu.memref_slice %arg3[%add3A_36, %dma_start3A_66] : memref<3392x96xi32, #tpu.memory_space<hbm>> -> memref<86x96xi32, #tpu.memory_space<hbm>>
        tpu.enqueue_dma source(%dma_start3A_67 : memref<86x96xi32, #tpu.memory_space<hbm>>) target(%dma_start3A_65 : memref<86x96xi32, #tpu.memory_space<vmem>>) target_semaphore(%run_scoped3A : memref<!tpu.dma_semaphore, #tpu.memory_space<semaphore_mem>>)
        %dma_wait3A_68 = arith.constant 0 : i32
        %dma_wait3A_69 = arith.constant 0 : i32
        %dma_wait3A_70 = tpu.memref_slice %arg7[%dma_wait3A_68, %dma_wait3A_69] : memref<86x96xi32, #tpu.memory_space<vmem>> -> memref<86x96xi32, #tpu.memory_space<vmem>>
        %dma_wait3A_71 = arith.constant 0 : i32
        %dma_wait3A_72 = tpu.memref_slice %arg3[%add3A_36, %dma_wait3A_71] : memref<3392x96xi32, #tpu.memory_space<hbm>> -> memref<86x96xi32, #tpu.memory_space<hbm>>
        %dma_wait3A_73 = arith.constant 0 : i32
        %dma_wait3A_74 = arith.constant 0 : i32
        %dma_wait3A_75 = tpu.memref_slice %arg7[%dma_wait3A_73, %dma_wait3A_74] : memref<86x96xi32, #tpu.memory_space<vmem>> -> memref<86x96xi32, #tpu.memory_space<vmem>>
        %dma_wait3A_76 = arith.constant 0 : i32
        %dma_wait3A_77 = tpu.memref_slice %arg3[%add3A_36, %dma_wait3A_76] : memref<3392x96xi32, #tpu.memory_space<hbm>> -> memref<86x96xi32, #tpu.memory_space<hbm>>
        tpu.wait_dma2 semaphore(%run_scoped3A : memref<!tpu.dma_semaphore, #tpu.memory_space<semaphore_mem>>) src(%dma_wait3A_77 : memref<86x96xi32, #tpu.memory_space<hbm>>) dst(%dma_wait3A_75 : memref<86x96xi32, #tpu.memory_space<vmem>>)
        tpu.yield
      }) : () -> ()
      "tpu.region"() ({
        %run_scoped3A = tpu.sem_alloc : memref<!tpu.dma_semaphore, #tpu.memory_space<semaphore_mem>>
        %dma_start3A_58 = arith.constant 0 : i32
        %dma_start3A_59 = arith.constant 0 : i32
        %dma_start3A_60 = tpu.memref_slice %arg8[%dma_start3A_58, %dma_start3A_59] : memref<86x96xi32, #tpu.memory_space<vmem>> -> memref<86x96xi32, #tpu.memory_space<vmem>>
        %dma_start3A_61 = arith.constant 0 : i32
        %dma_start3A_62 = tpu.memref_slice %arg4[%add3A_36, %dma_start3A_61] : memref<3392x96xi32, #tpu.memory_space<hbm>> -> memref<86x96xi32, #tpu.memory_space<hbm>>
        %dma_start3A_63 = arith.constant 0 : i32
        %dma_start3A_64 = arith.constant 0 : i32
        %dma_start3A_65 = tpu.memref_slice %arg8[%dma_start3A_63, %dma_start3A_64] : memref<86x96xi32, #tpu.memory_space<vmem>> -> memref<86x96xi32, #tpu.memory_space<vmem>>
        %dma_start3A_66 = arith.constant 0 : i32
        %dma_start3A_67 = tpu.memref_slice %arg4[%add3A_36, %dma_start3A_66] : memref<3392x96xi32, #tpu.memory_space<hbm>> -> memref<86x96xi32, #tpu.memory_space<hbm>>
        tpu.enqueue_dma source(%dma_start3A_67 : memref<86x96xi32, #tpu.memory_space<hbm>>) target(%dma_start3A_65 : memref<86x96xi32, #tpu.memory_space<vmem>>) target_semaphore(%run_scoped3A : memref<!tpu.dma_semaphore, #tpu.memory_space<semaphore_mem>>)
        %dma_wait3A_68 = arith.constant 0 : i32
        %dma_wait3A_69 = arith.constant 0 : i32
        %dma_wait3A_70 = tpu.memref_slice %arg8[%dma_wait3A_68, %dma_wait3A_69] : memref<86x96xi32, #tpu.memory_space<vmem>> -> memref<86x96xi32, #tpu.memory_space<vmem>>
        %dma_wait3A_71 = arith.constant 0 : i32
        %dma_wait3A_72 = tpu.memref_slice %arg4[%add3A_36, %dma_wait3A_71] : memref<3392x96xi32, #tpu.memory_space<hbm>> -> memref<86x96xi32, #tpu.memory_space<hbm>>
        %dma_wait3A_73 = arith.constant 0 : i32
        %dma_wait3A_74 = arith.constant 0 : i32
        %dma_wait3A_75 = tpu.memref_slice %arg8[%dma_wait3A_73, %dma_wait3A_74] : memref<86x96xi32, #tpu.memory_space<vmem>> -> memref<86x96xi32, #tpu.memory_space<vmem>>
        %dma_wait3A_76 = arith.constant 0 : i32
        %dma_wait3A_77 = tpu.memref_slice %arg4[%add3A_36, %dma_wait3A_76] : memref<3392x96xi32, #tpu.memory_space<hbm>> -> memref<86x96xi32, #tpu.memory_space<hbm>>
        tpu.wait_dma2 semaphore(%run_scoped3A : memref<!tpu.dma_semaphore, #tpu.memory_space<semaphore_mem>>) src(%dma_wait3A_77 : memref<86x96xi32, #tpu.memory_space<hbm>>) dst(%dma_wait3A_75 : memref<86x96xi32, #tpu.memory_space<vmem>>)
        tpu.yield
      }) : () -> ()
      %dma_start3A_37 = arith.constant 0 : i32
      %dma_start3A_38 = arith.constant 0 : i32
      %dma_start3A_39 = tpu.memref_slice %arg7[%dma_start3A_37, %dma_start3A_38] : memref<86x96xi32, #tpu.memory_space<vmem>> -> memref<1x96xi32, #tpu.memory_space<vmem>>
      %dma_start3A_40 = tpu.memref_squeeze %dma_start3A_39 : memref<1x96xi32, #tpu.memory_space<vmem>> -> memref<96xi32, #tpu.memory_space<vmem>>
      %dma_start3A_41 = arith.constant 0 : i32
      %dma_start3A_42 = arith.constant 0 : i32
      %dma_start3A_43 = tpu.memref_slice %arg2[%dma_start3A_41, %dma_start3A_42] : memref<10000x128xbf16, #tpu.memory_space<hbm>> -> memref<10000x128xbf16, #tpu.memory_space<hbm>>
      tpu.enqueue_indirect_dma source(%dma_start3A_43 : memref<10000x128xbf16, #tpu.memory_space<hbm>>) target(%arg9 : memref<96x128xbf16, #tpu.memory_space<vmem>>) offsets(%dma_start3A_40 : memref<96xi32, #tpu.memory_space<vmem>>) semaphore(%arg12 : memref<!tpu.dma_semaphore, #tpu.memory_space<semaphore_mem>>)
      %scan3A_44 = arith.constant 0 : i32
      %scan3A_45 = arith.constant 0 : i32
      %scan3A_46 = arith.constant 43 : i32
      %scan3A_47 = arith.addi %scan3A_45, %scan3A_46 : i32
      %scan3A_48 = arith.constant 1 : i32
      %scan3A_49 = scf.for %scan3A_58 = %scan3A_45 to %scan3A_47 step %scan3A_48 iter_args(%scan3A_59 = %scan3A_44) -> (i32)  : i32 {
        %mul3A_60 = arith.constant 2 : i32
        %mul3A_61 = arith.muli %mul3A_60, %scan3A_58 : i32
        %ge3A = arith.constant 1 : i32
        %ge3A_62 = arith.cmpi sge, %mul3A_61, %ge3A : i32
        %convert_element_type3A_63 = arith.extui %ge3A_62 : i1 to i32
        %cond3A_64 = arith.constant 0 : i32
        %cond3A_65 = arith.cmpi ne, %convert_element_type3A_63, %cond3A_64 : i32
        scf.if %cond3A_65 {
          %sub3A = arith.constant 1 : i32
          %sub3A_113 = arith.subi %mul3A_61, %sub3A : i32
          %dma_wait3A_114 = arith.constant 0 : i32
          %dma_wait3A_115 = tpu.memref_slice %arg8[%sub3A_113, %dma_wait3A_114] : memref<86x96xi32, #tpu.memory_space<vmem>> -> memref<1x96xi32, #tpu.memory_space<vmem>>
          %dma_wait3A_116 = tpu.memref_squeeze %dma_wait3A_115 : memref<1x96xi32, #tpu.memory_space<vmem>> -> memref<96xi32, #tpu.memory_space<vmem>>
          %dma_wait3A_117 = arith.constant 0 : i32
          %dma_wait3A_118 = arith.constant 0 : i32
          %dma_wait3A_119 = tpu.memref_slice %arg11[%dma_wait3A_117, %dma_wait3A_118] : memref<20480x128xbf16, #tpu.memory_space<vmem_shared>> -> memref<20480x128xbf16, #tpu.memory_space<vmem_shared>>
          tpu.wait_indirect_dma semaphore(%arg13 : memref<!tpu.dma_semaphore, #tpu.memory_space<semaphore_mem>>) src(%arg10 : memref<96x128xbf16, #tpu.memory_space<vmem>>) dst(%dma_wait3A_119 : memref<20480x128xbf16, #tpu.memory_space<vmem_shared>>)
        } else {
        }
        %add3A_66 = arith.constant 1 : i32
        %add3A_67 = arith.addi %mul3A_61, %add3A_66 : i32
        %lt3A = arith.constant 86 : i32
        %lt3A_68 = arith.cmpi slt, %add3A_67, %lt3A : i32
        %convert_element_type3A_69 = arith.extui %lt3A_68 : i1 to i32
        %cond3A_70 = arith.constant 0 : i32
        %cond3A_71 = arith.cmpi ne, %convert_element_type3A_69, %cond3A_70 : i32
        scf.if %cond3A_71 {
          %add3A_113 = arith.constant 1 : i32
          %add3A_114 = arith.addi %mul3A_61, %add3A_113 : i32
          %dma_start3A_115 = arith.constant 0 : i32
          %dma_start3A_116 = tpu.memref_slice %arg7[%add3A_114, %dma_start3A_115] : memref<86x96xi32, #tpu.memory_space<vmem>> -> memref<1x96xi32, #tpu.memory_space<vmem>>
          %dma_start3A_117 = tpu.memref_squeeze %dma_start3A_116 : memref<1x96xi32, #tpu.memory_space<vmem>> -> memref<96xi32, #tpu.memory_space<vmem>>
          %dma_start3A_118 = arith.constant 0 : i32
          %dma_start3A_119 = arith.constant 0 : i32
          %dma_start3A_120 = tpu.memref_slice %arg2[%dma_start3A_118, %dma_start3A_119] : memref<10000x128xbf16, #tpu.memory_space<hbm>> -> memref<10000x128xbf16, #tpu.memory_space<hbm>>
          tpu.enqueue_indirect_dma source(%dma_start3A_120 : memref<10000x128xbf16, #tpu.memory_space<hbm>>) target(%arg10 : memref<96x128xbf16, #tpu.memory_space<vmem>>) offsets(%dma_start3A_117 : memref<96xi32, #tpu.memory_space<vmem>>) semaphore(%arg12 : memref<!tpu.dma_semaphore, #tpu.memory_space<semaphore_mem>>)
        } else {
        }
        %dma_wait3A_72 = arith.constant 0 : i32
        %dma_wait3A_73 = tpu.memref_slice %arg7[%mul3A_61, %dma_wait3A_72] : memref<86x96xi32, #tpu.memory_space<vmem>> -> memref<1x96xi32, #tpu.memory_space<vmem>>
        %dma_wait3A_74 = tpu.memref_squeeze %dma_wait3A_73 : memref<1x96xi32, #tpu.memory_space<vmem>> -> memref<96xi32, #tpu.memory_space<vmem>>
        %dma_wait3A_75 = arith.constant 0 : i32
        %dma_wait3A_76 = arith.constant 0 : i32
        %dma_wait3A_77 = tpu.memref_slice %arg2[%dma_wait3A_75, %dma_wait3A_76] : memref<10000x128xbf16, #tpu.memory_space<hbm>> -> memref<10000x128xbf16, #tpu.memory_space<hbm>>
        tpu.wait_indirect_dma semaphore(%arg12 : memref<!tpu.dma_semaphore, #tpu.memory_space<semaphore_mem>>) src(%dma_wait3A_77 : memref<10000x128xbf16, #tpu.memory_space<hbm>>) dst(%arg9 : memref<96x128xbf16, #tpu.memory_space<vmem>>)
        %dma_start3A_78 = arith.constant 0 : i32
        %dma_start3A_79 = tpu.memref_slice %arg8[%mul3A_61, %dma_start3A_78] : memref<86x96xi32, #tpu.memory_space<vmem>> -> memref<1x96xi32, #tpu.memory_space<vmem>>
        %dma_start3A_80 = tpu.memref_squeeze %dma_start3A_79 : memref<1x96xi32, #tpu.memory_space<vmem>> -> memref<96xi32, #tpu.memory_space<vmem>>
        %dma_start3A_81 = arith.constant 0 : i32
        %dma_start3A_82 = arith.constant 0 : i32
        %dma_start3A_83 = tpu.memref_slice %arg11[%dma_start3A_81, %dma_start3A_82] : memref<20480x128xbf16, #tpu.memory_space<vmem_shared>> -> memref<20480x128xbf16, #tpu.memory_space<vmem_shared>>
        tpu.enqueue_indirect_dma source(%arg9 : memref<96x128xbf16, #tpu.memory_space<vmem>>) target(%dma_start3A_83 : memref<20480x128xbf16, #tpu.memory_space<vmem_shared>>) offsets(%dma_start3A_80 : memref<96xi32, #tpu.memory_space<vmem>>) semaphore(%arg13 : memref<!tpu.dma_semaphore, #tpu.memory_space<semaphore_mem>>) {add = true}
        %mul3A_84 = arith.constant 2 : i32
        %mul3A_85 = arith.muli %mul3A_84, %scan3A_58 : i32
        %add3A_86 = arith.constant 1 : i32
        %add3A_87 = arith.addi %mul3A_85, %add3A_86 : i32
        %ge3A_88 = arith.constant 1 : i32
        %ge3A_89 = arith.cmpi sge, %add3A_87, %ge3A_88 : i32
        %convert_element_type3A_90 = arith.extui %ge3A_89 : i1 to i32
        %cond3A_91 = arith.constant 0 : i32
        %cond3A_92 = arith.cmpi ne, %convert_element_type3A_90, %cond3A_91 : i32
        scf.if %cond3A_92 {
          %sub3A = arith.constant 1 : i32
          %sub3A_113 = arith.subi %add3A_87, %sub3A : i32
          %dma_wait3A_114 = arith.constant 0 : i32
          %dma_wait3A_115 = tpu.memref_slice %arg8[%sub3A_113, %dma_wait3A_114] : memref<86x96xi32, #tpu.memory_space<vmem>> -> memref<1x96xi32, #tpu.memory_space<vmem>>
          %dma_wait3A_116 = tpu.memref_squeeze %dma_wait3A_115 : memref<1x96xi32, #tpu.memory_space<vmem>> -> memref<96xi32, #tpu.memory_space<vmem>>
          %dma_wait3A_117 = arith.constant 0 : i32
          %dma_wait3A_118 = arith.constant 0 : i32
          %dma_wait3A_119 = tpu.memref_slice %arg11[%dma_wait3A_117, %dma_wait3A_118] : memref<20480x128xbf16, #tpu.memory_space<vmem_shared>> -> memref<20480x128xbf16, #tpu.memory_space<vmem_shared>>
          tpu.wait_indirect_dma semaphore(%arg13 : memref<!tpu.dma_semaphore, #tpu.memory_space<semaphore_mem>>) src(%arg9 : memref<96x128xbf16, #tpu.memory_space<vmem>>) dst(%dma_wait3A_119 : memref<20480x128xbf16, #tpu.memory_space<vmem_shared>>)
        } else {
        }
        %add3A_93 = arith.constant 1 : i32
        %add3A_94 = arith.addi %add3A_87, %add3A_93 : i32
        %lt3A_95 = arith.constant 86 : i32
        %lt3A_96 = arith.cmpi slt, %add3A_94, %lt3A_95 : i32
        %convert_element_type3A_97 = arith.extui %lt3A_96 : i1 to i32
        %cond3A_98 = arith.constant 0 : i32
        %cond3A_99 = arith.cmpi ne, %convert_element_type3A_97, %cond3A_98 : i32
        scf.if %cond3A_99 {
          %add3A_113 = arith.constant 1 : i32
          %add3A_114 = arith.addi %add3A_87, %add3A_113 : i32
          %dma_start3A_115 = arith.constant 0 : i32
          %dma_start3A_116 = tpu.memref_slice %arg7[%add3A_114, %dma_start3A_115] : memref<86x96xi32, #tpu.memory_space<vmem>> -> memref<1x96xi32, #tpu.memory_space<vmem>>
          %dma_start3A_117 = tpu.memref_squeeze %dma_start3A_116 : memref<1x96xi32, #tpu.memory_space<vmem>> -> memref<96xi32, #tpu.memory_space<vmem>>
          %dma_start3A_118 = arith.constant 0 : i32
          %dma_start3A_119 = arith.constant 0 : i32
          %dma_start3A_120 = tpu.memref_slice %arg2[%dma_start3A_118, %dma_start3A_119] : memref<10000x128xbf16, #tpu.memory_space<hbm>> -> memref<10000x128xbf16, #tpu.memory_space<hbm>>
          tpu.enqueue_indirect_dma source(%dma_start3A_120 : memref<10000x128xbf16, #tpu.memory_space<hbm>>) target(%arg9 : memref<96x128xbf16, #tpu.memory_space<vmem>>) offsets(%dma_start3A_117 : memref<96xi32, #tpu.memory_space<vmem>>) semaphore(%arg12 : memref<!tpu.dma_semaphore, #tpu.memory_space<semaphore_mem>>)
        } else {
        }
        %dma_wait3A_100 = arith.constant 0 : i32
        %dma_wait3A_101 = tpu.memref_slice %arg7[%add3A_87, %dma_wait3A_100] : memref<86x96xi32, #tpu.memory_space<vmem>> -> memref<1x96xi32, #tpu.memory_space<vmem>>
        %dma_wait3A_102 = tpu.memref_squeeze %dma_wait3A_101 : memref<1x96xi32, #tpu.memory_space<vmem>> -> memref<96xi32, #tpu.memory_space<vmem>>
        %dma_wait3A_103 = arith.constant 0 : i32
        %dma_wait3A_104 = arith.constant 0 : i32
        %dma_wait3A_105 = tpu.memref_slice %arg2[%dma_wait3A_103, %dma_wait3A_104] : memref<10000x128xbf16, #tpu.memory_space<hbm>> -> memref<10000x128xbf16, #tpu.memory_space<hbm>>
        tpu.wait_indirect_dma semaphore(%arg12 : memref<!tpu.dma_semaphore, #tpu.memory_space<semaphore_mem>>) src(%dma_wait3A_105 : memref<10000x128xbf16, #tpu.memory_space<hbm>>) dst(%arg10 : memref<96x128xbf16, #tpu.memory_space<vmem>>)
        %dma_start3A_106 = arith.constant 0 : i32
        %dma_start3A_107 = tpu.memref_slice %arg8[%add3A_87, %dma_start3A_106] : memref<86x96xi32, #tpu.memory_space<vmem>> -> memref<1x96xi32, #tpu.memory_space<vmem>>
        %dma_start3A_108 = tpu.memref_squeeze %dma_start3A_107 : memref<1x96xi32, #tpu.memory_space<vmem>> -> memref<96xi32, #tpu.memory_space<vmem>>
        %dma_start3A_109 = arith.constant 0 : i32
        %dma_start3A_110 = arith.constant 0 : i32
        %dma_start3A_111 = tpu.memref_slice %arg11[%dma_start3A_109, %dma_start3A_110] : memref<20480x128xbf16, #tpu.memory_space<vmem_shared>> -> memref<20480x128xbf16, #tpu.memory_space<vmem_shared>>
        tpu.enqueue_indirect_dma source(%arg10 : memref<96x128xbf16, #tpu.memory_space<vmem>>) target(%dma_start3A_111 : memref<20480x128xbf16, #tpu.memory_space<vmem_shared>>) offsets(%dma_start3A_108 : memref<96xi32, #tpu.memory_space<vmem>>) semaphore(%arg13 : memref<!tpu.dma_semaphore, #tpu.memory_space<semaphore_mem>>) {add = true}
        %scan3A_112 = arith.constant 0 : i32
        scf.yield %scan3A_112 : i32
      }
      %scan3A_50 = arith.constant 43 : i32
      %dma_wait3A_51 = arith.constant 85 : i32
      %dma_wait3A_52 = arith.constant 0 : i32
      %dma_wait3A_53 = tpu.memref_slice %arg8[%dma_wait3A_51, %dma_wait3A_52] : memref<86x96xi32, #tpu.memory_space<vmem>> -> memref<1x96xi32, #tpu.memory_space<vmem>>
      %dma_wait3A_54 = tpu.memref_squeeze %dma_wait3A_53 : memref<1x96xi32, #tpu.memory_space<vmem>> -> memref<96xi32, #tpu.memory_space<vmem>>
      %dma_wait3A_55 = arith.constant 0 : i32
      %dma_wait3A_56 = arith.constant 0 : i32
      %dma_wait3A_57 = tpu.memref_slice %arg11[%dma_wait3A_55, %dma_wait3A_56] : memref<20480x128xbf16, #tpu.memory_space<vmem_shared>> -> memref<20480x128xbf16, #tpu.memory_space<vmem_shared>>
      tpu.wait_indirect_dma semaphore(%arg13 : memref<!tpu.dma_semaphore, #tpu.memory_space<semaphore_mem>>) src(%arg10 : memref<96x128xbf16, #tpu.memory_space<vmem>>) dst(%dma_wait3A_57 : memref<20480x128xbf16, #tpu.memory_space<vmem_shared>>)
    } else {
    }
    %ne3A = arith.constant 0 : i32
    %ne3A_4 = arith.cmpi ne, %arg0, %ne3A : i32
    %convert_element_type3A_5 = arith.extui %ne3A_4 : i1 to i32
    %cond3A_6 = arith.constant 0 : i32
    %cond3A_7 = arith.cmpi ne, %convert_element_type3A_5, %cond3A_6 : i32
    scf.if %cond3A_7 {
      %mul3A_13 = arith.constant 40 : i32
      %mul3A_14 = arith.muli %arg1, %mul3A_13 : i32
      %add3A_15 = arith.constant 2752 : i32
      %add3A_16 = arith.addi %add3A_15, %mul3A_14 : i32
      "tpu.region"() ({
        %run_scoped3A = tpu.sem_alloc : memref<!tpu.dma_semaphore, #tpu.memory_space<semaphore_mem>>
        %dma_start3A_35 = arith.constant 0 : i32
        %dma_start3A_36 = arith.constant 0 : i32
        %dma_start3A_37 = tpu.memref_slice %arg7[%dma_start3A_35, %dma_start3A_36] : memref<86x96xi32, #tpu.memory_space<vmem>> -> memref<40x96xi32, #tpu.memory_space<vmem>>
        %dma_start3A_38 = arith.constant 0 : i32
        %dma_start3A_39 = tpu.memref_slice %arg3[%add3A_16, %dma_start3A_38] : memref<3392x96xi32, #tpu.memory_space<hbm>> -> memref<40x96xi32, #tpu.memory_space<hbm>>
        %dma_start3A_40 = arith.constant 0 : i32
        %dma_start3A_41 = arith.constant 0 : i32
        %dma_start3A_42 = tpu.memref_slice %arg7[%dma_start3A_40, %dma_start3A_41] : memref<86x96xi32, #tpu.memory_space<vmem>> -> memref<40x96xi32, #tpu.memory_space<vmem>>
        %dma_start3A_43 = arith.constant 0 : i32
        %dma_start3A_44 = tpu.memref_slice %arg3[%add3A_16, %dma_start3A_43] : memref<3392x96xi32, #tpu.memory_space<hbm>> -> memref<40x96xi32, #tpu.memory_space<hbm>>
        tpu.enqueue_dma source(%dma_start3A_44 : memref<40x96xi32, #tpu.memory_space<hbm>>) target(%dma_start3A_42 : memref<40x96xi32, #tpu.memory_space<vmem>>) target_semaphore(%run_scoped3A : memref<!tpu.dma_semaphore, #tpu.memory_space<semaphore_mem>>)
        %dma_wait3A_45 = arith.constant 0 : i32
        %dma_wait3A_46 = arith.constant 0 : i32
        %dma_wait3A_47 = tpu.memref_slice %arg7[%dma_wait3A_45, %dma_wait3A_46] : memref<86x96xi32, #tpu.memory_space<vmem>> -> memref<40x96xi32, #tpu.memory_space<vmem>>
        %dma_wait3A_48 = arith.constant 0 : i32
        %dma_wait3A_49 = tpu.memref_slice %arg3[%add3A_16, %dma_wait3A_48] : memref<3392x96xi32, #tpu.memory_space<hbm>> -> memref<40x96xi32, #tpu.memory_space<hbm>>
        %dma_wait3A_50 = arith.constant 0 : i32
        %dma_wait3A_51 = arith.constant 0 : i32
        %dma_wait3A_52 = tpu.memref_slice %arg7[%dma_wait3A_50, %dma_wait3A_51] : memref<86x96xi32, #tpu.memory_space<vmem>> -> memref<40x96xi32, #tpu.memory_space<vmem>>
        %dma_wait3A_53 = arith.constant 0 : i32
        %dma_wait3A_54 = tpu.memref_slice %arg3[%add3A_16, %dma_wait3A_53] : memref<3392x96xi32, #tpu.memory_space<hbm>> -> memref<40x96xi32, #tpu.memory_space<hbm>>
        tpu.wait_dma2 semaphore(%run_scoped3A : memref<!tpu.dma_semaphore, #tpu.memory_space<semaphore_mem>>) src(%dma_wait3A_54 : memref<40x96xi32, #tpu.memory_space<hbm>>) dst(%dma_wait3A_52 : memref<40x96xi32, #tpu.memory_space<vmem>>)
        tpu.yield
      }) : () -> ()
      "tpu.region"() ({
        %run_scoped3A = tpu.sem_alloc : memref<!tpu.dma_semaphore, #tpu.memory_space<semaphore_mem>>
        %dma_start3A_35 = arith.constant 0 : i32
        %dma_start3A_36 = arith.constant 0 : i32
        %dma_start3A_37 = tpu.memref_slice %arg8[%dma_start3A_35, %dma_start3A_36] : memref<86x96xi32, #tpu.memory_space<vmem>> -> memref<40x96xi32, #tpu.memory_space<vmem>>
        %dma_start3A_38 = arith.constant 0 : i32
        %dma_start3A_39 = tpu.memref_slice %arg4[%add3A_16, %dma_start3A_38] : memref<3392x96xi32, #tpu.memory_space<hbm>> -> memref<40x96xi32, #tpu.memory_space<hbm>>
        %dma_start3A_40 = arith.constant 0 : i32
        %dma_start3A_41 = arith.constant 0 : i32
        %dma_start3A_42 = tpu.memref_slice %arg8[%dma_start3A_40, %dma_start3A_41] : memref<86x96xi32, #tpu.memory_space<vmem>> -> memref<40x96xi32, #tpu.memory_space<vmem>>
        %dma_start3A_43 = arith.constant 0 : i32
        %dma_start3A_44 = tpu.memref_slice %arg4[%add3A_16, %dma_start3A_43] : memref<3392x96xi32, #tpu.memory_space<hbm>> -> memref<40x96xi32, #tpu.memory_space<hbm>>
        tpu.enqueue_dma source(%dma_start3A_44 : memref<40x96xi32, #tpu.memory_space<hbm>>) target(%dma_start3A_42 : memref<40x96xi32, #tpu.memory_space<vmem>>) target_semaphore(%run_scoped3A : memref<!tpu.dma_semaphore, #tpu.memory_space<semaphore_mem>>)
        %dma_wait3A_45 = arith.constant 0 : i32
        %dma_wait3A_46 = arith.constant 0 : i32
        %dma_wait3A_47 = tpu.memref_slice %arg8[%dma_wait3A_45, %dma_wait3A_46] : memref<86x96xi32, #tpu.memory_space<vmem>> -> memref<40x96xi32, #tpu.memory_space<vmem>>
        %dma_wait3A_48 = arith.constant 0 : i32
        %dma_wait3A_49 = tpu.memref_slice %arg4[%add3A_16, %dma_wait3A_48] : memref<3392x96xi32, #tpu.memory_space<hbm>> -> memref<40x96xi32, #tpu.memory_space<hbm>>
        %dma_wait3A_50 = arith.constant 0 : i32
        %dma_wait3A_51 = arith.constant 0 : i32
        %dma_wait3A_52 = tpu.memref_slice %arg8[%dma_wait3A_50, %dma_wait3A_51] : memref<86x96xi32, #tpu.memory_space<vmem>> -> memref<40x96xi32, #tpu.memory_space<vmem>>
        %dma_wait3A_53 = arith.constant 0 : i32
        %dma_wait3A_54 = tpu.memref_slice %arg4[%add3A_16, %dma_wait3A_53] : memref<3392x96xi32, #tpu.memory_space<hbm>> -> memref<40x96xi32, #tpu.memory_space<hbm>>
        tpu.wait_dma2 semaphore(%run_scoped3A : memref<!tpu.dma_semaphore, #tpu.memory_space<semaphore_mem>>) src(%dma_wait3A_54 : memref<40x96xi32, #tpu.memory_space<hbm>>) dst(%dma_wait3A_52 : memref<40x96xi32, #tpu.memory_space<vmem>>)
        tpu.yield
      }) : () -> ()
      %dma_start3A = arith.constant 0 : i32
      %dma_start3A_17 = arith.constant 0 : i32
      %dma_start3A_18 = tpu.memref_slice %arg7[%dma_start3A, %dma_start3A_17] : memref<86x96xi32, #tpu.memory_space<vmem>> -> memref<1x96xi32, #tpu.memory_space<vmem>>
      %dma_start3A_19 = tpu.memref_squeeze %dma_start3A_18 : memref<1x96xi32, #tpu.memory_space<vmem>> -> memref<96xi32, #tpu.memory_space<vmem>>
      %dma_start3A_20 = arith.constant 0 : i32
      %dma_start3A_21 = arith.constant 0 : i32
      %dma_start3A_22 = tpu.memref_slice %arg2[%dma_start3A_20, %dma_start3A_21] : memref<10000x128xbf16, #tpu.memory_space<hbm>> -> memref<10000x128xbf16, #tpu.memory_space<hbm>>
      tpu.enqueue_indirect_dma source(%dma_start3A_22 : memref<10000x128xbf16, #tpu.memory_space<hbm>>) target(%arg9 : memref<96x128xbf16, #tpu.memory_space<vmem>>) offsets(%dma_start3A_19 : memref<96xi32, #tpu.memory_space<vmem>>) semaphore(%arg12 : memref<!tpu.dma_semaphore, #tpu.memory_space<semaphore_mem>>)
      %scan3A = arith.constant 0 : i32
      %scan3A_23 = arith.constant 0 : i32
      %scan3A_24 = arith.constant 20 : i32
      %scan3A_25 = arith.addi %scan3A_23, %scan3A_24 : i32
      %scan3A_26 = arith.constant 1 : i32
      %scan3A_27 = scf.for %scan3A_35 = %scan3A_23 to %scan3A_25 step %scan3A_26 iter_args(%scan3A_36 = %scan3A) -> (i32)  : i32 {
        %mul3A_37 = arith.constant 2 : i32
        %mul3A_38 = arith.muli %mul3A_37, %scan3A_35 : i32
        %ge3A = arith.constant 1 : i32
        %ge3A_39 = arith.cmpi sge, %mul3A_38, %ge3A : i32
        %convert_element_type3A_40 = arith.extui %ge3A_39 : i1 to i32
        %cond3A_41 = arith.constant 0 : i32
        %cond3A_42 = arith.cmpi ne, %convert_element_type3A_40, %cond3A_41 : i32
        scf.if %cond3A_42 {
          %sub3A = arith.constant 1 : i32
          %sub3A_90 = arith.subi %mul3A_38, %sub3A : i32
          %dma_wait3A_91 = arith.constant 0 : i32
          %dma_wait3A_92 = tpu.memref_slice %arg8[%sub3A_90, %dma_wait3A_91] : memref<86x96xi32, #tpu.memory_space<vmem>> -> memref<1x96xi32, #tpu.memory_space<vmem>>
          %dma_wait3A_93 = tpu.memref_squeeze %dma_wait3A_92 : memref<1x96xi32, #tpu.memory_space<vmem>> -> memref<96xi32, #tpu.memory_space<vmem>>
          %dma_wait3A_94 = arith.constant 0 : i32
          %dma_wait3A_95 = arith.constant 0 : i32
          %dma_wait3A_96 = tpu.memref_slice %arg11[%dma_wait3A_94, %dma_wait3A_95] : memref<20480x128xbf16, #tpu.memory_space<vmem_shared>> -> memref<20480x128xbf16, #tpu.memory_space<vmem_shared>>
          tpu.wait_indirect_dma semaphore(%arg13 : memref<!tpu.dma_semaphore, #tpu.memory_space<semaphore_mem>>) src(%arg10 : memref<96x128xbf16, #tpu.memory_space<vmem>>) dst(%dma_wait3A_96 : memref<20480x128xbf16, #tpu.memory_space<vmem_shared>>)
        } else {
        }
        %add3A_43 = arith.constant 1 : i32
        %add3A_44 = arith.addi %mul3A_38, %add3A_43 : i32
        %lt3A = arith.constant 40 : i32
        %lt3A_45 = arith.cmpi slt, %add3A_44, %lt3A : i32
        %convert_element_type3A_46 = arith.extui %lt3A_45 : i1 to i32
        %cond3A_47 = arith.constant 0 : i32
        %cond3A_48 = arith.cmpi ne, %convert_element_type3A_46, %cond3A_47 : i32
        scf.if %cond3A_48 {
          %add3A_90 = arith.constant 1 : i32
          %add3A_91 = arith.addi %mul3A_38, %add3A_90 : i32
          %dma_start3A_92 = arith.constant 0 : i32
          %dma_start3A_93 = tpu.memref_slice %arg7[%add3A_91, %dma_start3A_92] : memref<86x96xi32, #tpu.memory_space<vmem>> -> memref<1x96xi32, #tpu.memory_space<vmem>>
          %dma_start3A_94 = tpu.memref_squeeze %dma_start3A_93 : memref<1x96xi32, #tpu.memory_space<vmem>> -> memref<96xi32, #tpu.memory_space<vmem>>
          %dma_start3A_95 = arith.constant 0 : i32
          %dma_start3A_96 = arith.constant 0 : i32
          %dma_start3A_97 = tpu.memref_slice %arg2[%dma_start3A_95, %dma_start3A_96] : memref<10000x128xbf16, #tpu.memory_space<hbm>> -> memref<10000x128xbf16, #tpu.memory_space<hbm>>
          tpu.enqueue_indirect_dma source(%dma_start3A_97 : memref<10000x128xbf16, #tpu.memory_space<hbm>>) target(%arg10 : memref<96x128xbf16, #tpu.memory_space<vmem>>) offsets(%dma_start3A_94 : memref<96xi32, #tpu.memory_space<vmem>>) semaphore(%arg12 : memref<!tpu.dma_semaphore, #tpu.memory_space<semaphore_mem>>)
        } else {
        }
        %dma_wait3A_49 = arith.constant 0 : i32
        %dma_wait3A_50 = tpu.memref_slice %arg7[%mul3A_38, %dma_wait3A_49] : memref<86x96xi32, #tpu.memory_space<vmem>> -> memref<1x96xi32, #tpu.memory_space<vmem>>
        %dma_wait3A_51 = tpu.memref_squeeze %dma_wait3A_50 : memref<1x96xi32, #tpu.memory_space<vmem>> -> memref<96xi32, #tpu.memory_space<vmem>>
        %dma_wait3A_52 = arith.constant 0 : i32
        %dma_wait3A_53 = arith.constant 0 : i32
        %dma_wait3A_54 = tpu.memref_slice %arg2[%dma_wait3A_52, %dma_wait3A_53] : memref<10000x128xbf16, #tpu.memory_space<hbm>> -> memref<10000x128xbf16, #tpu.memory_space<hbm>>
        tpu.wait_indirect_dma semaphore(%arg12 : memref<!tpu.dma_semaphore, #tpu.memory_space<semaphore_mem>>) src(%dma_wait3A_54 : memref<10000x128xbf16, #tpu.memory_space<hbm>>) dst(%arg9 : memref<96x128xbf16, #tpu.memory_space<vmem>>)
        %dma_start3A_55 = arith.constant 0 : i32
        %dma_start3A_56 = tpu.memref_slice %arg8[%mul3A_38, %dma_start3A_55] : memref<86x96xi32, #tpu.memory_space<vmem>> -> memref<1x96xi32, #tpu.memory_space<vmem>>
        %dma_start3A_57 = tpu.memref_squeeze %dma_start3A_56 : memref<1x96xi32, #tpu.memory_space<vmem>> -> memref<96xi32, #tpu.memory_space<vmem>>
        %dma_start3A_58 = arith.constant 0 : i32
        %dma_start3A_59 = arith.constant 0 : i32
        %dma_start3A_60 = tpu.memref_slice %arg11[%dma_start3A_58, %dma_start3A_59] : memref<20480x128xbf16, #tpu.memory_space<vmem_shared>> -> memref<20480x128xbf16, #tpu.memory_space<vmem_shared>>
        tpu.enqueue_indirect_dma source(%arg9 : memref<96x128xbf16, #tpu.memory_space<vmem>>) target(%dma_start3A_60 : memref<20480x128xbf16, #tpu.memory_space<vmem_shared>>) offsets(%dma_start3A_57 : memref<96xi32, #tpu.memory_space<vmem>>) semaphore(%arg13 : memref<!tpu.dma_semaphore, #tpu.memory_space<semaphore_mem>>) {add = true}
        %mul3A_61 = arith.constant 2 : i32
        %mul3A_62 = arith.muli %mul3A_61, %scan3A_35 : i32
        %add3A_63 = arith.constant 1 : i32
        %add3A_64 = arith.addi %mul3A_62, %add3A_63 : i32
        %ge3A_65 = arith.constant 1 : i32
        %ge3A_66 = arith.cmpi sge, %add3A_64, %ge3A_65 : i32
        %convert_element_type3A_67 = arith.extui %ge3A_66 : i1 to i32
        %cond3A_68 = arith.constant 0 : i32
        %cond3A_69 = arith.cmpi ne, %convert_element_type3A_67, %cond3A_68 : i32
        scf.if %cond3A_69 {
          %sub3A = arith.constant 1 : i32
          %sub3A_90 = arith.subi %add3A_64, %sub3A : i32
          %dma_wait3A_91 = arith.constant 0 : i32
          %dma_wait3A_92 = tpu.memref_slice %arg8[%sub3A_90, %dma_wait3A_91] : memref<86x96xi32, #tpu.memory_space<vmem>> -> memref<1x96xi32, #tpu.memory_space<vmem>>
          %dma_wait3A_93 = tpu.memref_squeeze %dma_wait3A_92 : memref<1x96xi32, #tpu.memory_space<vmem>> -> memref<96xi32, #tpu.memory_space<vmem>>
          %dma_wait3A_94 = arith.constant 0 : i32
          %dma_wait3A_95 = arith.constant 0 : i32
          %dma_wait3A_96 = tpu.memref_slice %arg11[%dma_wait3A_94, %dma_wait3A_95] : memref<20480x128xbf16, #tpu.memory_space<vmem_shared>> -> memref<20480x128xbf16, #tpu.memory_space<vmem_shared>>
          tpu.wait_indirect_dma semaphore(%arg13 : memref<!tpu.dma_semaphore, #tpu.memory_space<semaphore_mem>>) src(%arg9 : memref<96x128xbf16, #tpu.memory_space<vmem>>) dst(%dma_wait3A_96 : memref<20480x128xbf16, #tpu.memory_space<vmem_shared>>)
        } else {
        }
        %add3A_70 = arith.constant 1 : i32
        %add3A_71 = arith.addi %add3A_64, %add3A_70 : i32
        %lt3A_72 = arith.constant 40 : i32
        %lt3A_73 = arith.cmpi slt, %add3A_71, %lt3A_72 : i32
        %convert_element_type3A_74 = arith.extui %lt3A_73 : i1 to i32
        %cond3A_75 = arith.constant 0 : i32
        %cond3A_76 = arith.cmpi ne, %convert_element_type3A_74, %cond3A_75 : i32
        scf.if %cond3A_76 {
          %add3A_90 = arith.constant 1 : i32
          %add3A_91 = arith.addi %add3A_64, %add3A_90 : i32
          %dma_start3A_92 = arith.constant 0 : i32
          %dma_start3A_93 = tpu.memref_slice %arg7[%add3A_91, %dma_start3A_92] : memref<86x96xi32, #tpu.memory_space<vmem>> -> memref<1x96xi32, #tpu.memory_space<vmem>>
          %dma_start3A_94 = tpu.memref_squeeze %dma_start3A_93 : memref<1x96xi32, #tpu.memory_space<vmem>> -> memref<96xi32, #tpu.memory_space<vmem>>
          %dma_start3A_95 = arith.constant 0 : i32
          %dma_start3A_96 = arith.constant 0 : i32
          %dma_start3A_97 = tpu.memref_slice %arg2[%dma_start3A_95, %dma_start3A_96] : memref<10000x128xbf16, #tpu.memory_space<hbm>> -> memref<10000x128xbf16, #tpu.memory_space<hbm>>
          tpu.enqueue_indirect_dma source(%dma_start3A_97 : memref<10000x128xbf16, #tpu.memory_space<hbm>>) target(%arg9 : memref<96x128xbf16, #tpu.memory_space<vmem>>) offsets(%dma_start3A_94 : memref<96xi32, #tpu.memory_space<vmem>>) semaphore(%arg12 : memref<!tpu.dma_semaphore, #tpu.memory_space<semaphore_mem>>)
        } else {
        }
        %dma_wait3A_77 = arith.constant 0 : i32
        %dma_wait3A_78 = tpu.memref_slice %arg7[%add3A_64, %dma_wait3A_77] : memref<86x96xi32, #tpu.memory_space<vmem>> -> memref<1x96xi32, #tpu.memory_space<vmem>>
        %dma_wait3A_79 = tpu.memref_squeeze %dma_wait3A_78 : memref<1x96xi32, #tpu.memory_space<vmem>> -> memref<96xi32, #tpu.memory_space<vmem>>
        %dma_wait3A_80 = arith.constant 0 : i32
        %dma_wait3A_81 = arith.constant 0 : i32
        %dma_wait3A_82 = tpu.memref_slice %arg2[%dma_wait3A_80, %dma_wait3A_81] : memref<10000x128xbf16, #tpu.memory_space<hbm>> -> memref<10000x128xbf16, #tpu.memory_space<hbm>>
        tpu.wait_indirect_dma semaphore(%arg12 : memref<!tpu.dma_semaphore, #tpu.memory_space<semaphore_mem>>) src(%dma_wait3A_82 : memref<10000x128xbf16, #tpu.memory_space<hbm>>) dst(%arg10 : memref<96x128xbf16, #tpu.memory_space<vmem>>)
        %dma_start3A_83 = arith.constant 0 : i32
        %dma_start3A_84 = tpu.memref_slice %arg8[%add3A_64, %dma_start3A_83] : memref<86x96xi32, #tpu.memory_space<vmem>> -> memref<1x96xi32, #tpu.memory_space<vmem>>
        %dma_start3A_85 = tpu.memref_squeeze %dma_start3A_84 : memref<1x96xi32, #tpu.memory_space<vmem>> -> memref<96xi32, #tpu.memory_space<vmem>>
        %dma_start3A_86 = arith.constant 0 : i32
        %dma_start3A_87 = arith.constant 0 : i32
        %dma_start3A_88 = tpu.memref_slice %arg11[%dma_start3A_86, %dma_start3A_87] : memref<20480x128xbf16, #tpu.memory_space<vmem_shared>> -> memref<20480x128xbf16, #tpu.memory_space<vmem_shared>>
        tpu.enqueue_indirect_dma source(%arg10 : memref<96x128xbf16, #tpu.memory_space<vmem>>) target(%dma_start3A_88 : memref<20480x128xbf16, #tpu.memory_space<vmem_shared>>) offsets(%dma_start3A_85 : memref<96xi32, #tpu.memory_space<vmem>>) semaphore(%arg13 : memref<!tpu.dma_semaphore, #tpu.memory_space<semaphore_mem>>) {add = true}
        %scan3A_89 = arith.constant 0 : i32
        scf.yield %scan3A_89 : i32
      }
      %scan3A_28 = arith.constant 20 : i32
      %dma_wait3A = arith.constant 39 : i32
      %dma_wait3A_29 = arith.constant 0 : i32
      %dma_wait3A_30 = tpu.memref_slice %arg8[%dma_wait3A, %dma_wait3A_29] : memref<86x96xi32, #tpu.memory_space<vmem>> -> memref<1x96xi32, #tpu.memory_space<vmem>>
      %dma_wait3A_31 = tpu.memref_squeeze %dma_wait3A_30 : memref<1x96xi32, #tpu.memory_space<vmem>> -> memref<96xi32, #tpu.memory_space<vmem>>
      %dma_wait3A_32 = arith.constant 0 : i32
      %dma_wait3A_33 = arith.constant 0 : i32
      %dma_wait3A_34 = tpu.memref_slice %arg11[%dma_wait3A_32, %dma_wait3A_33] : memref<20480x128xbf16, #tpu.memory_space<vmem_shared>> -> memref<20480x128xbf16, #tpu.memory_space<vmem_shared>>
      tpu.wait_indirect_dma semaphore(%arg13 : memref<!tpu.dma_semaphore, #tpu.memory_space<semaphore_mem>>) src(%arg10 : memref<96x128xbf16, #tpu.memory_space<vmem>>) dst(%dma_wait3A_34 : memref<20480x128xbf16, #tpu.memory_space<vmem_shared>>)
    } else {
    }
    %barrier3A_8 = arith.constant 0 : index
    tpu.barrier barrier_id(%barrier3A_8)
    "tpu.region"() ({
      %run_scoped3A = tpu.sem_alloc : memref<!tpu.dma_semaphore, #tpu.memory_space<semaphore_mem>>
      %dma_start3A = arith.constant 0 : i32
      %dma_start3A_13 = tpu.memref_slice %arg6[%arg0, %mul3A_0, %dma_start3A] : memref<2x20480x128xbf16, #tpu.memory_space<hbm>> -> memref<1x640x128xbf16, #tpu.memory_space<hbm>>
      %dma_start3A_14 = tpu.memref_squeeze %dma_start3A_13 : memref<1x640x128xbf16, #tpu.memory_space<hbm>> -> memref<640x128xbf16, #tpu.memory_space<hbm>>
      %dma_start3A_15 = arith.constant 0 : i32
      %dma_start3A_16 = tpu.memref_slice %arg11[%mul3A_0, %dma_start3A_15] : memref<20480x128xbf16, #tpu.memory_space<vmem_shared>> -> memref<640x128xbf16, #tpu.memory_space<vmem_shared>>
      tpu.enqueue_dma source(%dma_start3A_16 : memref<640x128xbf16, #tpu.memory_space<vmem_shared>>) target(%dma_start3A_14 : memref<640x128xbf16, #tpu.memory_space<hbm>>) target_semaphore(%run_scoped3A : memref<!tpu.dma_semaphore, #tpu.memory_space<semaphore_mem>>)
      %dma_wait3A = arith.constant 0 : i32
      %dma_wait3A_17 = tpu.memref_slice %arg6[%arg0, %mul3A_0, %dma_wait3A] : memref<2x20480x128xbf16, #tpu.memory_space<hbm>> -> memref<1x640x128xbf16, #tpu.memory_space<hbm>>
      %dma_wait3A_18 = tpu.memref_squeeze %dma_wait3A_17 : memref<1x640x128xbf16, #tpu.memory_space<hbm>> -> memref<640x128xbf16, #tpu.memory_space<hbm>>
      %dma_wait3A_19 = arith.constant 0 : i32
      %dma_wait3A_20 = tpu.memref_slice %arg11[%mul3A_0, %dma_wait3A_19] : memref<20480x128xbf16, #tpu.memory_space<vmem_shared>> -> memref<640x128xbf16, #tpu.memory_space<vmem_shared>>
      tpu.wait_dma2 semaphore(%run_scoped3A : memref<!tpu.dma_semaphore, #tpu.memory_space<semaphore_mem>>) src(%dma_wait3A_20 : memref<640x128xbf16, #tpu.memory_space<vmem_shared>>) dst(%dma_wait3A_18 : memref<640x128xbf16, #tpu.memory_space<hbm>>)
      tpu.yield
    }) : () -> ()
    %add3A_9 = arith.constant 10240 : i32
    %add3A_10 = arith.addi %add3A_9, %mul3A_0 : i32
    %add3A_11 = arith.constant 10240 : i32
    %add3A_12 = arith.addi %add3A_11, %mul3A_0 : i32
    "tpu.region"() ({
      %run_scoped3A = tpu.sem_alloc : memref<!tpu.dma_semaphore, #tpu.memory_space<semaphore_mem>>
      %dma_start3A = arith.constant 0 : i32
      %dma_start3A_13 = tpu.memref_slice %arg6[%arg0, %add3A_12, %dma_start3A] : memref<2x20480x128xbf16, #tpu.memory_space<hbm>> -> memref<1x640x128xbf16, #tpu.memory_space<hbm>>
      %dma_start3A_14 = tpu.memref_squeeze %dma_start3A_13 : memref<1x640x128xbf16, #tpu.memory_space<hbm>> -> memref<640x128xbf16, #tpu.memory_space<hbm>>
      %dma_start3A_15 = arith.constant 0 : i32
      %dma_start3A_16 = tpu.memref_slice %arg11[%add3A_10, %dma_start3A_15] : memref<20480x128xbf16, #tpu.memory_space<vmem_shared>> -> memref<640x128xbf16, #tpu.memory_space<vmem_shared>>
      tpu.enqueue_dma source(%dma_start3A_16 : memref<640x128xbf16, #tpu.memory_space<vmem_shared>>) target(%dma_start3A_14 : memref<640x128xbf16, #tpu.memory_space<hbm>>) target_semaphore(%run_scoped3A : memref<!tpu.dma_semaphore, #tpu.memory_space<semaphore_mem>>)
      %dma_wait3A = arith.constant 0 : i32
      %dma_wait3A_17 = tpu.memref_slice %arg6[%arg0, %add3A_12, %dma_wait3A] : memref<2x20480x128xbf16, #tpu.memory_space<hbm>> -> memref<1x640x128xbf16, #tpu.memory_space<hbm>>
      %dma_wait3A_18 = tpu.memref_squeeze %dma_wait3A_17 : memref<1x640x128xbf16, #tpu.memory_space<hbm>> -> memref<640x128xbf16, #tpu.memory_space<hbm>>
      %dma_wait3A_19 = arith.constant 0 : i32
      %dma_wait3A_20 = tpu.memref_slice %arg11[%add3A_10, %dma_wait3A_19] : memref<20480x128xbf16, #tpu.memory_space<vmem_shared>> -> memref<640x128xbf16, #tpu.memory_space<vmem_shared>>
      tpu.wait_dma2 semaphore(%run_scoped3A : memref<!tpu.dma_semaphore, #tpu.memory_space<semaphore_mem>>) src(%dma_wait3A_20 : memref<640x128xbf16, #tpu.memory_space<vmem_shared>>) dst(%dma_wait3A_18 : memref<640x128xbf16, #tpu.memory_space<hbm>>)
      tpu.yield
    }) : () -> ()
    return
  }
}

#map = affine_map<(d0, d1) -> (0, 0)>
#map1 = affine_map<(d0, d1) -> (0, 0, 0)>
module attributes {stable_mosaic.version = 14 : i64} {
  func.func @_prop_kernel(%arg0: i32, %arg1: i32, %arg2: memref<10000x128xbf16, #tpu.memory_space<hbm>>, %arg3: memref<3392x96xi32, #tpu.memory_space<hbm>>, %arg4: memref<3392x96xi32, #tpu.memory_space<hbm>>, %arg5: memref<10240x128xbf16, #tpu.memory_space<hbm>>, %arg6: memref<2x20480x128xbf16, #tpu.memory_space<hbm>>, %arg7: memref<86x96xi32, #tpu.memory_space<vmem>>, %arg8: memref<86x96xi32, #tpu.memory_space<vmem>>, %arg9: memref<96x128xbf16, #tpu.memory_space<vmem>>, %arg10: memref<96x128xbf16, #tpu.memory_space<vmem>>, %arg11: memref<20480x128xbf16, #tpu.memory_space<vmem_shared>>, %arg12: memref<!tpu.dma_semaphore, #tpu.memory_space<semaphore_mem>>, %arg13: memref<!tpu.dma_semaphore, #tpu.memory_space<semaphore_mem>>) attributes {dimension_semantics = [#tpu.dimension_semantics<core_parallel>, #tpu.dimension_semantics<subcore_parallel>], iteration_bounds = array<i64: 2, 16>, scalar_prefetch = 0 : i64, scratch_operands = 7 : i64, tpu.core_type = #tpu.core_type<sc_vector_subcore>, window_params = [{transform_indices = #map}, {transform_indices = #map}, {transform_indices = #map}, {transform_indices = #map}, {transform_indices = #map1}]} {
    %mul3A = arith.constant 640 : i32
    %mul3A_0 = arith.muli %arg1, %mul3A : i32
    "tpu.region"() ({
      %run_scoped3A = tpu.sem_alloc : memref<!tpu.dma_semaphore, #tpu.memory_space<semaphore_mem>>
      %dma_start3A = arith.constant 0 : i32
      %dma_start3A_13 = tpu.memref_slice %arg11[%mul3A_0, %dma_start3A] : memref<20480x128xbf16, #tpu.memory_space<vmem_shared>> -> memref<640x128xbf16, #tpu.memory_space<vmem_shared>>
      %dma_start3A_14 = arith.constant 0 : i32
      %dma_start3A_15 = tpu.memref_slice %arg5[%mul3A_0, %dma_start3A_14] : memref<10240x128xbf16, #tpu.memory_space<hbm>> -> memref<640x128xbf16, #tpu.memory_space<hbm>>
      tpu.enqueue_dma source(%dma_start3A_15 : memref<640x128xbf16, #tpu.memory_space<hbm>>) target(%dma_start3A_13 : memref<640x128xbf16, #tpu.memory_space<vmem_shared>>) target_semaphore(%run_scoped3A : memref<!tpu.dma_semaphore, #tpu.memory_space<semaphore_mem>>)
      %dma_wait3A = arith.constant 0 : i32
      %dma_wait3A_16 = tpu.memref_slice %arg11[%mul3A_0, %dma_wait3A] : memref<20480x128xbf16, #tpu.memory_space<vmem_shared>> -> memref<640x128xbf16, #tpu.memory_space<vmem_shared>>
      %dma_wait3A_17 = arith.constant 0 : i32
      %dma_wait3A_18 = tpu.memref_slice %arg5[%mul3A_0, %dma_wait3A_17] : memref<10240x128xbf16, #tpu.memory_space<hbm>> -> memref<640x128xbf16, #tpu.memory_space<hbm>>
      tpu.wait_dma2 semaphore(%run_scoped3A : memref<!tpu.dma_semaphore, #tpu.memory_space<semaphore_mem>>) src(%dma_wait3A_18 : memref<640x128xbf16, #tpu.memory_space<hbm>>) dst(%dma_wait3A_16 : memref<640x128xbf16, #tpu.memory_space<vmem_shared>>)
      tpu.yield
    }) : () -> ()
    %add3A = arith.constant 10240 : i32
    %add3A_1 = arith.addi %add3A, %mul3A_0 : i32
    "tpu.region"() ({
      %run_scoped3A = tpu.sem_alloc : memref<!tpu.dma_semaphore, #tpu.memory_space<semaphore_mem>>
      %dma_start3A = arith.constant 0 : i32
      %dma_start3A_13 = tpu.memref_slice %arg11[%add3A_1, %dma_start3A] : memref<20480x128xbf16, #tpu.memory_space<vmem_shared>> -> memref<640x128xbf16, #tpu.memory_space<vmem_shared>>
      %dma_start3A_14 = arith.constant 0 : i32
      %dma_start3A_15 = tpu.memref_slice %arg5[%mul3A_0, %dma_start3A_14] : memref<10240x128xbf16, #tpu.memory_space<hbm>> -> memref<640x128xbf16, #tpu.memory_space<hbm>>
      tpu.enqueue_dma source(%dma_start3A_15 : memref<640x128xbf16, #tpu.memory_space<hbm>>) target(%dma_start3A_13 : memref<640x128xbf16, #tpu.memory_space<vmem_shared>>) target_semaphore(%run_scoped3A : memref<!tpu.dma_semaphore, #tpu.memory_space<semaphore_mem>>)
      %dma_wait3A = arith.constant 0 : i32
      %dma_wait3A_16 = tpu.memref_slice %arg11[%add3A_1, %dma_wait3A] : memref<20480x128xbf16, #tpu.memory_space<vmem_shared>> -> memref<640x128xbf16, #tpu.memory_space<vmem_shared>>
      %dma_wait3A_17 = arith.constant 0 : i32
      %dma_wait3A_18 = tpu.memref_slice %arg5[%mul3A_0, %dma_wait3A_17] : memref<10240x128xbf16, #tpu.memory_space<hbm>> -> memref<640x128xbf16, #tpu.memory_space<hbm>>
      tpu.wait_dma2 semaphore(%run_scoped3A : memref<!tpu.dma_semaphore, #tpu.memory_space<semaphore_mem>>) src(%dma_wait3A_18 : memref<640x128xbf16, #tpu.memory_space<hbm>>) dst(%dma_wait3A_16 : memref<640x128xbf16, #tpu.memory_space<vmem_shared>>)
      tpu.yield
    }) : () -> ()
    %barrier3A = arith.constant 0 : index
    tpu.barrier barrier_id(%barrier3A)
    %eq3A = arith.constant 0 : i32
    %eq3A_2 = arith.cmpi eq, %arg0, %eq3A : i32
    %convert_element_type3A = arith.extui %eq3A_2 : i1 to i32
    %cond3A = arith.constant 0 : i32
    %cond3A_3 = arith.cmpi ne, %convert_element_type3A, %cond3A : i32
    scf.if %cond3A_3 {
      %mul3A_13 = arith.constant 172 : i32
      %mul3A_14 = arith.muli %arg1, %mul3A_13 : i32
      %add3A_15 = arith.constant 0 : i32
      %add3A_16 = arith.addi %mul3A_14, %add3A_15 : i32
      "tpu.region"() ({
        %run_scoped3A = tpu.sem_alloc : memref<!tpu.dma_semaphore, #tpu.memory_space<semaphore_mem>>
        %dma_start3A_58 = arith.constant 0 : i32
        %dma_start3A_59 = arith.constant 0 : i32
        %dma_start3A_60 = tpu.memref_slice %arg7[%dma_start3A_58, %dma_start3A_59] : memref<86x96xi32, #tpu.memory_space<vmem>> -> memref<86x96xi32, #tpu.memory_space<vmem>>
        %dma_start3A_61 = arith.constant 0 : i32
        %dma_start3A_62 = tpu.memref_slice %arg3[%add3A_16, %dma_start3A_61] : memref<3392x96xi32, #tpu.memory_space<hbm>> -> memref<86x96xi32, #tpu.memory_space<hbm>>
        %dma_start3A_63 = arith.constant 0 : i32
        %dma_start3A_64 = arith.constant 0 : i32
        %dma_start3A_65 = tpu.memref_slice %arg7[%dma_start3A_63, %dma_start3A_64] : memref<86x96xi32, #tpu.memory_space<vmem>> -> memref<86x96xi32, #tpu.memory_space<vmem>>
        %dma_start3A_66 = arith.constant 0 : i32
        %dma_start3A_67 = tpu.memref_slice %arg3[%add3A_16, %dma_start3A_66] : memref<3392x96xi32, #tpu.memory_space<hbm>> -> memref<86x96xi32, #tpu.memory_space<hbm>>
        tpu.enqueue_dma source(%dma_start3A_67 : memref<86x96xi32, #tpu.memory_space<hbm>>) target(%dma_start3A_65 : memref<86x96xi32, #tpu.memory_space<vmem>>) target_semaphore(%run_scoped3A : memref<!tpu.dma_semaphore, #tpu.memory_space<semaphore_mem>>)
        %dma_wait3A_68 = arith.constant 0 : i32
        %dma_wait3A_69 = arith.constant 0 : i32
        %dma_wait3A_70 = tpu.memref_slice %arg7[%dma_wait3A_68, %dma_wait3A_69] : memref<86x96xi32, #tpu.memory_space<vmem>> -> memref<86x96xi32, #tpu.memory_space<vmem>>
        %dma_wait3A_71 = arith.constant 0 : i32
        %dma_wait3A_72 = tpu.memref_slice %arg3[%add3A_16, %dma_wait3A_71] : memref<3392x96xi32, #tpu.memory_space<hbm>> -> memref<86x96xi32, #tpu.memory_space<hbm>>
        %dma_wait3A_73 = arith.constant 0 : i32
        %dma_wait3A_74 = arith.constant 0 : i32
        %dma_wait3A_75 = tpu.memref_slice %arg7[%dma_wait3A_73, %dma_wait3A_74] : memref<86x96xi32, #tpu.memory_space<vmem>> -> memref<86x96xi32, #tpu.memory_space<vmem>>
        %dma_wait3A_76 = arith.constant 0 : i32
        %dma_wait3A_77 = tpu.memref_slice %arg3[%add3A_16, %dma_wait3A_76] : memref<3392x96xi32, #tpu.memory_space<hbm>> -> memref<86x96xi32, #tpu.memory_space<hbm>>
        tpu.wait_dma2 semaphore(%run_scoped3A : memref<!tpu.dma_semaphore, #tpu.memory_space<semaphore_mem>>) src(%dma_wait3A_77 : memref<86x96xi32, #tpu.memory_space<hbm>>) dst(%dma_wait3A_75 : memref<86x96xi32, #tpu.memory_space<vmem>>)
        tpu.yield
      }) : () -> ()
      "tpu.region"() ({
        %run_scoped3A = tpu.sem_alloc : memref<!tpu.dma_semaphore, #tpu.memory_space<semaphore_mem>>
        %dma_start3A_58 = arith.constant 0 : i32
        %dma_start3A_59 = arith.constant 0 : i32
        %dma_start3A_60 = tpu.memref_slice %arg8[%dma_start3A_58, %dma_start3A_59] : memref<86x96xi32, #tpu.memory_space<vmem>> -> memref<86x96xi32, #tpu.memory_space<vmem>>
        %dma_start3A_61 = arith.constant 0 : i32
        %dma_start3A_62 = tpu.memref_slice %arg4[%add3A_16, %dma_start3A_61] : memref<3392x96xi32, #tpu.memory_space<hbm>> -> memref<86x96xi32, #tpu.memory_space<hbm>>
        %dma_start3A_63 = arith.constant 0 : i32
        %dma_start3A_64 = arith.constant 0 : i32
        %dma_start3A_65 = tpu.memref_slice %arg8[%dma_start3A_63, %dma_start3A_64] : memref<86x96xi32, #tpu.memory_space<vmem>> -> memref<86x96xi32, #tpu.memory_space<vmem>>
        %dma_start3A_66 = arith.constant 0 : i32
        %dma_start3A_67 = tpu.memref_slice %arg4[%add3A_16, %dma_start3A_66] : memref<3392x96xi32, #tpu.memory_space<hbm>> -> memref<86x96xi32, #tpu.memory_space<hbm>>
        tpu.enqueue_dma source(%dma_start3A_67 : memref<86x96xi32, #tpu.memory_space<hbm>>) target(%dma_start3A_65 : memref<86x96xi32, #tpu.memory_space<vmem>>) target_semaphore(%run_scoped3A : memref<!tpu.dma_semaphore, #tpu.memory_space<semaphore_mem>>)
        %dma_wait3A_68 = arith.constant 0 : i32
        %dma_wait3A_69 = arith.constant 0 : i32
        %dma_wait3A_70 = tpu.memref_slice %arg8[%dma_wait3A_68, %dma_wait3A_69] : memref<86x96xi32, #tpu.memory_space<vmem>> -> memref<86x96xi32, #tpu.memory_space<vmem>>
        %dma_wait3A_71 = arith.constant 0 : i32
        %dma_wait3A_72 = tpu.memref_slice %arg4[%add3A_16, %dma_wait3A_71] : memref<3392x96xi32, #tpu.memory_space<hbm>> -> memref<86x96xi32, #tpu.memory_space<hbm>>
        %dma_wait3A_73 = arith.constant 0 : i32
        %dma_wait3A_74 = arith.constant 0 : i32
        %dma_wait3A_75 = tpu.memref_slice %arg8[%dma_wait3A_73, %dma_wait3A_74] : memref<86x96xi32, #tpu.memory_space<vmem>> -> memref<86x96xi32, #tpu.memory_space<vmem>>
        %dma_wait3A_76 = arith.constant 0 : i32
        %dma_wait3A_77 = tpu.memref_slice %arg4[%add3A_16, %dma_wait3A_76] : memref<3392x96xi32, #tpu.memory_space<hbm>> -> memref<86x96xi32, #tpu.memory_space<hbm>>
        tpu.wait_dma2 semaphore(%run_scoped3A : memref<!tpu.dma_semaphore, #tpu.memory_space<semaphore_mem>>) src(%dma_wait3A_77 : memref<86x96xi32, #tpu.memory_space<hbm>>) dst(%dma_wait3A_75 : memref<86x96xi32, #tpu.memory_space<vmem>>)
        tpu.yield
      }) : () -> ()
      %dma_start3A = arith.constant 0 : i32
      %dma_start3A_17 = arith.constant 0 : i32
      %dma_start3A_18 = tpu.memref_slice %arg7[%dma_start3A, %dma_start3A_17] : memref<86x96xi32, #tpu.memory_space<vmem>> -> memref<1x96xi32, #tpu.memory_space<vmem>>
      %dma_start3A_19 = tpu.memref_squeeze %dma_start3A_18 : memref<1x96xi32, #tpu.memory_space<vmem>> -> memref<96xi32, #tpu.memory_space<vmem>>
      %dma_start3A_20 = arith.constant 0 : i32
      %dma_start3A_21 = arith.constant 0 : i32
      %dma_start3A_22 = tpu.memref_slice %arg2[%dma_start3A_20, %dma_start3A_21] : memref<10000x128xbf16, #tpu.memory_space<hbm>> -> memref<10000x128xbf16, #tpu.memory_space<hbm>>
      tpu.enqueue_indirect_dma source(%dma_start3A_22 : memref<10000x128xbf16, #tpu.memory_space<hbm>>) target(%arg9 : memref<96x128xbf16, #tpu.memory_space<vmem>>) offsets(%dma_start3A_19 : memref<96xi32, #tpu.memory_space<vmem>>) semaphore(%arg12 : memref<!tpu.dma_semaphore, #tpu.memory_space<semaphore_mem>>)
      %scan3A = arith.constant 0 : i32
      %scan3A_23 = arith.constant 0 : i32
      %scan3A_24 = arith.constant 43 : i32
      %scan3A_25 = arith.addi %scan3A_23, %scan3A_24 : i32
      %scan3A_26 = arith.constant 1 : i32
      %scan3A_27 = scf.for %scan3A_58 = %scan3A_23 to %scan3A_25 step %scan3A_26 iter_args(%scan3A_59 = %scan3A) -> (i32)  : i32 {
        %mul3A_60 = arith.constant 2 : i32
        %mul3A_61 = arith.muli %mul3A_60, %scan3A_58 : i32
        %ge3A = arith.constant 1 : i32
        %ge3A_62 = arith.cmpi sge, %mul3A_61, %ge3A : i32
        %convert_element_type3A_63 = arith.extui %ge3A_62 : i1 to i32
        %cond3A_64 = arith.constant 0 : i32
        %cond3A_65 = arith.cmpi ne, %convert_element_type3A_63, %cond3A_64 : i32
        scf.if %cond3A_65 {
          %sub3A = arith.constant 1 : i32
          %sub3A_113 = arith.subi %mul3A_61, %sub3A : i32
          %dma_wait3A_114 = arith.constant 0 : i32
          %dma_wait3A_115 = tpu.memref_slice %arg8[%sub3A_113, %dma_wait3A_114] : memref<86x96xi32, #tpu.memory_space<vmem>> -> memref<1x96xi32, #tpu.memory_space<vmem>>
          %dma_wait3A_116 = tpu.memref_squeeze %dma_wait3A_115 : memref<1x96xi32, #tpu.memory_space<vmem>> -> memref<96xi32, #tpu.memory_space<vmem>>
          %dma_wait3A_117 = arith.constant 0 : i32
          %dma_wait3A_118 = arith.constant 0 : i32
          %dma_wait3A_119 = tpu.memref_slice %arg11[%dma_wait3A_117, %dma_wait3A_118] : memref<20480x128xbf16, #tpu.memory_space<vmem_shared>> -> memref<20480x128xbf16, #tpu.memory_space<vmem_shared>>
          tpu.wait_indirect_dma semaphore(%arg13 : memref<!tpu.dma_semaphore, #tpu.memory_space<semaphore_mem>>) src(%arg10 : memref<96x128xbf16, #tpu.memory_space<vmem>>) dst(%dma_wait3A_119 : memref<20480x128xbf16, #tpu.memory_space<vmem_shared>>)
        } else {
        }
        %add3A_66 = arith.constant 1 : i32
        %add3A_67 = arith.addi %mul3A_61, %add3A_66 : i32
        %lt3A = arith.constant 86 : i32
        %lt3A_68 = arith.cmpi slt, %add3A_67, %lt3A : i32
        %convert_element_type3A_69 = arith.extui %lt3A_68 : i1 to i32
        %cond3A_70 = arith.constant 0 : i32
        %cond3A_71 = arith.cmpi ne, %convert_element_type3A_69, %cond3A_70 : i32
        scf.if %cond3A_71 {
          %add3A_113 = arith.constant 1 : i32
          %add3A_114 = arith.addi %mul3A_61, %add3A_113 : i32
          %dma_start3A_115 = arith.constant 0 : i32
          %dma_start3A_116 = tpu.memref_slice %arg7[%add3A_114, %dma_start3A_115] : memref<86x96xi32, #tpu.memory_space<vmem>> -> memref<1x96xi32, #tpu.memory_space<vmem>>
          %dma_start3A_117 = tpu.memref_squeeze %dma_start3A_116 : memref<1x96xi32, #tpu.memory_space<vmem>> -> memref<96xi32, #tpu.memory_space<vmem>>
          %dma_start3A_118 = arith.constant 0 : i32
          %dma_start3A_119 = arith.constant 0 : i32
          %dma_start3A_120 = tpu.memref_slice %arg2[%dma_start3A_118, %dma_start3A_119] : memref<10000x128xbf16, #tpu.memory_space<hbm>> -> memref<10000x128xbf16, #tpu.memory_space<hbm>>
          tpu.enqueue_indirect_dma source(%dma_start3A_120 : memref<10000x128xbf16, #tpu.memory_space<hbm>>) target(%arg10 : memref<96x128xbf16, #tpu.memory_space<vmem>>) offsets(%dma_start3A_117 : memref<96xi32, #tpu.memory_space<vmem>>) semaphore(%arg12 : memref<!tpu.dma_semaphore, #tpu.memory_space<semaphore_mem>>)
        } else {
        }
        %dma_wait3A_72 = arith.constant 0 : i32
        %dma_wait3A_73 = tpu.memref_slice %arg7[%mul3A_61, %dma_wait3A_72] : memref<86x96xi32, #tpu.memory_space<vmem>> -> memref<1x96xi32, #tpu.memory_space<vmem>>
        %dma_wait3A_74 = tpu.memref_squeeze %dma_wait3A_73 : memref<1x96xi32, #tpu.memory_space<vmem>> -> memref<96xi32, #tpu.memory_space<vmem>>
        %dma_wait3A_75 = arith.constant 0 : i32
        %dma_wait3A_76 = arith.constant 0 : i32
        %dma_wait3A_77 = tpu.memref_slice %arg2[%dma_wait3A_75, %dma_wait3A_76] : memref<10000x128xbf16, #tpu.memory_space<hbm>> -> memref<10000x128xbf16, #tpu.memory_space<hbm>>
        tpu.wait_indirect_dma semaphore(%arg12 : memref<!tpu.dma_semaphore, #tpu.memory_space<semaphore_mem>>) src(%dma_wait3A_77 : memref<10000x128xbf16, #tpu.memory_space<hbm>>) dst(%arg9 : memref<96x128xbf16, #tpu.memory_space<vmem>>)
        %dma_start3A_78 = arith.constant 0 : i32
        %dma_start3A_79 = tpu.memref_slice %arg8[%mul3A_61, %dma_start3A_78] : memref<86x96xi32, #tpu.memory_space<vmem>> -> memref<1x96xi32, #tpu.memory_space<vmem>>
        %dma_start3A_80 = tpu.memref_squeeze %dma_start3A_79 : memref<1x96xi32, #tpu.memory_space<vmem>> -> memref<96xi32, #tpu.memory_space<vmem>>
        %dma_start3A_81 = arith.constant 0 : i32
        %dma_start3A_82 = arith.constant 0 : i32
        %dma_start3A_83 = tpu.memref_slice %arg11[%dma_start3A_81, %dma_start3A_82] : memref<20480x128xbf16, #tpu.memory_space<vmem_shared>> -> memref<20480x128xbf16, #tpu.memory_space<vmem_shared>>
        tpu.enqueue_indirect_dma source(%arg9 : memref<96x128xbf16, #tpu.memory_space<vmem>>) target(%dma_start3A_83 : memref<20480x128xbf16, #tpu.memory_space<vmem_shared>>) offsets(%dma_start3A_80 : memref<96xi32, #tpu.memory_space<vmem>>) semaphore(%arg13 : memref<!tpu.dma_semaphore, #tpu.memory_space<semaphore_mem>>) {add = true}
        %mul3A_84 = arith.constant 2 : i32
        %mul3A_85 = arith.muli %mul3A_84, %scan3A_58 : i32
        %add3A_86 = arith.constant 1 : i32
        %add3A_87 = arith.addi %mul3A_85, %add3A_86 : i32
        %ge3A_88 = arith.constant 1 : i32
        %ge3A_89 = arith.cmpi sge, %add3A_87, %ge3A_88 : i32
        %convert_element_type3A_90 = arith.extui %ge3A_89 : i1 to i32
        %cond3A_91 = arith.constant 0 : i32
        %cond3A_92 = arith.cmpi ne, %convert_element_type3A_90, %cond3A_91 : i32
        scf.if %cond3A_92 {
          %sub3A = arith.constant 1 : i32
          %sub3A_113 = arith.subi %add3A_87, %sub3A : i32
          %dma_wait3A_114 = arith.constant 0 : i32
          %dma_wait3A_115 = tpu.memref_slice %arg8[%sub3A_113, %dma_wait3A_114] : memref<86x96xi32, #tpu.memory_space<vmem>> -> memref<1x96xi32, #tpu.memory_space<vmem>>
          %dma_wait3A_116 = tpu.memref_squeeze %dma_wait3A_115 : memref<1x96xi32, #tpu.memory_space<vmem>> -> memref<96xi32, #tpu.memory_space<vmem>>
          %dma_wait3A_117 = arith.constant 0 : i32
          %dma_wait3A_118 = arith.constant 0 : i32
          %dma_wait3A_119 = tpu.memref_slice %arg11[%dma_wait3A_117, %dma_wait3A_118] : memref<20480x128xbf16, #tpu.memory_space<vmem_shared>> -> memref<20480x128xbf16, #tpu.memory_space<vmem_shared>>
          tpu.wait_indirect_dma semaphore(%arg13 : memref<!tpu.dma_semaphore, #tpu.memory_space<semaphore_mem>>) src(%arg9 : memref<96x128xbf16, #tpu.memory_space<vmem>>) dst(%dma_wait3A_119 : memref<20480x128xbf16, #tpu.memory_space<vmem_shared>>)
        } else {
        }
        %add3A_93 = arith.constant 1 : i32
        %add3A_94 = arith.addi %add3A_87, %add3A_93 : i32
        %lt3A_95 = arith.constant 86 : i32
        %lt3A_96 = arith.cmpi slt, %add3A_94, %lt3A_95 : i32
        %convert_element_type3A_97 = arith.extui %lt3A_96 : i1 to i32
        %cond3A_98 = arith.constant 0 : i32
        %cond3A_99 = arith.cmpi ne, %convert_element_type3A_97, %cond3A_98 : i32
        scf.if %cond3A_99 {
          %add3A_113 = arith.constant 1 : i32
          %add3A_114 = arith.addi %add3A_87, %add3A_113 : i32
          %dma_start3A_115 = arith.constant 0 : i32
          %dma_start3A_116 = tpu.memref_slice %arg7[%add3A_114, %dma_start3A_115] : memref<86x96xi32, #tpu.memory_space<vmem>> -> memref<1x96xi32, #tpu.memory_space<vmem>>
          %dma_start3A_117 = tpu.memref_squeeze %dma_start3A_116 : memref<1x96xi32, #tpu.memory_space<vmem>> -> memref<96xi32, #tpu.memory_space<vmem>>
          %dma_start3A_118 = arith.constant 0 : i32
          %dma_start3A_119 = arith.constant 0 : i32
          %dma_start3A_120 = tpu.memref_slice %arg2[%dma_start3A_118, %dma_start3A_119] : memref<10000x128xbf16, #tpu.memory_space<hbm>> -> memref<10000x128xbf16, #tpu.memory_space<hbm>>
          tpu.enqueue_indirect_dma source(%dma_start3A_120 : memref<10000x128xbf16, #tpu.memory_space<hbm>>) target(%arg9 : memref<96x128xbf16, #tpu.memory_space<vmem>>) offsets(%dma_start3A_117 : memref<96xi32, #tpu.memory_space<vmem>>) semaphore(%arg12 : memref<!tpu.dma_semaphore, #tpu.memory_space<semaphore_mem>>)
        } else {
        }
        %dma_wait3A_100 = arith.constant 0 : i32
        %dma_wait3A_101 = tpu.memref_slice %arg7[%add3A_87, %dma_wait3A_100] : memref<86x96xi32, #tpu.memory_space<vmem>> -> memref<1x96xi32, #tpu.memory_space<vmem>>
        %dma_wait3A_102 = tpu.memref_squeeze %dma_wait3A_101 : memref<1x96xi32, #tpu.memory_space<vmem>> -> memref<96xi32, #tpu.memory_space<vmem>>
        %dma_wait3A_103 = arith.constant 0 : i32
        %dma_wait3A_104 = arith.constant 0 : i32
        %dma_wait3A_105 = tpu.memref_slice %arg2[%dma_wait3A_103, %dma_wait3A_104] : memref<10000x128xbf16, #tpu.memory_space<hbm>> -> memref<10000x128xbf16, #tpu.memory_space<hbm>>
        tpu.wait_indirect_dma semaphore(%arg12 : memref<!tpu.dma_semaphore, #tpu.memory_space<semaphore_mem>>) src(%dma_wait3A_105 : memref<10000x128xbf16, #tpu.memory_space<hbm>>) dst(%arg10 : memref<96x128xbf16, #tpu.memory_space<vmem>>)
        %dma_start3A_106 = arith.constant 0 : i32
        %dma_start3A_107 = tpu.memref_slice %arg8[%add3A_87, %dma_start3A_106] : memref<86x96xi32, #tpu.memory_space<vmem>> -> memref<1x96xi32, #tpu.memory_space<vmem>>
        %dma_start3A_108 = tpu.memref_squeeze %dma_start3A_107 : memref<1x96xi32, #tpu.memory_space<vmem>> -> memref<96xi32, #tpu.memory_space<vmem>>
        %dma_start3A_109 = arith.constant 0 : i32
        %dma_start3A_110 = arith.constant 0 : i32
        %dma_start3A_111 = tpu.memref_slice %arg11[%dma_start3A_109, %dma_start3A_110] : memref<20480x128xbf16, #tpu.memory_space<vmem_shared>> -> memref<20480x128xbf16, #tpu.memory_space<vmem_shared>>
        tpu.enqueue_indirect_dma source(%arg10 : memref<96x128xbf16, #tpu.memory_space<vmem>>) target(%dma_start3A_111 : memref<20480x128xbf16, #tpu.memory_space<vmem_shared>>) offsets(%dma_start3A_108 : memref<96xi32, #tpu.memory_space<vmem>>) semaphore(%arg13 : memref<!tpu.dma_semaphore, #tpu.memory_space<semaphore_mem>>) {add = true}
        %scan3A_112 = arith.constant 0 : i32
        scf.yield %scan3A_112 : i32
      }
      %scan3A_28 = arith.constant 43 : i32
      %dma_wait3A = arith.constant 85 : i32
      %dma_wait3A_29 = arith.constant 0 : i32
      %dma_wait3A_30 = tpu.memref_slice %arg8[%dma_wait3A, %dma_wait3A_29] : memref<86x96xi32, #tpu.memory_space<vmem>> -> memref<1x96xi32, #tpu.memory_space<vmem>>
      %dma_wait3A_31 = tpu.memref_squeeze %dma_wait3A_30 : memref<1x96xi32, #tpu.memory_space<vmem>> -> memref<96xi32, #tpu.memory_space<vmem>>
      %dma_wait3A_32 = arith.constant 0 : i32
      %dma_wait3A_33 = arith.constant 0 : i32
      %dma_wait3A_34 = tpu.memref_slice %arg11[%dma_wait3A_32, %dma_wait3A_33] : memref<20480x128xbf16, #tpu.memory_space<vmem_shared>> -> memref<20480x128xbf16, #tpu.memory_space<vmem_shared>>
      tpu.wait_indirect_dma semaphore(%arg13 : memref<!tpu.dma_semaphore, #tpu.memory_space<semaphore_mem>>) src(%arg10 : memref<96x128xbf16, #tpu.memory_space<vmem>>) dst(%dma_wait3A_34 : memref<20480x128xbf16, #tpu.memory_space<vmem_shared>>)
      %add3A_35 = arith.constant 86 : i32
      %add3A_36 = arith.addi %mul3A_14, %add3A_35 : i32
      "tpu.region"() ({
        %run_scoped3A = tpu.sem_alloc : memref<!tpu.dma_semaphore, #tpu.memory_space<semaphore_mem>>
        %dma_start3A_58 = arith.constant 0 : i32
        %dma_start3A_59 = arith.constant 0 : i32
        %dma_start3A_60 = tpu.memref_slice %arg7[%dma_start3A_58, %dma_start3A_59] : memref<86x96xi32, #tpu.memory_space<vmem>> -> memref<86x96xi32, #tpu.memory_space<vmem>>
        %dma_start3A_61 = arith.constant 0 : i32
        %dma_start3A_62 = tpu.memref_slice %arg3[%add3A_36, %dma_start3A_61] : memref<3392x96xi32, #tpu.memory_space<hbm>> -> memref<86x96xi32, #tpu.memory_space<hbm>>
        %dma_start3A_63 = arith.constant 0 : i32
        %dma_start3A_64 = arith.constant 0 : i32
        %dma_start3A_65 = tpu.memref_slice %arg7[%dma_start3A_63, %dma_start3A_64] : memref<86x96xi32, #tpu.memory_space<vmem>> -> memref<86x96xi32, #tpu.memory_space<vmem>>
        %dma_start3A_66 = arith.constant 0 : i32
        %dma_start3A_67 = tpu.memref_slice %arg3[%add3A_36, %dma_start3A_66] : memref<3392x96xi32, #tpu.memory_space<hbm>> -> memref<86x96xi32, #tpu.memory_space<hbm>>
        tpu.enqueue_dma source(%dma_start3A_67 : memref<86x96xi32, #tpu.memory_space<hbm>>) target(%dma_start3A_65 : memref<86x96xi32, #tpu.memory_space<vmem>>) target_semaphore(%run_scoped3A : memref<!tpu.dma_semaphore, #tpu.memory_space<semaphore_mem>>)
        %dma_wait3A_68 = arith.constant 0 : i32
        %dma_wait3A_69 = arith.constant 0 : i32
        %dma_wait3A_70 = tpu.memref_slice %arg7[%dma_wait3A_68, %dma_wait3A_69] : memref<86x96xi32, #tpu.memory_space<vmem>> -> memref<86x96xi32, #tpu.memory_space<vmem>>
        %dma_wait3A_71 = arith.constant 0 : i32
        %dma_wait3A_72 = tpu.memref_slice %arg3[%add3A_36, %dma_wait3A_71] : memref<3392x96xi32, #tpu.memory_space<hbm>> -> memref<86x96xi32, #tpu.memory_space<hbm>>
        %dma_wait3A_73 = arith.constant 0 : i32
        %dma_wait3A_74 = arith.constant 0 : i32
        %dma_wait3A_75 = tpu.memref_slice %arg7[%dma_wait3A_73, %dma_wait3A_74] : memref<86x96xi32, #tpu.memory_space<vmem>> -> memref<86x96xi32, #tpu.memory_space<vmem>>
        %dma_wait3A_76 = arith.constant 0 : i32
        %dma_wait3A_77 = tpu.memref_slice %arg3[%add3A_36, %dma_wait3A_76] : memref<3392x96xi32, #tpu.memory_space<hbm>> -> memref<86x96xi32, #tpu.memory_space<hbm>>
        tpu.wait_dma2 semaphore(%run_scoped3A : memref<!tpu.dma_semaphore, #tpu.memory_space<semaphore_mem>>) src(%dma_wait3A_77 : memref<86x96xi32, #tpu.memory_space<hbm>>) dst(%dma_wait3A_75 : memref<86x96xi32, #tpu.memory_space<vmem>>)
        tpu.yield
      }) : () -> ()
      "tpu.region"() ({
        %run_scoped3A = tpu.sem_alloc : memref<!tpu.dma_semaphore, #tpu.memory_space<semaphore_mem>>
        %dma_start3A_58 = arith.constant 0 : i32
        %dma_start3A_59 = arith.constant 0 : i32
        %dma_start3A_60 = tpu.memref_slice %arg8[%dma_start3A_58, %dma_start3A_59] : memref<86x96xi32, #tpu.memory_space<vmem>> -> memref<86x96xi32, #tpu.memory_space<vmem>>
        %dma_start3A_61 = arith.constant 0 : i32
        %dma_start3A_62 = tpu.memref_slice %arg4[%add3A_36, %dma_start3A_61] : memref<3392x96xi32, #tpu.memory_space<hbm>> -> memref<86x96xi32, #tpu.memory_space<hbm>>
        %dma_start3A_63 = arith.constant 0 : i32
        %dma_start3A_64 = arith.constant 0 : i32
        %dma_start3A_65 = tpu.memref_slice %arg8[%dma_start3A_63, %dma_start3A_64] : memref<86x96xi32, #tpu.memory_space<vmem>> -> memref<86x96xi32, #tpu.memory_space<vmem>>
        %dma_start3A_66 = arith.constant 0 : i32
        %dma_start3A_67 = tpu.memref_slice %arg4[%add3A_36, %dma_start3A_66] : memref<3392x96xi32, #tpu.memory_space<hbm>> -> memref<86x96xi32, #tpu.memory_space<hbm>>
        tpu.enqueue_dma source(%dma_start3A_67 : memref<86x96xi32, #tpu.memory_space<hbm>>) target(%dma_start3A_65 : memref<86x96xi32, #tpu.memory_space<vmem>>) target_semaphore(%run_scoped3A : memref<!tpu.dma_semaphore, #tpu.memory_space<semaphore_mem>>)
        %dma_wait3A_68 = arith.constant 0 : i32
        %dma_wait3A_69 = arith.constant 0 : i32
        %dma_wait3A_70 = tpu.memref_slice %arg8[%dma_wait3A_68, %dma_wait3A_69] : memref<86x96xi32, #tpu.memory_space<vmem>> -> memref<86x96xi32, #tpu.memory_space<vmem>>
        %dma_wait3A_71 = arith.constant 0 : i32
        %dma_wait3A_72 = tpu.memref_slice %arg4[%add3A_36, %dma_wait3A_71] : memref<3392x96xi32, #tpu.memory_space<hbm>> -> memref<86x96xi32, #tpu.memory_space<hbm>>
        %dma_wait3A_73 = arith.constant 0 : i32
        %dma_wait3A_74 = arith.constant 0 : i32
        %dma_wait3A_75 = tpu.memref_slice %arg8[%dma_wait3A_73, %dma_wait3A_74] : memref<86x96xi32, #tpu.memory_space<vmem>> -> memref<86x96xi32, #tpu.memory_space<vmem>>
        %dma_wait3A_76 = arith.constant 0 : i32
        %dma_wait3A_77 = tpu.memref_slice %arg4[%add3A_36, %dma_wait3A_76] : memref<3392x96xi32, #tpu.memory_space<hbm>> -> memref<86x96xi32, #tpu.memory_space<hbm>>
        tpu.wait_dma2 semaphore(%run_scoped3A : memref<!tpu.dma_semaphore, #tpu.memory_space<semaphore_mem>>) src(%dma_wait3A_77 : memref<86x96xi32, #tpu.memory_space<hbm>>) dst(%dma_wait3A_75 : memref<86x96xi32, #tpu.memory_space<vmem>>)
        tpu.yield
      }) : () -> ()
      %dma_start3A_37 = arith.constant 0 : i32
      %dma_start3A_38 = arith.constant 0 : i32
      %dma_start3A_39 = tpu.memref_slice %arg7[%dma_start3A_37, %dma_start3A_38] : memref<86x96xi32, #tpu.memory_space<vmem>> -> memref<1x96xi32, #tpu.memory_space<vmem>>
      %dma_start3A_40 = tpu.memref_squeeze %dma_start3A_39 : memref<1x96xi32, #tpu.memory_space<vmem>> -> memref<96xi32, #tpu.memory_space<vmem>>
      %dma_start3A_41 = arith.constant 0 : i32
      %dma_start3A_42 = arith.constant 0 : i32
      %dma_start3A_43 = tpu.memref_slice %arg2[%dma_start3A_41, %dma_start3A_42] : memref<10000x128xbf16, #tpu.memory_space<hbm>> -> memref<10000x128xbf16, #tpu.memory_space<hbm>>
      tpu.enqueue_indirect_dma source(%dma_start3A_43 : memref<10000x128xbf16, #tpu.memory_space<hbm>>) target(%arg9 : memref<96x128xbf16, #tpu.memory_space<vmem>>) offsets(%dma_start3A_40 : memref<96xi32, #tpu.memory_space<vmem>>) semaphore(%arg12 : memref<!tpu.dma_semaphore, #tpu.memory_space<semaphore_mem>>)
      %scan3A_44 = arith.constant 0 : i32
      %scan3A_45 = arith.constant 0 : i32
      %scan3A_46 = arith.constant 43 : i32
      %scan3A_47 = arith.addi %scan3A_45, %scan3A_46 : i32
      %scan3A_48 = arith.constant 1 : i32
      %scan3A_49 = scf.for %scan3A_58 = %scan3A_45 to %scan3A_47 step %scan3A_48 iter_args(%scan3A_59 = %scan3A_44) -> (i32)  : i32 {
        %mul3A_60 = arith.constant 2 : i32
        %mul3A_61 = arith.muli %mul3A_60, %scan3A_58 : i32
        %ge3A = arith.constant 1 : i32
        %ge3A_62 = arith.cmpi sge, %mul3A_61, %ge3A : i32
        %convert_element_type3A_63 = arith.extui %ge3A_62 : i1 to i32
        %cond3A_64 = arith.constant 0 : i32
        %cond3A_65 = arith.cmpi ne, %convert_element_type3A_63, %cond3A_64 : i32
        scf.if %cond3A_65 {
          %sub3A = arith.constant 1 : i32
          %sub3A_113 = arith.subi %mul3A_61, %sub3A : i32
          %dma_wait3A_114 = arith.constant 0 : i32
          %dma_wait3A_115 = tpu.memref_slice %arg8[%sub3A_113, %dma_wait3A_114] : memref<86x96xi32, #tpu.memory_space<vmem>> -> memref<1x96xi32, #tpu.memory_space<vmem>>
          %dma_wait3A_116 = tpu.memref_squeeze %dma_wait3A_115 : memref<1x96xi32, #tpu.memory_space<vmem>> -> memref<96xi32, #tpu.memory_space<vmem>>
          %dma_wait3A_117 = arith.constant 0 : i32
          %dma_wait3A_118 = arith.constant 0 : i32
          %dma_wait3A_119 = tpu.memref_slice %arg11[%dma_wait3A_117, %dma_wait3A_118] : memref<20480x128xbf16, #tpu.memory_space<vmem_shared>> -> memref<20480x128xbf16, #tpu.memory_space<vmem_shared>>
          tpu.wait_indirect_dma semaphore(%arg13 : memref<!tpu.dma_semaphore, #tpu.memory_space<semaphore_mem>>) src(%arg10 : memref<96x128xbf16, #tpu.memory_space<vmem>>) dst(%dma_wait3A_119 : memref<20480x128xbf16, #tpu.memory_space<vmem_shared>>)
        } else {
        }
        %add3A_66 = arith.constant 1 : i32
        %add3A_67 = arith.addi %mul3A_61, %add3A_66 : i32
        %lt3A = arith.constant 86 : i32
        %lt3A_68 = arith.cmpi slt, %add3A_67, %lt3A : i32
        %convert_element_type3A_69 = arith.extui %lt3A_68 : i1 to i32
        %cond3A_70 = arith.constant 0 : i32
        %cond3A_71 = arith.cmpi ne, %convert_element_type3A_69, %cond3A_70 : i32
        scf.if %cond3A_71 {
          %add3A_113 = arith.constant 1 : i32
          %add3A_114 = arith.addi %mul3A_61, %add3A_113 : i32
          %dma_start3A_115 = arith.constant 0 : i32
          %dma_start3A_116 = tpu.memref_slice %arg7[%add3A_114, %dma_start3A_115] : memref<86x96xi32, #tpu.memory_space<vmem>> -> memref<1x96xi32, #tpu.memory_space<vmem>>
          %dma_start3A_117 = tpu.memref_squeeze %dma_start3A_116 : memref<1x96xi32, #tpu.memory_space<vmem>> -> memref<96xi32, #tpu.memory_space<vmem>>
          %dma_start3A_118 = arith.constant 0 : i32
          %dma_start3A_119 = arith.constant 0 : i32
          %dma_start3A_120 = tpu.memref_slice %arg2[%dma_start3A_118, %dma_start3A_119] : memref<10000x128xbf16, #tpu.memory_space<hbm>> -> memref<10000x128xbf16, #tpu.memory_space<hbm>>
          tpu.enqueue_indirect_dma source(%dma_start3A_120 : memref<10000x128xbf16, #tpu.memory_space<hbm>>) target(%arg10 : memref<96x128xbf16, #tpu.memory_space<vmem>>) offsets(%dma_start3A_117 : memref<96xi32, #tpu.memory_space<vmem>>) semaphore(%arg12 : memref<!tpu.dma_semaphore, #tpu.memory_space<semaphore_mem>>)
        } else {
        }
        %dma_wait3A_72 = arith.constant 0 : i32
        %dma_wait3A_73 = tpu.memref_slice %arg7[%mul3A_61, %dma_wait3A_72] : memref<86x96xi32, #tpu.memory_space<vmem>> -> memref<1x96xi32, #tpu.memory_space<vmem>>
        %dma_wait3A_74 = tpu.memref_squeeze %dma_wait3A_73 : memref<1x96xi32, #tpu.memory_space<vmem>> -> memref<96xi32, #tpu.memory_space<vmem>>
        %dma_wait3A_75 = arith.constant 0 : i32
        %dma_wait3A_76 = arith.constant 0 : i32
        %dma_wait3A_77 = tpu.memref_slice %arg2[%dma_wait3A_75, %dma_wait3A_76] : memref<10000x128xbf16, #tpu.memory_space<hbm>> -> memref<10000x128xbf16, #tpu.memory_space<hbm>>
        tpu.wait_indirect_dma semaphore(%arg12 : memref<!tpu.dma_semaphore, #tpu.memory_space<semaphore_mem>>) src(%dma_wait3A_77 : memref<10000x128xbf16, #tpu.memory_space<hbm>>) dst(%arg9 : memref<96x128xbf16, #tpu.memory_space<vmem>>)
        %dma_start3A_78 = arith.constant 0 : i32
        %dma_start3A_79 = tpu.memref_slice %arg8[%mul3A_61, %dma_start3A_78] : memref<86x96xi32, #tpu.memory_space<vmem>> -> memref<1x96xi32, #tpu.memory_space<vmem>>
        %dma_start3A_80 = tpu.memref_squeeze %dma_start3A_79 : memref<1x96xi32, #tpu.memory_space<vmem>> -> memref<96xi32, #tpu.memory_space<vmem>>
        %dma_start3A_81 = arith.constant 0 : i32
        %dma_start3A_82 = arith.constant 0 : i32
        %dma_start3A_83 = tpu.memref_slice %arg11[%dma_start3A_81, %dma_start3A_82] : memref<20480x128xbf16, #tpu.memory_space<vmem_shared>> -> memref<20480x128xbf16, #tpu.memory_space<vmem_shared>>
        tpu.enqueue_indirect_dma source(%arg9 : memref<96x128xbf16, #tpu.memory_space<vmem>>) target(%dma_start3A_83 : memref<20480x128xbf16, #tpu.memory_space<vmem_shared>>) offsets(%dma_start3A_80 : memref<96xi32, #tpu.memory_space<vmem>>) semaphore(%arg13 : memref<!tpu.dma_semaphore, #tpu.memory_space<semaphore_mem>>) {add = true}
        %mul3A_84 = arith.constant 2 : i32
        %mul3A_85 = arith.muli %mul3A_84, %scan3A_58 : i32
        %add3A_86 = arith.constant 1 : i32
        %add3A_87 = arith.addi %mul3A_85, %add3A_86 : i32
        %ge3A_88 = arith.constant 1 : i32
        %ge3A_89 = arith.cmpi sge, %add3A_87, %ge3A_88 : i32
        %convert_element_type3A_90 = arith.extui %ge3A_89 : i1 to i32
        %cond3A_91 = arith.constant 0 : i32
        %cond3A_92 = arith.cmpi ne, %convert_element_type3A_90, %cond3A_91 : i32
        scf.if %cond3A_92 {
          %sub3A = arith.constant 1 : i32
          %sub3A_113 = arith.subi %add3A_87, %sub3A : i32
          %dma_wait3A_114 = arith.constant 0 : i32
          %dma_wait3A_115 = tpu.memref_slice %arg8[%sub3A_113, %dma_wait3A_114] : memref<86x96xi32, #tpu.memory_space<vmem>> -> memref<1x96xi32, #tpu.memory_space<vmem>>
          %dma_wait3A_116 = tpu.memref_squeeze %dma_wait3A_115 : memref<1x96xi32, #tpu.memory_space<vmem>> -> memref<96xi32, #tpu.memory_space<vmem>>
          %dma_wait3A_117 = arith.constant 0 : i32
          %dma_wait3A_118 = arith.constant 0 : i32
          %dma_wait3A_119 = tpu.memref_slice %arg11[%dma_wait3A_117, %dma_wait3A_118] : memref<20480x128xbf16, #tpu.memory_space<vmem_shared>> -> memref<20480x128xbf16, #tpu.memory_space<vmem_shared>>
          tpu.wait_indirect_dma semaphore(%arg13 : memref<!tpu.dma_semaphore, #tpu.memory_space<semaphore_mem>>) src(%arg9 : memref<96x128xbf16, #tpu.memory_space<vmem>>) dst(%dma_wait3A_119 : memref<20480x128xbf16, #tpu.memory_space<vmem_shared>>)
        } else {
        }
        %add3A_93 = arith.constant 1 : i32
        %add3A_94 = arith.addi %add3A_87, %add3A_93 : i32
        %lt3A_95 = arith.constant 86 : i32
        %lt3A_96 = arith.cmpi slt, %add3A_94, %lt3A_95 : i32
        %convert_element_type3A_97 = arith.extui %lt3A_96 : i1 to i32
        %cond3A_98 = arith.constant 0 : i32
        %cond3A_99 = arith.cmpi ne, %convert_element_type3A_97, %cond3A_98 : i32
        scf.if %cond3A_99 {
          %add3A_113 = arith.constant 1 : i32
          %add3A_114 = arith.addi %add3A_87, %add3A_113 : i32
          %dma_start3A_115 = arith.constant 0 : i32
          %dma_start3A_116 = tpu.memref_slice %arg7[%add3A_114, %dma_start3A_115] : memref<86x96xi32, #tpu.memory_space<vmem>> -> memref<1x96xi32, #tpu.memory_space<vmem>>
          %dma_start3A_117 = tpu.memref_squeeze %dma_start3A_116 : memref<1x96xi32, #tpu.memory_space<vmem>> -> memref<96xi32, #tpu.memory_space<vmem>>
          %dma_start3A_118 = arith.constant 0 : i32
          %dma_start3A_119 = arith.constant 0 : i32
          %dma_start3A_120 = tpu.memref_slice %arg2[%dma_start3A_118, %dma_start3A_119] : memref<10000x128xbf16, #tpu.memory_space<hbm>> -> memref<10000x128xbf16, #tpu.memory_space<hbm>>
          tpu.enqueue_indirect_dma source(%dma_start3A_120 : memref<10000x128xbf16, #tpu.memory_space<hbm>>) target(%arg9 : memref<96x128xbf16, #tpu.memory_space<vmem>>) offsets(%dma_start3A_117 : memref<96xi32, #tpu.memory_space<vmem>>) semaphore(%arg12 : memref<!tpu.dma_semaphore, #tpu.memory_space<semaphore_mem>>)
        } else {
        }
        %dma_wait3A_100 = arith.constant 0 : i32
        %dma_wait3A_101 = tpu.memref_slice %arg7[%add3A_87, %dma_wait3A_100] : memref<86x96xi32, #tpu.memory_space<vmem>> -> memref<1x96xi32, #tpu.memory_space<vmem>>
        %dma_wait3A_102 = tpu.memref_squeeze %dma_wait3A_101 : memref<1x96xi32, #tpu.memory_space<vmem>> -> memref<96xi32, #tpu.memory_space<vmem>>
        %dma_wait3A_103 = arith.constant 0 : i32
        %dma_wait3A_104 = arith.constant 0 : i32
        %dma_wait3A_105 = tpu.memref_slice %arg2[%dma_wait3A_103, %dma_wait3A_104] : memref<10000x128xbf16, #tpu.memory_space<hbm>> -> memref<10000x128xbf16, #tpu.memory_space<hbm>>
        tpu.wait_indirect_dma semaphore(%arg12 : memref<!tpu.dma_semaphore, #tpu.memory_space<semaphore_mem>>) src(%dma_wait3A_105 : memref<10000x128xbf16, #tpu.memory_space<hbm>>) dst(%arg10 : memref<96x128xbf16, #tpu.memory_space<vmem>>)
        %dma_start3A_106 = arith.constant 0 : i32
        %dma_start3A_107 = tpu.memref_slice %arg8[%add3A_87, %dma_start3A_106] : memref<86x96xi32, #tpu.memory_space<vmem>> -> memref<1x96xi32, #tpu.memory_space<vmem>>
        %dma_start3A_108 = tpu.memref_squeeze %dma_start3A_107 : memref<1x96xi32, #tpu.memory_space<vmem>> -> memref<96xi32, #tpu.memory_space<vmem>>
        %dma_start3A_109 = arith.constant 0 : i32
        %dma_start3A_110 = arith.constant 0 : i32
        %dma_start3A_111 = tpu.memref_slice %arg11[%dma_start3A_109, %dma_start3A_110] : memref<20480x128xbf16, #tpu.memory_space<vmem_shared>> -> memref<20480x128xbf16, #tpu.memory_space<vmem_shared>>
        tpu.enqueue_indirect_dma source(%arg10 : memref<96x128xbf16, #tpu.memory_space<vmem>>) target(%dma_start3A_111 : memref<20480x128xbf16, #tpu.memory_space<vmem_shared>>) offsets(%dma_start3A_108 : memref<96xi32, #tpu.memory_space<vmem>>) semaphore(%arg13 : memref<!tpu.dma_semaphore, #tpu.memory_space<semaphore_mem>>) {add = true}
        %scan3A_112 = arith.constant 0 : i32
        scf.yield %scan3A_112 : i32
      }
      %scan3A_50 = arith.constant 43 : i32
      %dma_wait3A_51 = arith.constant 85 : i32
      %dma_wait3A_52 = arith.constant 0 : i32
      %dma_wait3A_53 = tpu.memref_slice %arg8[%dma_wait3A_51, %dma_wait3A_52] : memref<86x96xi32, #tpu.memory_space<vmem>> -> memref<1x96xi32, #tpu.memory_space<vmem>>
      %dma_wait3A_54 = tpu.memref_squeeze %dma_wait3A_53 : memref<1x96xi32, #tpu.memory_space<vmem>> -> memref<96xi32, #tpu.memory_space<vmem>>
      %dma_wait3A_55 = arith.constant 0 : i32
      %dma_wait3A_56 = arith.constant 0 : i32
      %dma_wait3A_57 = tpu.memref_slice %arg11[%dma_wait3A_55, %dma_wait3A_56] : memref<20480x128xbf16, #tpu.memory_space<vmem_shared>> -> memref<20480x128xbf16, #tpu.memory_space<vmem_shared>>
      tpu.wait_indirect_dma semaphore(%arg13 : memref<!tpu.dma_semaphore, #tpu.memory_space<semaphore_mem>>) src(%arg10 : memref<96x128xbf16, #tpu.memory_space<vmem>>) dst(%dma_wait3A_57 : memref<20480x128xbf16, #tpu.memory_space<vmem_shared>>)
    } else {
    }
    %ne3A = arith.constant 0 : i32
    %ne3A_4 = arith.cmpi ne, %arg0, %ne3A : i32
    %convert_element_type3A_5 = arith.extui %ne3A_4 : i1 to i32
    %cond3A_6 = arith.constant 0 : i32
    %cond3A_7 = arith.cmpi ne, %convert_element_type3A_5, %cond3A_6 : i32
    scf.if %cond3A_7 {
      %mul3A_13 = arith.constant 40 : i32
      %mul3A_14 = arith.muli %arg1, %mul3A_13 : i32
      %add3A_15 = arith.constant 2752 : i32
      %add3A_16 = arith.addi %add3A_15, %mul3A_14 : i32
      "tpu.region"() ({
        %run_scoped3A = tpu.sem_alloc : memref<!tpu.dma_semaphore, #tpu.memory_space<semaphore_mem>>
        %dma_start3A_35 = arith.constant 0 : i32
        %dma_start3A_36 = arith.constant 0 : i32
        %dma_start3A_37 = tpu.memref_slice %arg7[%dma_start3A_35, %dma_start3A_36] : memref<86x96xi32, #tpu.memory_space<vmem>> -> memref<40x96xi32, #tpu.memory_space<vmem>>
        %dma_start3A_38 = arith.constant 0 : i32
        %dma_start3A_39 = tpu.memref_slice %arg3[%add3A_16, %dma_start3A_38] : memref<3392x96xi32, #tpu.memory_space<hbm>> -> memref<40x96xi32, #tpu.memory_space<hbm>>
        %dma_start3A_40 = arith.constant 0 : i32
        %dma_start3A_41 = arith.constant 0 : i32
        %dma_start3A_42 = tpu.memref_slice %arg7[%dma_start3A_40, %dma_start3A_41] : memref<86x96xi32, #tpu.memory_space<vmem>> -> memref<40x96xi32, #tpu.memory_space<vmem>>
        %dma_start3A_43 = arith.constant 0 : i32
        %dma_start3A_44 = tpu.memref_slice %arg3[%add3A_16, %dma_start3A_43] : memref<3392x96xi32, #tpu.memory_space<hbm>> -> memref<40x96xi32, #tpu.memory_space<hbm>>
        tpu.enqueue_dma source(%dma_start3A_44 : memref<40x96xi32, #tpu.memory_space<hbm>>) target(%dma_start3A_42 : memref<40x96xi32, #tpu.memory_space<vmem>>) target_semaphore(%run_scoped3A : memref<!tpu.dma_semaphore, #tpu.memory_space<semaphore_mem>>)
        %dma_wait3A_45 = arith.constant 0 : i32
        %dma_wait3A_46 = arith.constant 0 : i32
        %dma_wait3A_47 = tpu.memref_slice %arg7[%dma_wait3A_45, %dma_wait3A_46] : memref<86x96xi32, #tpu.memory_space<vmem>> -> memref<40x96xi32, #tpu.memory_space<vmem>>
        %dma_wait3A_48 = arith.constant 0 : i32
        %dma_wait3A_49 = tpu.memref_slice %arg3[%add3A_16, %dma_wait3A_48] : memref<3392x96xi32, #tpu.memory_space<hbm>> -> memref<40x96xi32, #tpu.memory_space<hbm>>
        %dma_wait3A_50 = arith.constant 0 : i32
        %dma_wait3A_51 = arith.constant 0 : i32
        %dma_wait3A_52 = tpu.memref_slice %arg7[%dma_wait3A_50, %dma_wait3A_51] : memref<86x96xi32, #tpu.memory_space<vmem>> -> memref<40x96xi32, #tpu.memory_space<vmem>>
        %dma_wait3A_53 = arith.constant 0 : i32
        %dma_wait3A_54 = tpu.memref_slice %arg3[%add3A_16, %dma_wait3A_53] : memref<3392x96xi32, #tpu.memory_space<hbm>> -> memref<40x96xi32, #tpu.memory_space<hbm>>
        tpu.wait_dma2 semaphore(%run_scoped3A : memref<!tpu.dma_semaphore, #tpu.memory_space<semaphore_mem>>) src(%dma_wait3A_54 : memref<40x96xi32, #tpu.memory_space<hbm>>) dst(%dma_wait3A_52 : memref<40x96xi32, #tpu.memory_space<vmem>>)
        tpu.yield
      }) : () -> ()
      "tpu.region"() ({
        %run_scoped3A = tpu.sem_alloc : memref<!tpu.dma_semaphore, #tpu.memory_space<semaphore_mem>>
        %dma_start3A_35 = arith.constant 0 : i32
        %dma_start3A_36 = arith.constant 0 : i32
        %dma_start3A_37 = tpu.memref_slice %arg8[%dma_start3A_35, %dma_start3A_36] : memref<86x96xi32, #tpu.memory_space<vmem>> -> memref<40x96xi32, #tpu.memory_space<vmem>>
        %dma_start3A_38 = arith.constant 0 : i32
        %dma_start3A_39 = tpu.memref_slice %arg4[%add3A_16, %dma_start3A_38] : memref<3392x96xi32, #tpu.memory_space<hbm>> -> memref<40x96xi32, #tpu.memory_space<hbm>>
        %dma_start3A_40 = arith.constant 0 : i32
        %dma_start3A_41 = arith.constant 0 : i32
        %dma_start3A_42 = tpu.memref_slice %arg8[%dma_start3A_40, %dma_start3A_41] : memref<86x96xi32, #tpu.memory_space<vmem>> -> memref<40x96xi32, #tpu.memory_space<vmem>>
        %dma_start3A_43 = arith.constant 0 : i32
        %dma_start3A_44 = tpu.memref_slice %arg4[%add3A_16, %dma_start3A_43] : memref<3392x96xi32, #tpu.memory_space<hbm>> -> memref<40x96xi32, #tpu.memory_space<hbm>>
        tpu.enqueue_dma source(%dma_start3A_44 : memref<40x96xi32, #tpu.memory_space<hbm>>) target(%dma_start3A_42 : memref<40x96xi32, #tpu.memory_space<vmem>>) target_semaphore(%run_scoped3A : memref<!tpu.dma_semaphore, #tpu.memory_space<semaphore_mem>>)
        %dma_wait3A_45 = arith.constant 0 : i32
        %dma_wait3A_46 = arith.constant 0 : i32
        %dma_wait3A_47 = tpu.memref_slice %arg8[%dma_wait3A_45, %dma_wait3A_46] : memref<86x96xi32, #tpu.memory_space<vmem>> -> memref<40x96xi32, #tpu.memory_space<vmem>>
        %dma_wait3A_48 = arith.constant 0 : i32
        %dma_wait3A_49 = tpu.memref_slice %arg4[%add3A_16, %dma_wait3A_48] : memref<3392x96xi32, #tpu.memory_space<hbm>> -> memref<40x96xi32, #tpu.memory_space<hbm>>
        %dma_wait3A_50 = arith.constant 0 : i32
        %dma_wait3A_51 = arith.constant 0 : i32
        %dma_wait3A_52 = tpu.memref_slice %arg8[%dma_wait3A_50, %dma_wait3A_51] : memref<86x96xi32, #tpu.memory_space<vmem>> -> memref<40x96xi32, #tpu.memory_space<vmem>>
        %dma_wait3A_53 = arith.constant 0 : i32
        %dma_wait3A_54 = tpu.memref_slice %arg4[%add3A_16, %dma_wait3A_53] : memref<3392x96xi32, #tpu.memory_space<hbm>> -> memref<40x96xi32, #tpu.memory_space<hbm>>
        tpu.wait_dma2 semaphore(%run_scoped3A : memref<!tpu.dma_semaphore, #tpu.memory_space<semaphore_mem>>) src(%dma_wait3A_54 : memref<40x96xi32, #tpu.memory_space<hbm>>) dst(%dma_wait3A_52 : memref<40x96xi32, #tpu.memory_space<vmem>>)
        tpu.yield
      }) : () -> ()
      %dma_start3A = arith.constant 0 : i32
      %dma_start3A_17 = arith.constant 0 : i32
      %dma_start3A_18 = tpu.memref_slice %arg7[%dma_start3A, %dma_start3A_17] : memref<86x96xi32, #tpu.memory_space<vmem>> -> memref<1x96xi32, #tpu.memory_space<vmem>>
      %dma_start3A_19 = tpu.memref_squeeze %dma_start3A_18 : memref<1x96xi32, #tpu.memory_space<vmem>> -> memref<96xi32, #tpu.memory_space<vmem>>
      %dma_start3A_20 = arith.constant 0 : i32
      %dma_start3A_21 = arith.constant 0 : i32
      %dma_start3A_22 = tpu.memref_slice %arg2[%dma_start3A_20, %dma_start3A_21] : memref<10000x128xbf16, #tpu.memory_space<hbm>> -> memref<10000x128xbf16, #tpu.memory_space<hbm>>
      tpu.enqueue_indirect_dma source(%dma_start3A_22 : memref<10000x128xbf16, #tpu.memory_space<hbm>>) target(%arg9 : memref<96x128xbf16, #tpu.memory_space<vmem>>) offsets(%dma_start3A_19 : memref<96xi32, #tpu.memory_space<vmem>>) semaphore(%arg12 : memref<!tpu.dma_semaphore, #tpu.memory_space<semaphore_mem>>)
      %scan3A = arith.constant 0 : i32
      %scan3A_23 = arith.constant 0 : i32
      %scan3A_24 = arith.constant 20 : i32
      %scan3A_25 = arith.addi %scan3A_23, %scan3A_24 : i32
      %scan3A_26 = arith.constant 1 : i32
      %scan3A_27 = scf.for %scan3A_35 = %scan3A_23 to %scan3A_25 step %scan3A_26 iter_args(%scan3A_36 = %scan3A) -> (i32)  : i32 {
        %mul3A_37 = arith.constant 2 : i32
        %mul3A_38 = arith.muli %mul3A_37, %scan3A_35 : i32
        %ge3A = arith.constant 1 : i32
        %ge3A_39 = arith.cmpi sge, %mul3A_38, %ge3A : i32
        %convert_element_type3A_40 = arith.extui %ge3A_39 : i1 to i32
        %cond3A_41 = arith.constant 0 : i32
        %cond3A_42 = arith.cmpi ne, %convert_element_type3A_40, %cond3A_41 : i32
        scf.if %cond3A_42 {
          %sub3A = arith.constant 1 : i32
          %sub3A_90 = arith.subi %mul3A_38, %sub3A : i32
          %dma_wait3A_91 = arith.constant 0 : i32
          %dma_wait3A_92 = tpu.memref_slice %arg8[%sub3A_90, %dma_wait3A_91] : memref<86x96xi32, #tpu.memory_space<vmem>> -> memref<1x96xi32, #tpu.memory_space<vmem>>
          %dma_wait3A_93 = tpu.memref_squeeze %dma_wait3A_92 : memref<1x96xi32, #tpu.memory_space<vmem>> -> memref<96xi32, #tpu.memory_space<vmem>>
          %dma_wait3A_94 = arith.constant 0 : i32
          %dma_wait3A_95 = arith.constant 0 : i32
          %dma_wait3A_96 = tpu.memref_slice %arg11[%dma_wait3A_94, %dma_wait3A_95] : memref<20480x128xbf16, #tpu.memory_space<vmem_shared>> -> memref<20480x128xbf16, #tpu.memory_space<vmem_shared>>
          tpu.wait_indirect_dma semaphore(%arg13 : memref<!tpu.dma_semaphore, #tpu.memory_space<semaphore_mem>>) src(%arg10 : memref<96x128xbf16, #tpu.memory_space<vmem>>) dst(%dma_wait3A_96 : memref<20480x128xbf16, #tpu.memory_space<vmem_shared>>)
        } else {
        }
        %add3A_43 = arith.constant 1 : i32
        %add3A_44 = arith.addi %mul3A_38, %add3A_43 : i32
        %lt3A = arith.constant 40 : i32
        %lt3A_45 = arith.cmpi slt, %add3A_44, %lt3A : i32
        %convert_element_type3A_46 = arith.extui %lt3A_45 : i1 to i32
        %cond3A_47 = arith.constant 0 : i32
        %cond3A_48 = arith.cmpi ne, %convert_element_type3A_46, %cond3A_47 : i32
        scf.if %cond3A_48 {
          %add3A_90 = arith.constant 1 : i32
          %add3A_91 = arith.addi %mul3A_38, %add3A_90 : i32
          %dma_start3A_92 = arith.constant 0 : i32
          %dma_start3A_93 = tpu.memref_slice %arg7[%add3A_91, %dma_start3A_92] : memref<86x96xi32, #tpu.memory_space<vmem>> -> memref<1x96xi32, #tpu.memory_space<vmem>>
          %dma_start3A_94 = tpu.memref_squeeze %dma_start3A_93 : memref<1x96xi32, #tpu.memory_space<vmem>> -> memref<96xi32, #tpu.memory_space<vmem>>
          %dma_start3A_95 = arith.constant 0 : i32
          %dma_start3A_96 = arith.constant 0 : i32
          %dma_start3A_97 = tpu.memref_slice %arg2[%dma_start3A_95, %dma_start3A_96] : memref<10000x128xbf16, #tpu.memory_space<hbm>> -> memref<10000x128xbf16, #tpu.memory_space<hbm>>
          tpu.enqueue_indirect_dma source(%dma_start3A_97 : memref<10000x128xbf16, #tpu.memory_space<hbm>>) target(%arg10 : memref<96x128xbf16, #tpu.memory_space<vmem>>) offsets(%dma_start3A_94 : memref<96xi32, #tpu.memory_space<vmem>>) semaphore(%arg12 : memref<!tpu.dma_semaphore, #tpu.memory_space<semaphore_mem>>)
        } else {
        }
        %dma_wait3A_49 = arith.constant 0 : i32
        %dma_wait3A_50 = tpu.memref_slice %arg7[%mul3A_38, %dma_wait3A_49] : memref<86x96xi32, #tpu.memory_space<vmem>> -> memref<1x96xi32, #tpu.memory_space<vmem>>
        %dma_wait3A_51 = tpu.memref_squeeze %dma_wait3A_50 : memref<1x96xi32, #tpu.memory_space<vmem>> -> memref<96xi32, #tpu.memory_space<vmem>>
        %dma_wait3A_52 = arith.constant 0 : i32
        %dma_wait3A_53 = arith.constant 0 : i32
        %dma_wait3A_54 = tpu.memref_slice %arg2[%dma_wait3A_52, %dma_wait3A_53] : memref<10000x128xbf16, #tpu.memory_space<hbm>> -> memref<10000x128xbf16, #tpu.memory_space<hbm>>
        tpu.wait_indirect_dma semaphore(%arg12 : memref<!tpu.dma_semaphore, #tpu.memory_space<semaphore_mem>>) src(%dma_wait3A_54 : memref<10000x128xbf16, #tpu.memory_space<hbm>>) dst(%arg9 : memref<96x128xbf16, #tpu.memory_space<vmem>>)
        %dma_start3A_55 = arith.constant 0 : i32
        %dma_start3A_56 = tpu.memref_slice %arg8[%mul3A_38, %dma_start3A_55] : memref<86x96xi32, #tpu.memory_space<vmem>> -> memref<1x96xi32, #tpu.memory_space<vmem>>
        %dma_start3A_57 = tpu.memref_squeeze %dma_start3A_56 : memref<1x96xi32, #tpu.memory_space<vmem>> -> memref<96xi32, #tpu.memory_space<vmem>>
        %dma_start3A_58 = arith.constant 0 : i32
        %dma_start3A_59 = arith.constant 0 : i32
        %dma_start3A_60 = tpu.memref_slice %arg11[%dma_start3A_58, %dma_start3A_59] : memref<20480x128xbf16, #tpu.memory_space<vmem_shared>> -> memref<20480x128xbf16, #tpu.memory_space<vmem_shared>>
        tpu.enqueue_indirect_dma source(%arg9 : memref<96x128xbf16, #tpu.memory_space<vmem>>) target(%dma_start3A_60 : memref<20480x128xbf16, #tpu.memory_space<vmem_shared>>) offsets(%dma_start3A_57 : memref<96xi32, #tpu.memory_space<vmem>>) semaphore(%arg13 : memref<!tpu.dma_semaphore, #tpu.memory_space<semaphore_mem>>) {add = true}
        %mul3A_61 = arith.constant 2 : i32
        %mul3A_62 = arith.muli %mul3A_61, %scan3A_35 : i32
        %add3A_63 = arith.constant 1 : i32
        %add3A_64 = arith.addi %mul3A_62, %add3A_63 : i32
        %ge3A_65 = arith.constant 1 : i32
        %ge3A_66 = arith.cmpi sge, %add3A_64, %ge3A_65 : i32
        %convert_element_type3A_67 = arith.extui %ge3A_66 : i1 to i32
        %cond3A_68 = arith.constant 0 : i32
        %cond3A_69 = arith.cmpi ne, %convert_element_type3A_67, %cond3A_68 : i32
        scf.if %cond3A_69 {
          %sub3A = arith.constant 1 : i32
          %sub3A_90 = arith.subi %add3A_64, %sub3A : i32
          %dma_wait3A_91 = arith.constant 0 : i32
          %dma_wait3A_92 = tpu.memref_slice %arg8[%sub3A_90, %dma_wait3A_91] : memref<86x96xi32, #tpu.memory_space<vmem>> -> memref<1x96xi32, #tpu.memory_space<vmem>>
          %dma_wait3A_93 = tpu.memref_squeeze %dma_wait3A_92 : memref<1x96xi32, #tpu.memory_space<vmem>> -> memref<96xi32, #tpu.memory_space<vmem>>
          %dma_wait3A_94 = arith.constant 0 : i32
          %dma_wait3A_95 = arith.constant 0 : i32
          %dma_wait3A_96 = tpu.memref_slice %arg11[%dma_wait3A_94, %dma_wait3A_95] : memref<20480x128xbf16, #tpu.memory_space<vmem_shared>> -> memref<20480x128xbf16, #tpu.memory_space<vmem_shared>>
          tpu.wait_indirect_dma semaphore(%arg13 : memref<!tpu.dma_semaphore, #tpu.memory_space<semaphore_mem>>) src(%arg9 : memref<96x128xbf16, #tpu.memory_space<vmem>>) dst(%dma_wait3A_96 : memref<20480x128xbf16, #tpu.memory_space<vmem_shared>>)
        } else {
        }
        %add3A_70 = arith.constant 1 : i32
        %add3A_71 = arith.addi %add3A_64, %add3A_70 : i32
        %lt3A_72 = arith.constant 40 : i32
        %lt3A_73 = arith.cmpi slt, %add3A_71, %lt3A_72 : i32
        %convert_element_type3A_74 = arith.extui %lt3A_73 : i1 to i32
        %cond3A_75 = arith.constant 0 : i32
        %cond3A_76 = arith.cmpi ne, %convert_element_type3A_74, %cond3A_75 : i32
        scf.if %cond3A_76 {
          %add3A_90 = arith.constant 1 : i32
          %add3A_91 = arith.addi %add3A_64, %add3A_90 : i32
          %dma_start3A_92 = arith.constant 0 : i32
          %dma_start3A_93 = tpu.memref_slice %arg7[%add3A_91, %dma_start3A_92] : memref<86x96xi32, #tpu.memory_space<vmem>> -> memref<1x96xi32, #tpu.memory_space<vmem>>
          %dma_start3A_94 = tpu.memref_squeeze %dma_start3A_93 : memref<1x96xi32, #tpu.memory_space<vmem>> -> memref<96xi32, #tpu.memory_space<vmem>>
          %dma_start3A_95 = arith.constant 0 : i32
          %dma_start3A_96 = arith.constant 0 : i32
          %dma_start3A_97 = tpu.memref_slice %arg2[%dma_start3A_95, %dma_start3A_96] : memref<10000x128xbf16, #tpu.memory_space<hbm>> -> memref<10000x128xbf16, #tpu.memory_space<hbm>>
          tpu.enqueue_indirect_dma source(%dma_start3A_97 : memref<10000x128xbf16, #tpu.memory_space<hbm>>) target(%arg9 : memref<96x128xbf16, #tpu.memory_space<vmem>>) offsets(%dma_start3A_94 : memref<96xi32, #tpu.memory_space<vmem>>) semaphore(%arg12 : memref<!tpu.dma_semaphore, #tpu.memory_space<semaphore_mem>>)
        } else {
        }
        %dma_wait3A_77 = arith.constant 0 : i32
        %dma_wait3A_78 = tpu.memref_slice %arg7[%add3A_64, %dma_wait3A_77] : memref<86x96xi32, #tpu.memory_space<vmem>> -> memref<1x96xi32, #tpu.memory_space<vmem>>
        %dma_wait3A_79 = tpu.memref_squeeze %dma_wait3A_78 : memref<1x96xi32, #tpu.memory_space<vmem>> -> memref<96xi32, #tpu.memory_space<vmem>>
        %dma_wait3A_80 = arith.constant 0 : i32
        %dma_wait3A_81 = arith.constant 0 : i32
        %dma_wait3A_82 = tpu.memref_slice %arg2[%dma_wait3A_80, %dma_wait3A_81] : memref<10000x128xbf16, #tpu.memory_space<hbm>> -> memref<10000x128xbf16, #tpu.memory_space<hbm>>
        tpu.wait_indirect_dma semaphore(%arg12 : memref<!tpu.dma_semaphore, #tpu.memory_space<semaphore_mem>>) src(%dma_wait3A_82 : memref<10000x128xbf16, #tpu.memory_space<hbm>>) dst(%arg10 : memref<96x128xbf16, #tpu.memory_space<vmem>>)
        %dma_start3A_83 = arith.constant 0 : i32
        %dma_start3A_84 = tpu.memref_slice %arg8[%add3A_64, %dma_start3A_83] : memref<86x96xi32, #tpu.memory_space<vmem>> -> memref<1x96xi32, #tpu.memory_space<vmem>>
        %dma_start3A_85 = tpu.memref_squeeze %dma_start3A_84 : memref<1x96xi32, #tpu.memory_space<vmem>> -> memref<96xi32, #tpu.memory_space<vmem>>
        %dma_start3A_86 = arith.constant 0 : i32
        %dma_start3A_87 = arith.constant 0 : i32
        %dma_start3A_88 = tpu.memref_slice %arg11[%dma_start3A_86, %dma_start3A_87] : memref<20480x128xbf16, #tpu.memory_space<vmem_shared>> -> memref<20480x128xbf16, #tpu.memory_space<vmem_shared>>
        tpu.enqueue_indirect_dma source(%arg10 : memref<96x128xbf16, #tpu.memory_space<vmem>>) target(%dma_start3A_88 : memref<20480x128xbf16, #tpu.memory_space<vmem_shared>>) offsets(%dma_start3A_85 : memref<96xi32, #tpu.memory_space<vmem>>) semaphore(%arg13 : memref<!tpu.dma_semaphore, #tpu.memory_space<semaphore_mem>>) {add = true}
        %scan3A_89 = arith.constant 0 : i32
        scf.yield %scan3A_89 : i32
      }
      %scan3A_28 = arith.constant 20 : i32
      %dma_wait3A = arith.constant 39 : i32
      %dma_wait3A_29 = arith.constant 0 : i32
      %dma_wait3A_30 = tpu.memref_slice %arg8[%dma_wait3A, %dma_wait3A_29] : memref<86x96xi32, #tpu.memory_space<vmem>> -> memref<1x96xi32, #tpu.memory_space<vmem>>
      %dma_wait3A_31 = tpu.memref_squeeze %dma_wait3A_30 : memref<1x96xi32, #tpu.memory_space<vmem>> -> memref<96xi32, #tpu.memory_space<vmem>>
      %dma_wait3A_32 = arith.constant 0 : i32
      %dma_wait3A_33 = arith.constant 0 : i32
      %dma_wait3A_34 = tpu.memref_slice %arg11[%dma_wait3A_32, %dma_wait3A_33] : memref<20480x128xbf16, #tpu.memory_space<vmem_shared>> -> memref<20480x128xbf16, #tpu.memory_space<vmem_shared>>
      tpu.wait_indirect_dma semaphore(%arg13 : memref<!tpu.dma_semaphore, #tpu.memory_space<semaphore_mem>>) src(%arg10 : memref<96x128xbf16, #tpu.memory_space<vmem>>) dst(%dma_wait3A_34 : memref<20480x128xbf16, #tpu.memory_space<vmem_shared>>)
    } else {
    }
    %barrier3A_8 = arith.constant 0 : index
    tpu.barrier barrier_id(%barrier3A_8)
    "tpu.region"() ({
      %run_scoped3A = tpu.sem_alloc : memref<!tpu.dma_semaphore, #tpu.memory_space<semaphore_mem>>
      %dma_start3A = arith.constant 0 : i32
      %dma_start3A_13 = tpu.memref_slice %arg6[%arg0, %mul3A_0, %dma_start3A] : memref<2x20480x128xbf16, #tpu.memory_space<hbm>> -> memref<1x640x128xbf16, #tpu.memory_space<hbm>>
      %dma_start3A_14 = tpu.memref_squeeze %dma_start3A_13 : memref<1x640x128xbf16, #tpu.memory_space<hbm>> -> memref<640x128xbf16, #tpu.memory_space<hbm>>
      %dma_start3A_15 = arith.constant 0 : i32
      %dma_start3A_16 = tpu.memref_slice %arg11[%mul3A_0, %dma_start3A_15] : memref<20480x128xbf16, #tpu.memory_space<vmem_shared>> -> memref<640x128xbf16, #tpu.memory_space<vmem_shared>>
      tpu.enqueue_dma source(%dma_start3A_16 : memref<640x128xbf16, #tpu.memory_space<vmem_shared>>) target(%dma_start3A_14 : memref<640x128xbf16, #tpu.memory_space<hbm>>) target_semaphore(%run_scoped3A : memref<!tpu.dma_semaphore, #tpu.memory_space<semaphore_mem>>)
      %dma_wait3A = arith.constant 0 : i32
      %dma_wait3A_17 = tpu.memref_slice %arg6[%arg0, %mul3A_0, %dma_wait3A] : memref<2x20480x128xbf16, #tpu.memory_space<hbm>> -> memref<1x640x128xbf16, #tpu.memory_space<hbm>>
      %dma_wait3A_18 = tpu.memref_squeeze %dma_wait3A_17 : memref<1x640x128xbf16, #tpu.memory_space<hbm>> -> memref<640x128xbf16, #tpu.memory_space<hbm>>
      %dma_wait3A_19 = arith.constant 0 : i32
      %dma_wait3A_20 = tpu.memref_slice %arg11[%mul3A_0, %dma_wait3A_19] : memref<20480x128xbf16, #tpu.memory_space<vmem_shared>> -> memref<640x128xbf16, #tpu.memory_space<vmem_shared>>
      tpu.wait_dma2 semaphore(%run_scoped3A : memref<!tpu.dma_semaphore, #tpu.memory_space<semaphore_mem>>) src(%dma_wait3A_20 : memref<640x128xbf16, #tpu.memory_space<vmem_shared>>) dst(%dma_wait3A_18 : memref<640x128xbf16, #tpu.memory_space<hbm>>)
      tpu.yield
    }) : () -> ()
    %add3A_9 = arith.constant 10240 : i32
    %add3A_10 = arith.addi %add3A_9, %mul3A_0 : i32
    %add3A_11 = arith.constant 10240 : i32
    %add3A_12 = arith.addi %add3A_11, %mul3A_0 : i32
    "tpu.region"() ({
      %run_scoped3A = tpu.sem_alloc : memref<!tpu.dma_semaphore, #tpu.memory_space<semaphore_mem>>
      %dma_start3A = arith.constant 0 : i32
      %dma_start3A_13 = tpu.memref_slice %arg6[%arg0, %add3A_12, %dma_start3A] : memref<2x20480x128xbf16, #tpu.memory_space<hbm>> -> memref<1x640x128xbf16, #tpu.memory_space<hbm>>
      %dma_start3A_14 = tpu.memref_squeeze %dma_start3A_13 : memref<1x640x128xbf16, #tpu.memory_space<hbm>> -> memref<640x128xbf16, #tpu.memory_space<hbm>>
      %dma_start3A_15 = arith.constant 0 : i32
      %dma_start3A_16 = tpu.memref_slice %arg11[%add3A_10, %dma_start3A_15] : memref<20480x128xbf16, #tpu.memory_space<vmem_shared>> -> memref<640x128xbf16, #tpu.memory_space<vmem_shared>>
      tpu.enqueue_dma source(%dma_start3A_16 : memref<640x128xbf16, #tpu.memory_space<vmem_shared>>) target(%dma_start3A_14 : memref<640x128xbf16, #tpu.memory_space<hbm>>) target_semaphore(%run_scoped3A : memref<!tpu.dma_semaphore, #tpu.memory_space<semaphore_mem>>)
      %dma_wait3A = arith.constant 0 : i32
      %dma_wait3A_17 = tpu.memref_slice %arg6[%arg0, %add3A_12, %dma_wait3A] : memref<2x20480x128xbf16, #tpu.memory_space<hbm>> -> memref<1x640x128xbf16, #tpu.memory_space<hbm>>
      %dma_wait3A_18 = tpu.memref_squeeze %dma_wait3A_17 : memref<1x640x128xbf16, #tpu.memory_space<hbm>> -> memref<640x128xbf16, #tpu.memory_space<hbm>>
      %dma_wait3A_19 = arith.constant 0 : i32
      %dma_wait3A_20 = tpu.memref_slice %arg11[%add3A_10, %dma_wait3A_19] : memref<20480x128xbf16, #tpu.memory_space<vmem_shared>> -> memref<640x128xbf16, #tpu.memory_space<vmem_shared>>
      tpu.wait_dma2 semaphore(%run_scoped3A : memref<!tpu.dma_semaphore, #tpu.memory_space<semaphore_mem>>) src(%dma_wait3A_20 : memref<640x128xbf16, #tpu.memory_space<vmem_shared>>) dst(%dma_wait3A_18 : memref<640x128xbf16, #tpu.memory_space<hbm>>)
      tpu.yield
    }) : () -> ()
    return
  }
}

module attributes {stable_mosaic.version = 14 : i64} {
  func.func @_tc1_body(%arg0: memref<10000x128xf32, #tpu.memory_space<vmem>>, %arg1: memref<128x128xf32, #tpu.memory_space<vmem>>, %arg2: memref<2x10240xf32, #tpu.memory_space<vmem>>, %arg3: memref<10000x128xf32, #tpu.memory_space<vmem>>, %arg4: memref<10000x128xbf16, #tpu.memory_space<vmem>>, %arg5: memref<10000xf32, #tpu.memory_space<vmem>>) attributes {dimension_semantics = [], scalar_prefetch = 0 : i64, scratch_operands = 0 : i64, tpu.core_type = #tpu.core_type<tc>} {
    %get3A = arith.constant 0 : index
    %get3A_0 = arith.constant 0 : index
    %get3A_1 = vector.load %arg2[%get3A, %get3A_0] : memref<2x10240xf32, #tpu.memory_space<vmem>>, vector<1x10000xf32>
    %get3A_2 = vector.shape_cast %get3A_1 : vector<1x10000xf32> to vector<10000xf32>
    %get3A_3 = arith.constant 1 : index
    %get3A_4 = arith.constant 0 : index
    %get3A_5 = vector.load %arg2[%get3A_3, %get3A_4] : memref<2x10240xf32, #tpu.memory_space<vmem>>, vector<1x10000xf32>
    %get3A_6 = vector.shape_cast %get3A_5 : vector<1x10000xf32> to vector<10000xf32>
    %add3A = arith.addf %get3A_2, %get3A_6 : vector<10000xf32>
    %add3A_7 = arith.constant 1.000000e+00 : f32
    %add3A_8 = vector.broadcast %add3A_7 : f32 to vector<10000xf32>
    %add3A_9 = arith.addf %add3A, %add3A_8 : vector<10000xf32>
    %rsqrt3A = math.rsqrt %add3A_9 : vector<10000xf32>
    %swap3A = arith.constant 0 : index
    %swap3A_10 = vector.load %arg5[%swap3A] : memref<10000xf32, #tpu.memory_space<vmem>>, vector<10000xf32>
    tpu.vector_store %arg5[%swap3A], %rsqrt3A {strides = array<i32>} : memref<10000xf32, #tpu.memory_space<vmem>>, vector<10000xf32>,
    %get3A_11 = arith.constant 0 : index
    %get3A_12 = arith.constant 0 : index
    %get3A_13 = vector.load %arg0[%get3A_11, %get3A_12] : memref<10000x128xf32, #tpu.memory_space<vmem>>, vector<10000x128xf32>
    %get3A_14 = arith.constant 0 : index
    %get3A_15 = arith.constant 0 : index
    %get3A_16 = vector.load %arg1[%get3A_14, %get3A_15] : memref<128x128xf32, #tpu.memory_space<vmem>>, vector<128x128xf32>
    %dot_general3A = arith.constant dense<0.000000e+00> : vector<10000x128xf32>
    %dot_general3A_17 = tpu.matmul %get3A_13, %get3A_16, %dot_general3A {dimension_numbers = #tpu.dot_dimension_numbers<[1], [0], [0], [1], [0, 0, 1, 1], [], []>, transpose_lhs_hint = false} : vector<10000x128xf32>, vector<128x128xf32>, vector<10000x128xf32> -> vector<10000x128xf32>
    %broadcast_in_dim3A = vector.shape_cast %rsqrt3A : vector<10000xf32> to vector<10000x1xf32>
    %mul3A = vector.broadcast %broadcast_in_dim3A : vector<10000x1xf32> to vector<10000x128xf32>
    %mul3A_18 = arith.mulf %dot_general3A_17, %mul3A : vector<10000x128xf32>
    %swap3A_19 = arith.constant 0 : index
    %swap3A_20 = arith.constant 0 : index
    %swap3A_21 = vector.load %arg3[%swap3A_19, %swap3A_20] : memref<10000x128xf32, #tpu.memory_space<vmem>>, vector<10000x128xf32>
    tpu.vector_store %arg3[%swap3A_19, %swap3A_20], %mul3A_18 {strides = array<i32>} : memref<10000x128xf32, #tpu.memory_space<vmem>>, vector<10000x128xf32>,
    %convert_element_type3A = arith.truncf %mul3A_18 : vector<10000x128xf32> to vector<10000x128xbf16>
    %swap3A_22 = arith.constant 0 : index
    %swap3A_23 = arith.constant 0 : index
    %swap3A_24 = vector.load %arg4[%swap3A_22, %swap3A_23] : memref<10000x128xbf16, #tpu.memory_space<vmem>>, vector<10000x128xbf16>
    tpu.vector_store %arg4[%swap3A_22, %swap3A_23], %convert_element_type3A {strides = array<i32>} : memref<10000x128xbf16, #tpu.memory_space<vmem>>, vector<10000x128xbf16>,
    return
  }
}

module attributes {stable_mosaic.version = 14 : i64} {
  func.func @_tc2_body(%arg0: memref<2x20480x128xbf16, #tpu.memory_space<vmem>>, %arg1: memref<10000x128xf32, #tpu.memory_space<vmem>>, %arg2: memref<10000xf32, #tpu.memory_space<vmem>>, %arg3: memref<128xf32, #tpu.memory_space<vmem>>, %arg4: memref<128xf32, #tpu.memory_space<vmem>>, %arg5: memref<128xf32, #tpu.memory_space<vmem>>, %arg6: memref<128x128xf32, #tpu.memory_space<vmem>>, %arg7: memref<10000x128xf32, #tpu.memory_space<vmem>>, %arg8: memref<10000x128xf32, #tpu.memory_space<vmem>>, %arg9: memref<10000x128xbf16, #tpu.memory_space<vmem>>) attributes {dimension_semantics = [], scalar_prefetch = 0 : i64, scratch_operands = 0 : i64, tpu.core_type = #tpu.core_type<tc>} {
    %get3A = arith.constant 0 : index
    %get3A_0 = vector.load %arg2[%get3A] : memref<10000xf32, #tpu.memory_space<vmem>>, vector<10000xf32>
    %get3A_1 = arith.constant 0 : index
    %get3A_2 = arith.constant 0 : index
    %get3A_3 = vector.load %arg1[%get3A_1, %get3A_2] : memref<10000x128xf32, #tpu.memory_space<vmem>>, vector<10000x128xf32>
    %get3A_4 = arith.constant 0 : index
    %get3A_5 = arith.constant 0 : index
    %get3A_6 = arith.constant 0 : index
    %get3A_7 = vector.load %arg0[%get3A_4, %get3A_5, %get3A_6] : memref<2x20480x128xbf16, #tpu.memory_space<vmem>>, vector<1x10000x128xbf16>
    %get3A_8 = vector.shape_cast %get3A_7 : vector<1x10000x128xbf16> to vector<10000x128xbf16>
    %convert_element_type3A = arith.extf %get3A_8 : vector<10000x128xbf16> to vector<10000x128xf32>
    %get3A_9 = arith.constant 0 : index
    %get3A_10 = arith.constant 10240 : index
    %get3A_11 = arith.constant 0 : index
    %get3A_12 = vector.load %arg0[%get3A_9, %get3A_10, %get3A_11] : memref<2x20480x128xbf16, #tpu.memory_space<vmem>>, vector<1x10000x128xbf16>
    %get3A_13 = vector.shape_cast %get3A_12 : vector<1x10000x128xbf16> to vector<10000x128xbf16>
    %convert_element_type3A_14 = arith.extf %get3A_13 : vector<10000x128xbf16> to vector<10000x128xf32>
    %add3A = arith.addf %convert_element_type3A, %convert_element_type3A_14 : vector<10000x128xf32>
    %get3A_15 = arith.constant 1 : index
    %get3A_16 = arith.constant 0 : index
    %get3A_17 = arith.constant 0 : index
    %get3A_18 = vector.load %arg0[%get3A_15, %get3A_16, %get3A_17] : memref<2x20480x128xbf16, #tpu.memory_space<vmem>>, vector<1x10000x128xbf16>
    %get3A_19 = vector.shape_cast %get3A_18 : vector<1x10000x128xbf16> to vector<10000x128xbf16>
    %convert_element_type3A_20 = arith.extf %get3A_19 : vector<10000x128xbf16> to vector<10000x128xf32>
    %add3A_21 = arith.addf %add3A, %convert_element_type3A_20 : vector<10000x128xf32>
    %get3A_22 = arith.constant 1 : index
    %get3A_23 = arith.constant 10240 : index
    %get3A_24 = arith.constant 0 : index
    %get3A_25 = vector.load %arg0[%get3A_22, %get3A_23, %get3A_24] : memref<2x20480x128xbf16, #tpu.memory_space<vmem>>, vector<1x10000x128xbf16>
    %get3A_26 = vector.shape_cast %get3A_25 : vector<1x10000x128xbf16> to vector<10000x128xbf16>
    %convert_element_type3A_27 = arith.extf %get3A_26 : vector<10000x128xbf16> to vector<10000x128xf32>
    %add3A_28 = arith.addf %add3A_21, %convert_element_type3A_27 : vector<10000x128xf32>
    %add3A_29 = arith.addf %add3A_28, %get3A_3 : vector<10000x128xf32>
    %broadcast_in_dim3A = vector.shape_cast %get3A_0 : vector<10000xf32> to vector<10000x1xf32>
    %mul3A = vector.broadcast %broadcast_in_dim3A : vector<10000x1xf32> to vector<10000x128xf32>
    %mul3A_30 = arith.mulf %add3A_29, %mul3A : vector<10000x128xf32>
    %get3A_31 = arith.constant 0 : index
    %get3A_32 = vector.load %arg3[%get3A_31] : memref<128xf32, #tpu.memory_space<vmem>>, vector<128xf32>
    %broadcast_in_dim3A_33 = vector.shape_cast %get3A_32 : vector<128xf32> to vector<1x128xf32>
    %add3A_34 = vector.broadcast %broadcast_in_dim3A_33 : vector<1x128xf32> to vector<10000x128xf32>
    %add3A_35 = arith.addf %mul3A_30, %add3A_34 : vector<10000x128xf32>
    %get3A_36 = arith.constant 0 : index
    %get3A_37 = vector.load %arg4[%get3A_36] : memref<128xf32, #tpu.memory_space<vmem>>, vector<128xf32>
    %get3A_38 = arith.constant 0 : index
    %get3A_39 = vector.load %arg5[%get3A_38] : memref<128xf32, #tpu.memory_space<vmem>>, vector<128xf32>
    %reduce_sum3A = arith.constant dense<0.000000e+00> : vector<128xf32>
    %reduce_sum3A_40 = vector.multi_reduction <add>, %add3A_35, %reduce_sum3A [0] : vector<10000x128xf32> to vector<128xf32>
    %div3A = arith.constant 1.000000e+04 : f32
    %div3A_41 = vector.broadcast %div3A : f32 to vector<128xf32>
    %div3A_42 = arith.divf %reduce_sum3A_40, %div3A_41 : vector<128xf32>
    %broadcast_in_dim3A_43 = vector.shape_cast %div3A_42 : vector<128xf32> to vector<1x128xf32>
    %sub3A = vector.broadcast %broadcast_in_dim3A_43 : vector<1x128xf32> to vector<10000x128xf32>
    %sub3A_44 = arith.subf %add3A_35, %sub3A : vector<10000x128xf32>
    %square3A = arith.mulf %sub3A_44, %sub3A_44 : vector<10000x128xf32>
    %reduce_sum3A_45 = arith.constant dense<0.000000e+00> : vector<128xf32>
    %reduce_sum3A_46 = vector.multi_reduction <add>, %square3A, %reduce_sum3A_45 [0] : vector<10000x128xf32> to vector<128xf32>
    %div3A_47 = arith.constant 1.000000e+04 : f32
    %div3A_48 = vector.broadcast %div3A_47 : f32 to vector<128xf32>
    %div3A_49 = arith.divf %reduce_sum3A_46, %div3A_48 : vector<128xf32>
    %broadcast_in_dim3A_50 = vector.shape_cast %div3A_42 : vector<128xf32> to vector<1x128xf32>
    %sub3A_51 = vector.broadcast %broadcast_in_dim3A_50 : vector<1x128xf32> to vector<10000x128xf32>
    %sub3A_52 = arith.subf %add3A_35, %sub3A_51 : vector<10000x128xf32>
    %add3A_53 = arith.constant 9.99999974E-6 : f32
    %add3A_54 = vector.broadcast %add3A_53 : f32 to vector<128xf32>
    %add3A_55 = arith.addf %div3A_49, %add3A_54 : vector<128xf32>
    %rsqrt3A = math.rsqrt %add3A_55 : vector<128xf32>
    %broadcast_in_dim3A_56 = vector.shape_cast %rsqrt3A : vector<128xf32> to vector<1x128xf32>
    %mul3A_57 = vector.broadcast %broadcast_in_dim3A_56 : vector<1x128xf32> to vector<10000x128xf32>
    %mul3A_58 = arith.mulf %sub3A_52, %mul3A_57 : vector<10000x128xf32>
    %broadcast_in_dim3A_59 = vector.shape_cast %get3A_37 : vector<128xf32> to vector<1x128xf32>
    %mul3A_60 = vector.broadcast %broadcast_in_dim3A_59 : vector<1x128xf32> to vector<10000x128xf32>
    %mul3A_61 = arith.mulf %mul3A_58, %mul3A_60 : vector<10000x128xf32>
    %broadcast_in_dim3A_62 = vector.shape_cast %get3A_39 : vector<128xf32> to vector<1x128xf32>
    %add3A_63 = vector.broadcast %broadcast_in_dim3A_62 : vector<1x128xf32> to vector<10000x128xf32>
    %add3A_64 = arith.addf %mul3A_61, %add3A_63 : vector<10000x128xf32>
    %swap3A = arith.constant 0 : index
    %swap3A_65 = arith.constant 0 : index
    %swap3A_66 = vector.load %arg7[%swap3A, %swap3A_65] : memref<10000x128xf32, #tpu.memory_space<vmem>>, vector<10000x128xf32>
    tpu.vector_store %arg7[%swap3A, %swap3A_65], %add3A_64 {strides = array<i32>} : memref<10000x128xf32, #tpu.memory_space<vmem>>, vector<10000x128xf32>,
    %get3A_67 = arith.constant 0 : index
    %get3A_68 = arith.constant 0 : index
    %get3A_69 = vector.load %arg6[%get3A_67, %get3A_68] : memref<128x128xf32, #tpu.memory_space<vmem>>, vector<128x128xf32>
    %dot_general3A = arith.constant dense<0.000000e+00> : vector<10000x128xf32>
    %dot_general3A_70 = tpu.matmul %add3A_64, %get3A_69, %dot_general3A {dimension_numbers = #tpu.dot_dimension_numbers<[1], [0], [0], [1], [0, 0, 1, 1], [], []>, transpose_lhs_hint = false} : vector<10000x128xf32>, vector<128x128xf32>, vector<10000x128xf32> -> vector<10000x128xf32>
    %broadcast_in_dim3A_71 = vector.shape_cast %get3A_0 : vector<10000xf32> to vector<10000x1xf32>
    %mul3A_72 = vector.broadcast %broadcast_in_dim3A_71 : vector<10000x1xf32> to vector<10000x128xf32>
    %mul3A_73 = arith.mulf %dot_general3A_70, %mul3A_72 : vector<10000x128xf32>
    %swap3A_74 = arith.constant 0 : index
    %swap3A_75 = arith.constant 0 : index
    %swap3A_76 = vector.load %arg8[%swap3A_74, %swap3A_75] : memref<10000x128xf32, #tpu.memory_space<vmem>>, vector<10000x128xf32>
    tpu.vector_store %arg8[%swap3A_74, %swap3A_75], %mul3A_73 {strides = array<i32>} : memref<10000x128xf32, #tpu.memory_space<vmem>>, vector<10000x128xf32>,
    %convert_element_type3A_77 = arith.truncf %mul3A_73 : vector<10000x128xf32> to vector<10000x128xbf16>
    %swap3A_78 = arith.constant 0 : index
    %swap3A_79 = arith.constant 0 : index
    %swap3A_80 = vector.load %arg9[%swap3A_78, %swap3A_79] : memref<10000x128xbf16, #tpu.memory_space<vmem>>, vector<10000x128xbf16>
    tpu.vector_store %arg9[%swap3A_78, %swap3A_79], %convert_element_type3A_77 {strides = array<i32>} : memref<10000x128xbf16, #tpu.memory_space<vmem>>, vector<10000x128xbf16>,
    return
  }
}

module attributes {stable_mosaic.version = 14 : i64} {
  func.func @_tc3_body(%arg0: memref<2x20480x128xbf16, #tpu.memory_space<vmem>>, %arg1: memref<10000x128xf32, #tpu.memory_space<vmem>>, %arg2: memref<10000x128xf32, #tpu.memory_space<vmem>>, %arg3: memref<10000xf32, #tpu.memory_space<vmem>>, %arg4: memref<128xf32, #tpu.memory_space<vmem>>, %arg5: memref<128xf32, #tpu.memory_space<vmem>>, %arg6: memref<128xf32, #tpu.memory_space<vmem>>, %arg7: memref<256x128xf32, #tpu.memory_space<vmem>>, %arg8: memref<128xf32, #tpu.memory_space<vmem>>, %arg9: memref<10000x128xf32, #tpu.memory_space<vmem>>) attributes {dimension_semantics = [], scalar_prefetch = 0 : i64, scratch_operands = 0 : i64, tpu.core_type = #tpu.core_type<tc>} {
    %get3A = arith.constant 0 : index
    %get3A_0 = vector.load %arg3[%get3A] : memref<10000xf32, #tpu.memory_space<vmem>>, vector<10000xf32>
    %get3A_1 = arith.constant 0 : index
    %get3A_2 = arith.constant 0 : index
    %get3A_3 = vector.load %arg2[%get3A_1, %get3A_2] : memref<10000x128xf32, #tpu.memory_space<vmem>>, vector<10000x128xf32>
    %get3A_4 = arith.constant 0 : index
    %get3A_5 = arith.constant 0 : index
    %get3A_6 = arith.constant 0 : index
    %get3A_7 = vector.load %arg0[%get3A_4, %get3A_5, %get3A_6] : memref<2x20480x128xbf16, #tpu.memory_space<vmem>>, vector<1x10000x128xbf16>
    %get3A_8 = vector.shape_cast %get3A_7 : vector<1x10000x128xbf16> to vector<10000x128xbf16>
    %convert_element_type3A = arith.extf %get3A_8 : vector<10000x128xbf16> to vector<10000x128xf32>
    %get3A_9 = arith.constant 0 : index
    %get3A_10 = arith.constant 10240 : index
    %get3A_11 = arith.constant 0 : index
    %get3A_12 = vector.load %arg0[%get3A_9, %get3A_10, %get3A_11] : memref<2x20480x128xbf16, #tpu.memory_space<vmem>>, vector<1x10000x128xbf16>
    %get3A_13 = vector.shape_cast %get3A_12 : vector<1x10000x128xbf16> to vector<10000x128xbf16>
    %convert_element_type3A_14 = arith.extf %get3A_13 : vector<10000x128xbf16> to vector<10000x128xf32>
    %add3A = arith.addf %convert_element_type3A, %convert_element_type3A_14 : vector<10000x128xf32>
    %get3A_15 = arith.constant 1 : index
    %get3A_16 = arith.constant 0 : index
    %get3A_17 = arith.constant 0 : index
    %get3A_18 = vector.load %arg0[%get3A_15, %get3A_16, %get3A_17] : memref<2x20480x128xbf16, #tpu.memory_space<vmem>>, vector<1x10000x128xbf16>
    %get3A_19 = vector.shape_cast %get3A_18 : vector<1x10000x128xbf16> to vector<10000x128xbf16>
    %convert_element_type3A_20 = arith.extf %get3A_19 : vector<10000x128xbf16> to vector<10000x128xf32>
    %add3A_21 = arith.addf %add3A, %convert_element_type3A_20 : vector<10000x128xf32>
    %get3A_22 = arith.constant 1 : index
    %get3A_23 = arith.constant 10240 : index
    %get3A_24 = arith.constant 0 : index
    %get3A_25 = vector.load %arg0[%get3A_22, %get3A_23, %get3A_24] : memref<2x20480x128xbf16, #tpu.memory_space<vmem>>, vector<1x10000x128xbf16>
    %get3A_26 = vector.shape_cast %get3A_25 : vector<1x10000x128xbf16> to vector<10000x128xbf16>
    %convert_element_type3A_27 = arith.extf %get3A_26 : vector<10000x128xbf16> to vector<10000x128xf32>
    %add3A_28 = arith.addf %add3A_21, %convert_element_type3A_27 : vector<10000x128xf32>
    %get3A_29 = arith.constant 0 : index
    %get3A_30 = arith.constant 0 : index
    %get3A_31 = vector.load %arg1[%get3A_29, %get3A_30] : memref<10000x128xf32, #tpu.memory_space<vmem>>, vector<10000x128xf32>
    %add3A_32 = arith.addf %add3A_28, %get3A_31 : vector<10000x128xf32>
    %broadcast_in_dim3A = vector.shape_cast %get3A_0 : vector<10000xf32> to vector<10000x1xf32>
    %mul3A = vector.broadcast %broadcast_in_dim3A : vector<10000x1xf32> to vector<10000x128xf32>
    %mul3A_33 = arith.mulf %add3A_32, %mul3A : vector<10000x128xf32>
    %mul3A_34 = arith.mulf %mul3A_33, %get3A_3 : vector<10000x128xf32>
    %get3A_35 = arith.constant 0 : index
    %get3A_36 = vector.load %arg4[%get3A_35] : memref<128xf32, #tpu.memory_space<vmem>>, vector<128xf32>
    %broadcast_in_dim3A_37 = vector.shape_cast %get3A_36 : vector<128xf32> to vector<1x128xf32>
    %add3A_38 = vector.broadcast %broadcast_in_dim3A_37 : vector<1x128xf32> to vector<10000x128xf32>
    %add3A_39 = arith.addf %mul3A_34, %add3A_38 : vector<10000x128xf32>
    %get3A_40 = arith.constant 0 : index
    %get3A_41 = vector.load %arg5[%get3A_40] : memref<128xf32, #tpu.memory_space<vmem>>, vector<128xf32>
    %get3A_42 = arith.constant 0 : index
    %get3A_43 = vector.load %arg6[%get3A_42] : memref<128xf32, #tpu.memory_space<vmem>>, vector<128xf32>
    %reduce_sum3A = arith.constant dense<0.000000e+00> : vector<128xf32>
    %reduce_sum3A_44 = vector.multi_reduction <add>, %add3A_39, %reduce_sum3A [0] : vector<10000x128xf32> to vector<128xf32>
    %div3A = arith.constant 1.000000e+04 : f32
    %div3A_45 = vector.broadcast %div3A : f32 to vector<128xf32>
    %div3A_46 = arith.divf %reduce_sum3A_44, %div3A_45 : vector<128xf32>
    %broadcast_in_dim3A_47 = vector.shape_cast %div3A_46 : vector<128xf32> to vector<1x128xf32>
    %sub3A = vector.broadcast %broadcast_in_dim3A_47 : vector<1x128xf32> to vector<10000x128xf32>
    %sub3A_48 = arith.subf %add3A_39, %sub3A : vector<10000x128xf32>
    %square3A = arith.mulf %sub3A_48, %sub3A_48 : vector<10000x128xf32>
    %reduce_sum3A_49 = arith.constant dense<0.000000e+00> : vector<128xf32>
    %reduce_sum3A_50 = vector.multi_reduction <add>, %square3A, %reduce_sum3A_49 [0] : vector<10000x128xf32> to vector<128xf32>
    %div3A_51 = arith.constant 1.000000e+04 : f32
    %div3A_52 = vector.broadcast %div3A_51 : f32 to vector<128xf32>
    %div3A_53 = arith.divf %reduce_sum3A_50, %div3A_52 : vector<128xf32>
    %broadcast_in_dim3A_54 = vector.shape_cast %div3A_46 : vector<128xf32> to vector<1x128xf32>
    %sub3A_55 = vector.broadcast %broadcast_in_dim3A_54 : vector<1x128xf32> to vector<10000x128xf32>
    %sub3A_56 = arith.subf %add3A_39, %sub3A_55 : vector<10000x128xf32>
    %add3A_57 = arith.constant 9.99999974E-6 : f32
    %add3A_58 = vector.broadcast %add3A_57 : f32 to vector<128xf32>
    %add3A_59 = arith.addf %div3A_53, %add3A_58 : vector<128xf32>
    %rsqrt3A = math.rsqrt %add3A_59 : vector<128xf32>
    %broadcast_in_dim3A_60 = vector.shape_cast %rsqrt3A : vector<128xf32> to vector<1x128xf32>
    %mul3A_61 = vector.broadcast %broadcast_in_dim3A_60 : vector<1x128xf32> to vector<10000x128xf32>
    %mul3A_62 = arith.mulf %sub3A_56, %mul3A_61 : vector<10000x128xf32>
    %broadcast_in_dim3A_63 = vector.shape_cast %get3A_41 : vector<128xf32> to vector<1x128xf32>
    %mul3A_64 = vector.broadcast %broadcast_in_dim3A_63 : vector<1x128xf32> to vector<10000x128xf32>
    %mul3A_65 = arith.mulf %mul3A_62, %mul3A_64 : vector<10000x128xf32>
    %broadcast_in_dim3A_66 = vector.shape_cast %get3A_43 : vector<128xf32> to vector<1x128xf32>
    %add3A_67 = vector.broadcast %broadcast_in_dim3A_66 : vector<1x128xf32> to vector<10000x128xf32>
    %add3A_68 = arith.addf %mul3A_65, %add3A_67 : vector<10000x128xf32>
    %get3A_69 = arith.constant 0 : index
    %get3A_70 = arith.constant 0 : index
    %get3A_71 = vector.load %arg7[%get3A_69, %get3A_70] : memref<256x128xf32, #tpu.memory_space<vmem>>, vector<128x128xf32>
    %dot_general3A = arith.constant dense<0.000000e+00> : vector<10000x128xf32>
    %dot_general3A_72 = tpu.matmul %get3A_3, %get3A_71, %dot_general3A {dimension_numbers = #tpu.dot_dimension_numbers<[1], [0], [0], [1], [0, 0, 1, 1], [], []>, transpose_lhs_hint = false} : vector<10000x128xf32>, vector<128x128xf32>, vector<10000x128xf32> -> vector<10000x128xf32>
    %get3A_73 = arith.constant 128 : index
    %get3A_74 = arith.constant 0 : index
    %get3A_75 = vector.load %arg7[%get3A_73, %get3A_74] : memref<256x128xf32, #tpu.memory_space<vmem>>, vector<128x128xf32>
    %dot_general3A_76 = arith.constant dense<0.000000e+00> : vector<10000x128xf32>
    %dot_general3A_77 = tpu.matmul %add3A_68, %get3A_75, %dot_general3A_76 {dimension_numbers = #tpu.dot_dimension_numbers<[1], [0], [0], [1], [0, 0, 1, 1], [], []>, transpose_lhs_hint = false} : vector<10000x128xf32>, vector<128x128xf32>, vector<10000x128xf32> -> vector<10000x128xf32>
    %add3A_78 = arith.addf %dot_general3A_72, %dot_general3A_77 : vector<10000x128xf32>
    %get3A_79 = arith.constant 0 : index
    %get3A_80 = vector.load %arg8[%get3A_79] : memref<128xf32, #tpu.memory_space<vmem>>, vector<128xf32>
    %broadcast_in_dim3A_81 = vector.shape_cast %get3A_80 : vector<128xf32> to vector<1x128xf32>
    %add3A_82 = vector.broadcast %broadcast_in_dim3A_81 : vector<1x128xf32> to vector<10000x128xf32>
    %add3A_83 = arith.addf %add3A_78, %add3A_82 : vector<10000x128xf32>
    %swap3A = arith.constant 0 : index
    %swap3A_84 = arith.constant 0 : index
    %swap3A_85 = vector.load %arg9[%swap3A, %swap3A_84] : memref<10000x128xf32, #tpu.memory_space<vmem>>, vector<10000x128xf32>
    tpu.vector_store %arg9[%swap3A, %swap3A_84], %add3A_83 {strides = array<i32>} : memref<10000x128xf32, #tpu.memory_space<vmem>>, vector<10000x128xf32>,
    return
  }
}

</mosaic_0001>

<sc_bundles>
// kernel: kernel.11.cloned.1.call-start
scs
__scs_entry_jumppad:
0x0: {  	(pc) =	sbr.rel $0x88, $3  }
0x1: {  	(tag) =	ssettag $0x0;
	lr =	simm.s32 $0x1  }
0x2: {  	[smem:$0x3F95] =	sst lr;
	_ =	strace $0xD0000000  }
0x3: {  	_ = 	snop  }
0x4: {  	_ = 	snop  }
0x5: {  	_ = 	snop  }
0x6: {  	_ = 	snop  }
0x7: {  	_ = 	snop  }
__scs_overlays_trampoline_lowered:
0x8: {  	[smem:$0x3FA4] =	sst s0  }
0x9: {  	[smem:$0x3FA5] =	sst s1  }
0xa: {  	[smem:$0x3FA6] =	sst s2  }
0xb: {  	[smem:$0x3FA7] =	sst s3  }
0xc: {  	[smem:$0x3FA8] =	sst s4  }
0xd: {  	[smem:$0x3FA9] =	sst s5  }
0xe: {  	[smem:$0x3FAA] =	sst s6  }
0xf: {  	[smem:$0x3FAB] =	sst s7  }
0x10: {  	[smem:$0x3FAC] =	sst s8  }
0x11: {  	[smem:$0x3FAD] =	sst s9;
	s0 =	simm.s32 @!p0 $0x0  }
0x12: {  	s1 =	sld [smem:$0x3F93];
	s0 =	simm.s32 @p0 $0x1  }
0x13: {  	[smem:$0x3FAE] =	sst s0;
	s0 =	simm.s32 @!p1 $0x0  }
0x14: {  	s2 =	sld [smem:$0x3F92];
	s0 =	simm.s32 @p1 $0x1  }
0x15: {  	[smem:$0x3FAF] =	sst s0;
	s0 =	simm.s32 @!p2 $0x0  }
0x16: {  	s3 =	sld [smem:$0x3FDB];
	s0 =	simm.s32 @p2 $0x1  }
0x17: {  	s4 =	simm.s32 $0x1BF5;
	[smem:$0x3FB1] =	sst s0  }
0x18: {  	s0 =	sld [smem:$0x3F94];
	_ =	swait.ge [sflag:s4], $0x0  }
0x19: {  	s7 =	sld [smem:$0x3F95]  }
0x1a: {  	s8 =	sadd.s32 $0xFFFFE003, lr  }
0x1b: {  	s9 =	sadd.s32 $0xFFFFFEF7, lr;
	s5 =	simm.s32 $0xFFFFFFFF;
	p2 =	slt.u32 s8, $0xFFFFF086  }
0x1c: {  	p1 =	slt.u32 s9, $0xF7A;
	s5 =	simm.s32 @!p2 $0x0  }
0x1d: {  	s5 =	simm.s32 @p1 $0x1;
	p0 =	seq.s32 s7, s2  }
0x1e: {  	s7 =	smul.u32 @!p0 $0xF7A, s2;
	p2 =	seq.s32 @!p0 s5, $0x0  }
0x1f: {  	s9 =	smul.u32 $0xF7A, s1;
	s8 =	simm.s32 @!p0 $0x1BF5;
	p2 =	por !p2, p0  }
0x20: {  	[sflag:s8] =	ssyncset.s32 @!p0 $0xFFFFF086;
	s6 =	sadd.s32 @!p0 s3, s7;
	s7 =	simm.s32 @!p0 $0x108  }
0x21: {  	s3 =	sadd.s32 s3, s9;
	s6 =	sadd.s32 @!p0 $0x88, s6;
	s7 =	simm.s32 @p2 $0x1082  }
0x22: {  	[simem:s7], [sflag:s8] =	dma.local @!p0 [hbm:s6], $0xF7A  }
0x23: {  	s9 =	sor.u32 $0xD0000000, s2;
	s6 =	simm.s32 $0x108;
	_ =	swait.ge @!p0 [sflag:s8], $0x0  }
0x24: {  	s3 =	sadd.s32 $0x88, s3;
	s6 =	simm.s32 @!p1 $0x1082;
	[sflag:s4] =	ssyncset.s32 $0xFFFFF086  }
0x25: {  	[simem:s6], [sflag:s4] =	dma.local [hbm:s3], $0xF7A  }
0x26: {  	[smem:$0x3F95] =	sst s1;
	(tag) =	ssettag s2;
	_ =	strace s9  }
0x27: {  	s1 =	sld [smem:$0x3FA5]  }
0x28: {  	s2 =	sld [smem:$0x3FA6]  }
0x29: {  	s4 =	sld [smem:$0x3FA8]  }
0x2a: {  	p0 =	seq.s32 s5, $0x0;
	s5 =	sld [smem:$0x3FA9]  }
0x2b: {  	s6 =	sld [smem:$0x3FAA]  }
0x2c: {  	s7 =	sld [smem:$0x3FAB]  }
0x2d: {  	s3 =	simm.s32 $0x108;
	s8 =	sld [smem:$0x3FAC]  }
0x2e: {  	s3 =	simm.s32 @!p0 $0x1082;
	s9 =	sld [smem:$0x3FAD]  }
0x2f: {  	lr =	sadd.s32 s0, s3;
	s0 =	sld [smem:$0x3FA4]  }
0x30: {  	s3 =	sld [smem:$0x3FA7]  }
0x31: {  	[smem:$0x3FB0] =	sst s10  }
0x32: {  	s10 =	sld [smem:$0x3FAE];
	_ =	sdelay $0x3  }
0x33: {  	p0 =	seq.s32 s10, $0x1;
	s10 =	sld [smem:$0x3FB0];
	_ =	sdelay $0x3  }
0x34: {  	[smem:$0x3FB0] =	sst s10  }
0x35: {  	s10 =	sld [smem:$0x3FAF];
	_ =	sdelay $0x3  }
0x36: {  	p1 =	seq.s32 s10, $0x1;
	s10 =	sld [smem:$0x3FB0];
	_ =	sdelay $0x3  }
0x37: {  	[smem:$0x3FB0] =	sst s10  }
0x38: {  	s10 =	sld [smem:$0x3FB1]  }
0x39: {  	_ = 	snop;
	(pc) =	sbr.ind lr, $3  }
0x3a: {  	_ = 	snop  }
0x3b: {  	_ = 	snop  }
0x3c: {  	p2 =	seq.s32 s10, $0x1;
	s10 =	sld [smem:$0x3FB0]  }
0x3d: {  	_ =	shalt  }
0x3e: {  	_ =	shalt  }
0x3f: {  	_ =	shalt  }
0x40: {  	_ =	shalt  }
0x41: {  	_ =	shalt  }
0x42: {  	_ =	shalt  }
0x43: {  	_ =	shalt  }
0x44: {  	_ =	shalt  }
0x45: {  	_ =	shalt  }
0x46: {  	_ =	shalt  }
0x47: {  	_ =	shalt  }
0x48: {  	_ =	shalt  }
0x49: {  	_ =	shalt  }
0x4a: {  	_ =	shalt  }
0x4b: {  	_ =	shalt  }
0x4c: {  	_ =	shalt  }
0x4d: {  	_ =	shalt  }
0x4e: {  	_ =	shalt  }
0x4f: {  	_ =	shalt  }
0x50: {  	_ =	shalt  }
0x51: {  	_ =	shalt  }
0x52: {  	_ =	shalt  }
0x53: {  	_ =	shalt  }
0x54: {  	_ =	shalt  }
0x55: {  	_ =	shalt  }
0x56: {  	_ =	shalt  }
0x57: {  	_ =	shalt  }
0x58: {  	_ =	shalt  }
0x59: {  	_ =	shalt  }
0x5a: {  	_ =	shalt  }
0x5b: {  	_ =	shalt  }
0x5c: {  	_ =	shalt  }
0x5d: {  	_ =	shalt  }
0x5e: {  	_ =	shalt  }
0x5f: {  	_ =	shalt  }
0x60: {  	_ =	shalt  }
0x61: {  	_ =	shalt  }
0x62: {  	_ =	shalt  }
0x63: {  	_ =	shalt  }
0x64: {  	_ =	shalt  }
0x65: {  	_ =	shalt  }
0x66: {  	_ =	shalt  }
0x67: {  	_ =	shalt  }
0x68: {  	_ =	shalt  }
0x69: {  	_ =	shalt  }
0x6a: {  	_ =	shalt  }
0x6b: {  	_ =	shalt  }
0x6c: {  	_ =	shalt  }
0x6d: {  	_ =	shalt  }
0x6e: {  	_ =	shalt  }
0x6f: {  	_ =	shalt  }
0x70: {  	_ =	shalt  }
0x71: {  	_ =	shalt  }
0x72: {  	_ =	shalt  }
0x73: {  	_ =	shalt  }
0x74: {  	_ =	shalt  }
0x75: {  	_ =	shalt  }
0x76: {  	_ =	shalt  }
0x77: {  	_ =	shalt  }
0x78: {  	_ =	shalt  }
0x79: {  	_ =	shalt  }
0x7a: {  	_ =	shalt  }
0x7b: {  	_ =	shalt  }
0x7c: {  	_ =	shalt  }
0x7d: {  	_ =	shalt  }
0x7e: {  	_ =	shalt  }
0x7f: {  	_ =	shalt  }
0x80: {  	_ =	shalt  }
0x81: {  	_ =	shalt  }
0x82: {  	_ =	shalt  }
0x83: {  	_ =	shalt  }
0x84: {  	_ =	shalt  }
0x85: {  	_ =	shalt  }
0x86: {  	_ =	shalt  }
0x87: {  	_ =	shalt  }
.Lfunc_end0:
.L_simem_size_0:
called_computation.1_lowered:
.L_overlay_start_0:
0x88: {  	s2 =	sld [smem:$0x3FD9]  }
0x89: {  	s3 =	sld [smem:$0x3FFE];
	_ =	sdelay $0x1  }
0x8a: {  	s1 =	srdreg.scid  }
0x8b: {  	s0 =	sand.u32 $0x1, s1  }
0x8c: {  	s17 =	sshll.u32 s0, $0xA;
	s2 =	sadd.s32 s3, s2  }
0x8d: {  	s2 =	sadd.s32 s2, s17  }
0x8e: {  	[smem:$0x3FBC] =	sst s2  }
0x8f: {  	_ = 	snop  }
0x90: {  	s2 =	sld [smem:$0x3FD0];
	(tm) =	ssettm $0x1  }
0x91: {  	s18 =	sld [smem:$0x3FFB];
	_ =	sdelay $0x3  }
0x92: {  	_ =	strace s18  }
0x93: {  	s3 =	sld [smem:$0x3FFC];
	_ =	sdelay $0x3  }
0x94: {  	_ =	strace s3  }
0x95: {  	s3 =	sld [smem:$0x3FFD];
	_ =	sdelay $0x3  }
0x96: {  	_ =	strace s3  }
0x97: {  	_ =	strace $0x8FFFFFFF  }
0x98: {  	s19 =	sld [smem:$0x3FDB];
	_ =	sdelay $0x1  }
0x99: {  	s4 =	simm.s32 $_scs_section_size  }
0x9a: {  	s5 =	simm.s32 $_size__tile_overlayer_lowered;
	s6 =	simm.s32 $_tile_overlayer_lowered  }
0x9b: {  	s22 =	simm.s32 $0x1BFF;
	s21 =	sshll.u32 s6, $0x1;
	s3 =	sadd.s32 s4, s19  }
0x9c: {  	s7 =	simm.s32 $0x0;
	s20 =	sshll.u32 s5, $0x1;
	s5 =	sadd.s32 s21, s3  }
0x9d: {  	[timem:s7], [sflag:s22] =	dma.local [hbm:s5], s20  }
0x9e: {  	_ =	swait.ge [sflag:s22], s20  }
0x9f: {  	s4 =	ssub.s32 $0x0, s20;
	[sflag:s22] =	ssyncset.done $0x0  }
0xa0: {  	[sflag:s22] =	ssyncadd.s32 s4;
	_ =	sdelay $0x1  }
0xa1: {  	s23 =	simm.s32 $0x1B8B  }
0xa2: {  	_ =	swait.ge [sflag:s23], $0x1  }
0xa3: {  	[sflag:s23] =	ssyncset.done $0x0  }
0xa4: {  	s25 =	simm.s32 $0x1B8E;
	s24 =	sld [smem:$0x3FFE];
	[sflag:s23] =	ssyncadd.s32 $0xFFFFFFFF  }
0xa5: {  	s26 =	simm.s32 $execute0_lowered;
	[smem:$0x3FD2] =	sst s25  }
0xa6: {  	s5 =	sshll.u32 s26, $0x1;
	_ =	strace $0x80000049;
	[dreg:$0x1] =	wrdreg $0xFFFFFFFF  }
0xa7: {  	s28 =	simm.s32 $_size_execute0_lowered;
	s3 =	sadd.s32 s3, s5;
	[dreg:$0x0] =	wrdreg $0x0  }
0xa8: {  	s5 =	sshll.u32 s28, $0x1;
	[dreg:$0x2] =	wrdreg s3  }
0xa9: {  	[dreg:$0x3] =	wrdreg s5  }
0xaa: {  	[dreg:$0x4] =	wrdreg $0xC0  }
0xab: {  	_ =	task [dreg:s7], $0x5FFFF  }
0xac: {  	[dreg:$0x1] =	wrdreg $0xFFFFFFFF  }
0xad: {  	[dreg:$0x0] =	wrdreg $0x60  }
0xae: {  	[dreg:$0x2] =	wrdreg s24  }
0xaf: {  	[dreg:$0x3] =	wrdreg s2  }
0xb0: {  	[dreg:$0x4] =	wrdreg $0x70800  }
0xb1: {  	[dreg:$0x5] =	wrdreg $0x9  }
0xb2: {  	_ =	task.clear_ibuf [dreg:s7], $0x6FFFF;
	_ =	strace $0x90000049  }
0xb3: {  	s29 =	simm.s32 $0x9;
	_ =	strace $0x8000004B  }
0xb4: {  	_ =	swait.ge [sflag:s29], $0x1  }
0xb5: {  	[sflag:s29] =	ssyncadd.s32 $0xFFFFFFFF  }
0xb6: {  	_ =	strace $0x9000004B  }
0xb7: {  	_ =	sfence  }
0xb8: {  	s30 =	sld [smem:$0x0];
	_ =	sdelay $0x2  }
0xb9: {  	s31 =	sshll.u32 s1, $0xD;
	s1 =	sshrl.u32 s1, $0x2  }
0xba: {  	s3 =	sand.u32 $0x4000, s31;
	s1 =	sadd.s32 s1, s30  }
0xbb: {  	s0 =	sor.u32 s3, s0;
	s1 =	sshll.u32 s1, $0x11  }
0xbc: {  	s0 =	sor.u32 s1, s0  }
0xbd: {  	s0 =	sadd.s32 $0x8F2B, s0  }
0xbe: {  	[sflag:s0] =	ssyncadd.remote.s32 $0x1  }
0xbf: {  	_ =	sfence.sel $0xFFFF  }
0xc0: {  	[dreg:$0x0] =	wrdreg $0xFFFFFFFF;
	(pc) =	sbr.abs _section_cstart, $3  }
0xc1: {  	[dreg:$0x1] =	wrdreg $0xFFFFFFFF  }
0xc2: {  	_ =	task.clear_ibuf [dreg:s7], $0x2FFFF;
	_ =	strace $0x9FFFFFFF  }
0xc3: {  	(tm) =	ssettm $0x7FFFFFFF  }
tec
execute0_lowered:
.L_overlay_start_1:
0x0: {  	(tag) =	ssettag $0x1  }
0x1: {  	s0 =	rddreg [dreg:$0x0]  }
0x2: {  	s2 =	rddreg [dreg:$0x1]  }
0x3: {  	s1 =	rddreg [dreg:$0x2]  }
0x4: {  	s3 =	simm.s32 $0x0;
	s4 =	srdreg.scid;
	s10 =	stileid.u32  }
0x5: {  	s21 =	simm.s32 $0x4080;
	s28 =	simm.s32 $0x1FE0;
	s29 =	simm.s32 $0x4020  }
0x6: {  	s30 =	simm.s32 $0x0;
	[smem:$0x7FF] =	sst s3;
	s12 =	smul.u32 $0x14000, s10  }
0x7: {  	s17 =	sand.u32 $0x1, s4;
	s4 =	sadd.s32 $0x21000, s0;
	s24 =	smul.u32 $0xF00, s10  }
0x8: {  	s13 =	sadd.s32 $0x17000, s0;
	s14 =	sadd.s32 $0xD000, s0;
	s11 =	smul.u32 $0x810, s10  }
0x9: {  	s0 =	sadd.s32 $0x34A00, s0;
	s23 =	sshll.u32 s10, $0x6;
	s15 =	smul.u32 $0x4080, s10  }
0xa: {  	_ =	strace $0x8000004A;
	s5 =	ssub.s32 $0x2, s17;
	s19 =	smul.u32 $0x280000, s17  }
0xb: {  	p0 =	sne.s32 s17, $0x0;
	s6 =	sshrl.u32 s5, $0x1;
	s7 =	sshrl.u32 s12, $0x1  }
0xc: {  	s22 =	sshrl.u32 s12, $0x4;
	s25 =	sadd.s32 $0x140000, s12;
	s9 =	sshrl.u32 s24, $0x3  }
0xd: {  	s10 =	sadd.s32 s13, s11;
	s11 =	sadd.s32 s14, s11;
	s15 =	sshrl.u32 s15, $0x3  }
0xe: {  	s24 =	simm.s32 $0x2;
	s16 =	ssub.s32 s5, s6;
	s18 =	sadd.s32 s7, s1  }
0xf: {  	s5 =	sadd.s32 s2, s22;
	s6 =	sor.u32 $0x1C03, s23;
	s8 =	sshrl.u32 s25, $0x1  }
0x10: {  	s9 =	sadd.s32 $0x8100, s9;
	s15 =	sadd.s32 $0x408, s15;
	s20 =	sadd.s32 s12, s19  }
0x11: {  	s2 =	sadd.s32 s19, s25;
	s19 =	simm.s32 $0x2040;
	s22 =	simm.s32 $0x5880  }
0x12: {  	s23 =	simm.s32 $0x1;
	s25 =	simm.s32 $0xC0;
	s7 =	sadd.s32 s8, s1  }
.Ltmp0:
0x13: {  	s26 =	sadd.s32 s13, s9;
	s9 =	sadd.s32 s14, s9;
	(pc) =	sbr.rel .LBB2_1-.Ltmp0, $4  }
0x14: {  	s12 =	sadd.s32 s13, s15;
	s31 =	sshrl.u32 s20, $0x4;
	s2 =	sshrl.u32 s2, $0x4  }
0x15: {  	s13 =	sadd.s32 s14, s15;
	s16 =	smax.u32 s16, $0x1;
	s17 =	sshrl.u32 s18, $0x3  }
0x16: {  	s18 =	simm.s32 $0x3;
	s20 =	simm.s32 $0x60;
	[dreg:$0x4] =	wrdreg s26  }
0x17: {  	s14 =	sadd.s32 s0, s31;
	s15 =	sadd.s32 s0, s2;
	s26 =	simm.s32 $0x20A0  }
.LBB2_9:
0x18: {  	[spmem:s1] =	stream.indirect.scatter.add.bf16 [tilespmem:s22], [sflag:$0x2], $0x40, s2, s20, $0xb8;
	[tilespmem:$0x1B080] =	vst v63  }
0x19: {  	_ =	swait.ge [sflag:s24], $0x1800  }
0x1a: {  	s0 =	sshra.s32 s0, $0x2;
	[sflag:s24] =	ssyncset.done $0x0  }
0x1b: {  	s8 =	sadd.s32 $0xEA0, s0;
	[sflag:s24] =	ssyncadd.s32 $0xFFFFE800  }
0x1c: {  	[tilespmem:s22], [sflag:$0x1] =	stream.indirect.gather [hbm4b:s4+s20], $0x40, s8, s20, $0xb8;
	[tilespmem:$0x1B080] =	vst v63  }
0x1d: {  	_ =	swait.ge [sflag:s23], $0x1800  }
0x1e: {  	[sflag:s23] =	ssyncset.done $0x0  }
0x1f: {  	s8 =	sadd.s32 $0x2E80, s0;
	[sflag:s23] =	ssyncadd.s32 $0xFFFFE800  }
0x20: {  	[spmem:s1] =	stream.indirect.scatter.add.bf16 [tilespmem:s21], [sflag:$0x2], $0x40, s8, s20, $0xb8;
	[tilespmem:$0x1B080] =	vst v63  }
0x21: {  	_ =	swait.ge [sflag:s24], $0x1800  }
0x22: {  	[sflag:s24] =	ssyncset.done $0x0  }
0x23: {  	[sflag:s24] =	ssyncadd.s32 $0xFFFFE800  }
0x24: {  	_ =	swait.ge [sflag:s23], $0x1800  }
0x25: {  	[sflag:s23] =	ssyncset.done $0x0  }
0x26: {  	s0 =	sadd.s32 $0x2EE0, s0;
	[sflag:s23] =	ssyncadd.s32 $0xFFFFE800  }
0x27: {  	[spmem:s1] =	stream.indirect.scatter.add.bf16 [tilespmem:s22], [sflag:$0x2], $0x40, s0, s20, $0xb8;
	[tilespmem:$0x1B080] =	vst v63  }
.LBB2_10:
0x28: {  	_ =	swait.ge [sflag:s24], $0x1800  }
0x29: {  	[sflag:s24] =	ssyncset.done $0x0  }
0x2a: {  	[sflag:s24] =	ssyncadd.s32 $0xFFFFE800  }
0x2b: {  	[bflag:$0x0] =	sbarrier.arrive $0xFFFF  }
0x2c: {  	[hbm:s14], [sflag:s6] =	dma.local [spmem:s17], $0x1400  }
0x2d: {  	s30 =	sadd.s32 $0x1, s30;
	_ =	swait.ge [sflag:s18], $0x1400  }
0x2e: {  	p1 =	sne.s32 s30, s16;
	[sflag:s18] =	ssyncset.done $0x0  }
.Ltmp1:
0x2f: {  	[sflag:s18] =	ssyncadd.s32 $0xFFFFEC00;
	(pc) =	sbr.rel @!p1 .LBB2_11-.Ltmp1, $4  }
0x30: {  	[hbm:s15], [sflag:s6] =	dma.local [spmem:s31], $0x1400  }
0x31: {  	_ =	swait.ge [sflag:s18], $0x1400  }
0x32: {  	[sflag:s18] =	ssyncset.done $0x0  }
0x33: {  	[sflag:s18] =	ssyncadd.s32 $0xFFFFEC00  }
.LBB2_1:
0x34: {  	[spmem:s17], [sflag:s6] =	dma.local [hbm:s5], $0x1400  }
0x35: {  	_ =	swait.ge [sflag:s18], $0x1400  }
0x36: {  	[sflag:s18] =	ssyncset.done $0x0  }
0x37: {  	s31 =	sshrl.u32 s7, $0x3;
	[sflag:s18] =	ssyncadd.s32 $0xFFFFEC00  }
0x38: {  	[spmem:s31], [sflag:s6] =	dma.local [hbm:s5], $0x1400  }
.Ltmp2:
0x39: {  	_ =	swait.ge [sflag:s18], $0x1400;
	(pc) =	sbr.rel @p0 .LBB2_7-.Ltmp2, $3  }
0x3a: {  	[sflag:s18] =	ssyncset.done $0x0  }
0x3b: {  	[sflag:s18] =	ssyncadd.s32 $0xFFFFEC00  }
0x3c: {  	[bflag:$0x0] =	sbarrier.arrive $0xFFFF;
	_ =	sdelay $0x1  }
0x3d: {  	[tilespmem:s3], [sflag:$0x3] =	stream.linear.gather [hbm4b:s10+s3], $0x2040, $0x38;
	[tilespmem:$0x1B080] =	vst v63  }
0x3e: {  	_ =	swait.ge [sflag:s18], $0x2040  }
0x3f: {  	[sflag:s18] =	ssyncset.done $0x0  }
0x40: {  	[sflag:s18] =	ssyncadd.s32 $0xFFFFDFC0  }
0x41: {  	[tilespmem:s19], [sflag:$0x3] =	stream.linear.gather [hbm4b:s11+s3], $0x2040, $0x38;
	[tilespmem:$0x1B080] =	vst v63  }
0x42: {  	_ =	swait.ge [sflag:s18], $0x2040  }
0x43: {  	[sflag:s18] =	ssyncset.done $0x0  }
0x44: {  	[sflag:s18] =	ssyncadd.s32 $0xFFFFDFC0  }
0x45: {  	[tilespmem:s21], [sflag:$0x1] =	stream.indirect.gather [hbm4b:s4+s20], $0x40, s3, s20, $0xb8;
	[tilespmem:$0x1B080] =	vst v63  }
0x46: {  	_ = 	snop  }
0x47: {  	[tilespmem:s22], [sflag:$0x1] =	stream.indirect.gather [hbm4b:s4+s20], $0x40, s20, s20, $0xb8;
	[tilespmem:$0x1B080] =	vst v63  }
0x48: {  	_ =	swait.ge [sflag:s23], $0x1800  }
0x49: {  	[sflag:s23] =	ssyncset.done $0x0  }
0x4a: {  	[sflag:s23] =	ssyncadd.s32 $0xFFFFE800  }
0x4b: {  	[spmem:s1] =	stream.indirect.scatter.add.bf16 [tilespmem:s21], [sflag:$0x2], $0x40, s19, s20, $0xb8;
	[tilespmem:$0x1B080] =	vst v63  }
0x4c: {  	_ =	swait.ge [sflag:s24], $0x1800  }
0x4d: {  	[sflag:s24] =	ssyncset.done $0x0  }
0x4e: {  	[sflag:s24] =	ssyncadd.s32 $0xFFFFE800  }
0x4f: {  	[tilespmem:s21], [sflag:$0x1] =	stream.indirect.gather [hbm4b:s4+s20], $0x40, s25, s20, $0xb8;
	[tilespmem:$0x1B080] =	vst v63  }
0x50: {  	_ =	swait.ge [sflag:s23], $0x1800  }
0x51: {  	[sflag:s23] =	ssyncset.done $0x0  }
0x52: {  	[sflag:s23] =	ssyncadd.s32 $0xFFFFE800  }
0x53: {  	[spmem:s1] =	stream.indirect.scatter.add.bf16 [tilespmem:s22], [sflag:$0x2], $0x40, s26, s20, $0xb8;
	[tilespmem:$0x1B080] =	vst v63  }
0x54: {  	_ =	swait.ge [sflag:s24], $0x1800  }
0x55: {  	[sflag:s24] =	ssyncset.done $0x0  }
0x56: {  	s0 =	simm.s32 $0x120;
	[sflag:s24] =	ssyncadd.s32 $0xFFFFE800  }
0x57: {  	[tilespmem:s22], [sflag:$0x1] =	stream.indirect.gather [hbm4b:s4+s20], $0x40, s0, s20, $0xb8;
	[tilespmem:$0x1B080] =	vst v63  }
0x58: {  	_ =	swait.ge [sflag:s23], $0x1800  }
0x59: {  	[sflag:s23] =	ssyncset.done $0x0  }
0x5a: {  	s2 =	simm.s32 $0x2100;
	[sflag:s23] =	ssyncadd.s32 $0xFFFFE800  }
0x5b: {  	[spmem:s1] =	stream.indirect.scatter.add.bf16 [tilespmem:s21], [sflag:$0x2], $0x40, s2, s20, $0xb8;
	[tilespmem:$0x1B080] =	vst v63  }
0x5c: {  	_ =	swait.ge [sflag:s24], $0x1800  }
0x5d: {  	[sflag:s24] =	ssyncset.done $0x0  }
0x5e: {  	s8 =	simm.s32 $0x180;
	[sflag:s24] =	ssyncadd.s32 $0xFFFFE800  }
0x5f: {  	[tilespmem:s21], [sflag:$0x1] =	stream.indirect.gather [hbm4b:s4+s20], $0x40, s8, s20, $0xb8;
	[tilespmem:$0x1B080] =	vst v63  }
0x60: {  	_ =	swait.ge [sflag:s23], $0x1800  }
0x61: {  	[sflag:s23] =	ssyncset.done $0x0  }
0x62: {  	s0 =	simm.s32 $0xFFFF8800;
	s2 =	simm.s32 $0x2160;
	[sflag:s23] =	ssyncadd.s32 $0xFFFFE800  }
.LBB2_3:
0x63: {  	[spmem:s1] =	stream.indirect.scatter.add.bf16 [tilespmem:s22], [sflag:$0x2], $0x40, s2, s20, $0xb8;
	[tilespmem:$0x1B080] =	vst v63  }
0x64: {  	s2 =	smov.u32 s0;
	s0 =	sadd.s32 $0x300, s0;
	_ =	swait.ge [sflag:s24], $0x1800  }
0x65: {  	s2 =	sshra.s32 s2, $0x2;
	p1 =	sne.s32 s0, $0x0;
	[sflag:s24] =	ssyncset.done $0x0  }
0x66: {  	s8 =	sadd.s32 $0x1FE0, s2;
	[sflag:s24] =	ssyncadd.s32 $0xFFFFE800  }
0x67: {  	[tilespmem:s22], [sflag:$0x1] =	stream.indirect.gather [hbm4b:s4+s20], $0x40, s8, s20, $0xb8;
	[tilespmem:$0x1B080] =	vst v63  }
0x68: {  	_ =	swait.ge [sflag:s23], $0x1800  }
0x69: {  	[sflag:s23] =	ssyncset.done $0x0  }
0x6a: {  	s8 =	sadd.s32 $0x3FC0, s2;
	[sflag:s23] =	ssyncadd.s32 $0xFFFFE800  }
0x6b: {  	[spmem:s1] =	stream.indirect.scatter.add.bf16 [tilespmem:s21], [sflag:$0x2], $0x40, s8, s20, $0xb8;
	[tilespmem:$0x1B080] =	vst v63  }
0x6c: {  	_ =	swait.ge [sflag:s24], $0x1800  }
0x6d: {  	[sflag:s24] =	ssyncset.done $0x0  }
.Ltmp3:
0x6e: {  	s8 =	sadd.s32 $0x2040, s2;
	[sflag:s24] =	ssyncadd.s32 $0xFFFFE800;
	(pc) =	sbr.rel @p1 .LBB2_3-.Ltmp3, $4  }
0x6f: {  	[tilespmem:s21], [sflag:$0x1] =	stream.indirect.gather [hbm4b:s4+s20], $0x40, s8, s20, $0xb8;
	[tilespmem:$0x1B080] =	vst v63  }
0x70: {  	_ =	swait.ge [sflag:s23], $0x1800  }
0x71: {  	[sflag:s23] =	ssyncset.done $0x0  }
0x72: {  	s2 =	sadd.s32 $0x4020, s2;
	[sflag:s23] =	ssyncadd.s32 $0xFFFFE800  }
0x73: {  	[spmem:s1] =	stream.indirect.scatter.add.bf16 [tilespmem:s22], [sflag:$0x2], $0x40, s2, s20, $0xb8;
	[tilespmem:$0x1B080] =	vst v63  }
0x74: {  	_ =	swait.ge [sflag:s24], $0x1800  }
0x75: {  	[sflag:s24] =	ssyncset.done $0x0  }
0x76: {  	[sflag:s24] =	ssyncadd.s32 $0xFFFFE800  }
0x77: {  	[tilespmem:s22], [sflag:$0x1] =	stream.indirect.gather [hbm4b:s4+s20], $0x40, s28, s20, $0xb8;
	[tilespmem:$0x1B080] =	vst v63  }
0x78: {  	_ =	swait.ge [sflag:s23], $0x1800  }
0x79: {  	s0 =	sshra.s32 s0, $0x2;
	[sflag:s23] =	ssyncset.done $0x0  }
0x7a: {  	s0 =	sadd.s32 $0x3FC0, s0;
	[sflag:s23] =	ssyncadd.s32 $0xFFFFE800  }
0x7b: {  	[spmem:s1] =	stream.indirect.scatter.add.bf16 [tilespmem:s21], [sflag:$0x2], $0x40, s0, s20, $0xb8;
	[tilespmem:$0x1B080] =	vst v63  }
0x7c: {  	_ =	swait.ge [sflag:s24], $0x1800  }
0x7d: {  	[sflag:s24] =	ssyncset.done $0x0  }
0x7e: {  	[sflag:s24] =	ssyncadd.s32 $0xFFFFE800  }
0x7f: {  	_ =	swait.ge [sflag:s23], $0x1800  }
0x80: {  	[sflag:s23] =	ssyncset.done $0x0  }
0x81: {  	[sflag:s23] =	ssyncadd.s32 $0xFFFFE800  }
0x82: {  	[spmem:s1] =	stream.indirect.scatter.add.bf16 [tilespmem:s22], [sflag:$0x2], $0x40, s29, s20, $0xb8;
	[tilespmem:$0x1B080] =	vst v63  }
0x83: {  	_ =	swait.ge [sflag:s24], $0x1800  }
0x84: {  	[sflag:s24] =	ssyncset.done $0x0  }
0x85: {  	[sflag:s24] =	ssyncadd.s32 $0xFFFFE800  }
0x86: {  	[tilespmem:s3], [sflag:$0x3] =	stream.linear.gather [hbm4b:s12+s3], $0x2040, $0x38;
	[tilespmem:$0x1B080] =	vst v63  }
0x87: {  	_ =	swait.ge [sflag:s18], $0x2040  }
0x88: {  	[sflag:s18] =	ssyncset.done $0x0  }
0x89: {  	[sflag:s18] =	ssyncadd.s32 $0xFFFFDFC0  }
0x8a: {  	[tilespmem:s19], [sflag:$0x3] =	stream.linear.gather [hbm4b:s13+s3], $0x2040, $0x38;
	[tilespmem:$0x1B080] =	vst v63  }
0x8b: {  	_ =	swait.ge [sflag:s18], $0x2040  }
0x8c: {  	[sflag:s18] =	ssyncset.done $0x0  }
0x8d: {  	[sflag:s18] =	ssyncadd.s32 $0xFFFFDFC0  }
0x8e: {  	[tilespmem:s21], [sflag:$0x1] =	stream.indirect.gather [hbm4b:s4+s20], $0x40, s3, s20, $0xb8;
	[tilespmem:$0x1B080] =	vst v63  }
0x8f: {  	_ = 	snop  }
0x90: {  	[tilespmem:s22], [sflag:$0x1] =	stream.indirect.gather [hbm4b:s4+s20], $0x40, s20, s20, $0xb8;
	[tilespmem:$0x1B080] =	vst v63  }
0x91: {  	_ =	swait.ge [sflag:s23], $0x1800  }
0x92: {  	[sflag:s23] =	ssyncset.done $0x0  }
0x93: {  	[sflag:s23] =	ssyncadd.s32 $0xFFFFE800  }
0x94: {  	[spmem:s1] =	stream.indirect.scatter.add.bf16 [tilespmem:s21], [sflag:$0x2], $0x40, s19, s20, $0xb8;
	[tilespmem:$0x1B080] =	vst v63  }
0x95: {  	_ =	swait.ge [sflag:s24], $0x1800  }
0x96: {  	[sflag:s24] =	ssyncset.done $0x0  }
0x97: {  	[sflag:s24] =	ssyncadd.s32 $0xFFFFE800  }
0x98: {  	[tilespmem:s21], [sflag:$0x1] =	stream.indirect.gather [hbm4b:s4+s20], $0x40, s25, s20, $0xb8;
	[tilespmem:$0x1B080] =	vst v63  }
0x99: {  	_ =	swait.ge [sflag:s23], $0x1800  }
0x9a: {  	[sflag:s23] =	ssyncset.done $0x0  }
0x9b: {  	[sflag:s23] =	ssyncadd.s32 $0xFFFFE800  }
0x9c: {  	[spmem:s1] =	stream.indirect.scatter.add.bf16 [tilespmem:s22], [sflag:$0x2], $0x40, s26, s20, $0xb8;
	[tilespmem:$0x1B080] =	vst v63  }
0x9d: {  	_ =	swait.ge [sflag:s24], $0x1800  }
0x9e: {  	[sflag:s24] =	ssyncset.done $0x0  }
0x9f: {  	s8 =	simm.s32 $0x120;
	[sflag:s24] =	ssyncadd.s32 $0xFFFFE800  }
0xa0: {  	[tilespmem:s22], [sflag:$0x1] =	stream.indirect.gather [hbm4b:s4+s20], $0x40, s8, s20, $0xb8;
	[tilespmem:$0x1B080] =	vst v63  }
0xa1: {  	_ =	swait.ge [sflag:s23], $0x1800  }
0xa2: {  	[sflag:s23] =	ssyncset.done $0x0  }
0xa3: {  	s2 =	simm.s32 $0x2100;
	[sflag:s23] =	ssyncadd.s32 $0xFFFFE800  }
0xa4: {  	[spmem:s1] =	stream.indirect.scatter.add.bf16 [tilespmem:s21], [sflag:$0x2], $0x40, s2, s20, $0xb8;
	[tilespmem:$0x1B080] =	vst v63  }
0xa5: {  	_ =	swait.ge [sflag:s24], $0x1800  }
0xa6: {  	[sflag:s24] =	ssyncset.done $0x0  }
0xa7: {  	s8 =	simm.s32 $0x180;
	[sflag:s24] =	ssyncadd.s32 $0xFFFFE800  }
0xa8: {  	[tilespmem:s21], [sflag:$0x1] =	stream.indirect.gather [hbm4b:s4+s20], $0x40, s8, s20, $0xb8;
	[tilespmem:$0x1B080] =	vst v63  }
0xa9: {  	_ =	swait.ge [sflag:s23], $0x1800  }
0xaa: {  	[sflag:s23] =	ssyncset.done $0x0  }
0xab: {  	s0 =	simm.s32 $0xFFFF8800;
	s2 =	simm.s32 $0x2160;
	[sflag:s23] =	ssyncadd.s32 $0xFFFFE800  }
.LBB2_5:
0xac: {  	[spmem:s1] =	stream.indirect.scatter.add.bf16 [tilespmem:s22], [sflag:$0x2], $0x40, s2, s20, $0xb8;
	[tilespmem:$0x1B080] =	vst v63  }
0xad: {  	s2 =	smov.u32 s0;
	s0 =	sadd.s32 $0x300, s0;
	_ =	swait.ge [sflag:s24], $0x1800  }
0xae: {  	s2 =	sshra.s32 s2, $0x2;
	p1 =	seq.s32 s0, $0x0;
	[sflag:s24] =	ssyncset.done $0x0  }
0xaf: {  	s8 =	sadd.s32 $0x1FE0, s2;
	[sflag:s24] =	ssyncadd.s32 $0xFFFFE800  }
0xb0: {  	[tilespmem:s22], [sflag:$0x1] =	stream.indirect.gather [hbm4b:s4+s20], $0x40, s8, s20, $0xb8;
	[tilespmem:$0x1B080] =	vst v63  }
0xb1: {  	_ =	swait.ge [sflag:s23], $0x1800  }
0xb2: {  	[sflag:s23] =	ssyncset.done $0x0  }
0xb3: {  	s8 =	sadd.s32 $0x3FC0, s2;
	[sflag:s23] =	ssyncadd.s32 $0xFFFFE800  }
0xb4: {  	[spmem:s1] =	stream.indirect.scatter.add.bf16 [tilespmem:s21], [sflag:$0x2], $0x40, s8, s20, $0xb8;
	[tilespmem:$0x1B080] =	vst v63  }
0xb5: {  	_ =	swait.ge [sflag:s24], $0x1800  }
0xb6: {  	[sflag:s24] =	ssyncset.done $0x0  }
.Ltmp4:
0xb7: {  	s8 =	sadd.s32 $0x2040, s2;
	[sflag:s24] =	ssyncadd.s32 $0xFFFFE800;
	(pc) =	sbr.rel @!p1 .LBB2_5-.Ltmp4, $4  }
0xb8: {  	[tilespmem:s21], [sflag:$0x1] =	stream.indirect.gather [hbm4b:s4+s20], $0x40, s8, s20, $0xb8;
	[tilespmem:$0x1B080] =	vst v63  }
0xb9: {  	_ =	swait.ge [sflag:s23], $0x1800  }
0xba: {  	[sflag:s23] =	ssyncset.done $0x0  }
0xbb: {  	s2 =	sadd.s32 $0x4020, s2;
	[sflag:s23] =	ssyncadd.s32 $0xFFFFE800  }
0xbc: {  	[spmem:s1] =	stream.indirect.scatter.add.bf16 [tilespmem:s22], [sflag:$0x2], $0x40, s2, s20, $0xb8;
	[tilespmem:$0x1B080] =	vst v63  }
0xbd: {  	_ =	swait.ge [sflag:s24], $0x1800  }
0xbe: {  	[sflag:s24] =	ssyncset.done $0x0  }
0xbf: {  	[sflag:s24] =	ssyncadd.s32 $0xFFFFE800  }
0xc0: {  	[tilespmem:s22], [sflag:$0x1] =	stream.indirect.gather [hbm4b:s4+s20], $0x40, s28, s20, $0xb8;
	[tilespmem:$0x1B080] =	vst v63  }
0xc1: {  	_ =	swait.ge [sflag:s23], $0x1800  }
0xc2: {  	s0 =	sshra.s32 s0, $0x2;
	[sflag:s23] =	ssyncset.done $0x0  }
0xc3: {  	s0 =	sadd.s32 $0x3FC0, s0;
	[sflag:s23] =	ssyncadd.s32 $0xFFFFE800  }
0xc4: {  	[spmem:s1] =	stream.indirect.scatter.add.bf16 [tilespmem:s21], [sflag:$0x2], $0x40, s0, s20, $0xb8;
	[tilespmem:$0x1B080] =	vst v63  }
0xc5: {  	_ =	swait.ge [sflag:s24], $0x1800  }
0xc6: {  	[sflag:s24] =	ssyncset.done $0x0  }
.Ltmp5:
0xc7: {  	[sflag:s24] =	ssyncadd.s32 $0xFFFFE800;
	(pc) =	sbr.rel .LBB2_10-.Ltmp5, $4  }
0xc8: {  	_ =	swait.ge [sflag:s23], $0x1800  }
0xc9: {  	[sflag:s23] =	ssyncset.done $0x0  }
0xca: {  	[sflag:s23] =	ssyncadd.s32 $0xFFFFE800  }
0xcb: {  	[spmem:s1] =	stream.indirect.scatter.add.bf16 [tilespmem:s22], [sflag:$0x2], $0x40, s29, s20, $0xb8;
	[tilespmem:$0x1B080] =	vst v63  }
.LBB2_7:
0xcc: {  	s0 =	rddreg [dreg:$0x4]  }
0xcd: {  	[tilespmem:s3], [sflag:$0x3] =	stream.linear.gather [hbm4b:s0+s3], $0xF00, $0x38;
	[tilespmem:$0x1B080] =	vst v63  }
0xce: {  	_ =	swait.ge [sflag:s18], $0xF00  }
0xcf: {  	[sflag:s18] =	ssyncset.done $0x0  }
0xd0: {  	[sflag:s18] =	ssyncadd.s32 $0xFFFFF100  }
0xd1: {  	[tilespmem:s19], [sflag:$0x3] =	stream.linear.gather [hbm4b:s9+s3], $0xF00, $0x38;
	[tilespmem:$0x1B080] =	vst v63  }
0xd2: {  	_ =	swait.ge [sflag:s18], $0xF00  }
0xd3: {  	[sflag:s18] =	ssyncset.done $0x0  }
0xd4: {  	[sflag:s18] =	ssyncadd.s32 $0xFFFFF100  }
0xd5: {  	[tilespmem:s21], [sflag:$0x1] =	stream.indirect.gather [hbm4b:s4+s20], $0x40, s3, s20, $0xb8;
	[tilespmem:$0x1B080] =	vst v63  }
0xd6: {  	_ = 	snop  }
0xd7: {  	[tilespmem:s22], [sflag:$0x1] =	stream.indirect.gather [hbm4b:s4+s20], $0x40, s20, s20, $0xb8;
	[tilespmem:$0x1B080] =	vst v63  }
0xd8: {  	_ =	swait.ge [sflag:s23], $0x1800  }
0xd9: {  	[sflag:s23] =	ssyncset.done $0x0  }
0xda: {  	[sflag:s23] =	ssyncadd.s32 $0xFFFFE800  }
0xdb: {  	[spmem:s1] =	stream.indirect.scatter.add.bf16 [tilespmem:s21], [sflag:$0x2], $0x40, s19, s20, $0xb8;
	[tilespmem:$0x1B080] =	vst v63  }
0xdc: {  	_ =	swait.ge [sflag:s24], $0x1800  }
0xdd: {  	[sflag:s24] =	ssyncset.done $0x0  }
0xde: {  	[sflag:s24] =	ssyncadd.s32 $0xFFFFE800  }
0xdf: {  	[tilespmem:s21], [sflag:$0x1] =	stream.indirect.gather [hbm4b:s4+s20], $0x40, s25, s20, $0xb8;
	[tilespmem:$0x1B080] =	vst v63  }
0xe0: {  	_ =	swait.ge [sflag:s23], $0x1800  }
0xe1: {  	[sflag:s23] =	ssyncset.done $0x0  }
0xe2: {  	[sflag:s23] =	ssyncadd.s32 $0xFFFFE800  }
0xe3: {  	[spmem:s1] =	stream.indirect.scatter.add.bf16 [tilespmem:s22], [sflag:$0x2], $0x40, s26, s20, $0xb8;
	[tilespmem:$0x1B080] =	vst v63  }
0xe4: {  	_ =	swait.ge [sflag:s24], $0x1800  }
0xe5: {  	[sflag:s24] =	ssyncset.done $0x0  }
0xe6: {  	s8 =	simm.s32 $0x120;
	[sflag:s24] =	ssyncadd.s32 $0xFFFFE800  }
0xe7: {  	[tilespmem:s22], [sflag:$0x1] =	stream.indirect.gather [hbm4b:s4+s20], $0x40, s8, s20, $0xb8;
	[tilespmem:$0x1B080] =	vst v63  }
0xe8: {  	_ =	swait.ge [sflag:s23], $0x1800  }
0xe9: {  	[sflag:s23] =	ssyncset.done $0x0  }
0xea: {  	s2 =	simm.s32 $0x2100;
	[sflag:s23] =	ssyncadd.s32 $0xFFFFE800  }
0xeb: {  	[spmem:s1] =	stream.indirect.scatter.add.bf16 [tilespmem:s21], [sflag:$0x2], $0x40, s2, s20, $0xb8;
	[tilespmem:$0x1B080] =	vst v63  }
0xec: {  	_ =	swait.ge [sflag:s24], $0x1800  }
0xed: {  	[sflag:s24] =	ssyncset.done $0x0  }
0xee: {  	s8 =	simm.s32 $0x180;
	[sflag:s24] =	ssyncadd.s32 $0xFFFFE800  }
0xef: {  	[tilespmem:s21], [sflag:$0x1] =	stream.indirect.gather [hbm4b:s4+s20], $0x40, s8, s20, $0xb8;
	[tilespmem:$0x1B080] =	vst v63  }
0xf0: {  	_ =	swait.ge [sflag:s23], $0x1800  }
0xf1: {  	[sflag:s23] =	ssyncset.done $0x0  }
0xf2: {  	s0 =	simm.s32 $0xFFFFCD00;
	s2 =	simm.s32 $0x2160;
	[sflag:s23] =	ssyncadd.s32 $0xFFFFE800  }
.LBB2_8:
0xf3: {  	[spmem:s1] =	stream.indirect.scatter.add.bf16 [tilespmem:s22], [sflag:$0x2], $0x40, s2, s20, $0xb8;
	[tilespmem:$0x1B080] =	vst v63  }
0xf4: {  	s2 =	smov.u32 s0;
	s0 =	sadd.s32 $0x300, s0;
	_ =	swait.ge [sflag:s24], $0x1800  }
0xf5: {  	s2 =	sshra.s32 s2, $0x2;
	p1 =	seq.s32 s0, $0x0;
	[sflag:s24] =	ssyncset.done $0x0  }
0xf6: {  	s8 =	sadd.s32 $0xEA0, s2;
	[sflag:s24] =	ssyncadd.s32 $0xFFFFE800  }
0xf7: {  	[tilespmem:s22], [sflag:$0x1] =	stream.indirect.gather [hbm4b:s4+s20], $0x40, s8, s20, $0xb8;
	[tilespmem:$0x1B080] =	vst v63  }
0xf8: {  	_ =	swait.ge [sflag:s23], $0x1800  }
0xf9: {  	[sflag:s23] =	ssyncset.done $0x0  }
0xfa: {  	s8 =	sadd.s32 $0x2E80, s2;
	[sflag:s23] =	ssyncadd.s32 $0xFFFFE800  }
0xfb: {  	[spmem:s1] =	stream.indirect.scatter.add.bf16 [tilespmem:s21], [sflag:$0x2], $0x40, s8, s20, $0xb8;
	[tilespmem:$0x1B080] =	vst v63  }
0xfc: {  	_ =	swait.ge [sflag:s24], $0x1800  }
0xfd: {  	[sflag:s24] =	ssyncset.done $0x0  }
.Ltmp6:
0xfe: {  	s8 =	sadd.s32 $0xF00, s2;
	[sflag:s24] =	ssyncadd.s32 $0xFFFFE800;
	(pc) =	sbr.rel @!p1 .LBB2_8-.Ltmp6, $4  }
0xff: {  	[tilespmem:s21], [sflag:$0x1] =	stream.indirect.gather [hbm4b:s4+s20], $0x40, s8, s20, $0xb8;
	[tilespmem:$0x1B080] =	vst v63  }
0x100: {  	_ =	swait.ge [sflag:s23], $0x1800  }
0x101: {  	[sflag:s23] =	ssyncset.done $0x0  }
0x102: {  	s2 =	sadd.s32 $0x2EE0, s2;
	[sflag:s23] =	ssyncadd.s32 $0xFFFFE800  }
.Ltmp7:
0x103: {  	_ = 	snop;
	(pc) =	sbr.rel .LBB2_9-.Ltmp7, $1  }
0x104: {  	_ =	sdelay $0x3  }
.LBB2_11:
0x105: {  	_ =	sfence.sel $0x180000  }
0x106: {  	[bflag:$0x0] =	sbarrier.arrive $0xFFFF  }
0x107: {  	_ =	strace $0x9000004A  }
0x108: {  	s0 =	stileid.u32;
	[bflag:$0x2] =	sbarrier.arrive $0xFFFF  }
0x109: {  	p0 =	sne.s32 s0, $0x0;
	s0 =	rddreg [dreg:$0x3]  }
0x10a: {  	s0 =	sadd.s32 @!p0 $0x100000, s0  }
0x10b: {  	[sflag:s0] =	ssyncadd.tile.s32 @!p0 $0x1;
	_ =	shalt  }
.Lfunc_end2:
_tile_overlayer_lowered:
.L_overlay_start_2:
0x10c: {  	(tag) =	ssettag $0x2  }
0x10d: {  	s0 =	rddreg [dreg:$0x0];
	s2 =	stileid.u32  }
0x10e: {  	s1 =	rddreg [dreg:$0x1];
	p0 =	sne.s32 s2, $0x0  }
0x10f: {  	s3 =	rddreg [dreg:$0x2];
	[bflag:$0x3] =	sbarrier.arrive $0xFFFF;
	s2 =	simm.s32 @!p0 $0x1C03  }
0x110: {  	[timem:s3], [sflag:s2] =	dma.local @!p0 [hbm:s0], s1  }
0x111: {  	s0 =	simm.s32 @!p0 $0x3  }
0x112: {  	_ =	swait.ge @!p0 [sflag:s0], s1  }
0x113: {  	s1 =	ssub.s32 @!p0 $0x0, s1;
	[sflag:s0] =	ssyncset.done @!p0 $0x0  }
0x114: {  	[sflag:s0] =	ssyncadd.s32 @!p0 s1  }
0x115: {  	[bflag:$0x3] =	sbarrier.arrive $0xFFFF  }
0x116: {  	_ =	shalt  }

// kernel: kernel.14.cloned.1.call-start
scs
__scs_entry_jumppad:
0x0: {  	(pc) =	sbr.rel $0x88, $3  }
0x1: {  	(tag) =	ssettag $0x0;
	lr =	simm.s32 $0x1  }
0x2: {  	[smem:$0x3F95] =	sst lr;
	_ =	strace $0xD0000000  }
0x3: {  	_ = 	snop  }
0x4: {  	_ = 	snop  }
0x5: {  	_ = 	snop  }
0x6: {  	_ = 	snop  }
0x7: {  	_ = 	snop  }
__scs_overlays_trampoline_lowered:
0x8: {  	[smem:$0x3FA4] =	sst s0  }
0x9: {  	[smem:$0x3FA5] =	sst s1  }
0xa: {  	[smem:$0x3FA6] =	sst s2  }
0xb: {  	[smem:$0x3FA7] =	sst s3  }
0xc: {  	[smem:$0x3FA8] =	sst s4  }
0xd: {  	[smem:$0x3FA9] =	sst s5  }
0xe: {  	[smem:$0x3FAA] =	sst s6  }
0xf: {  	[smem:$0x3FAB] =	sst s7  }
0x10: {  	[smem:$0x3FAC] =	sst s8  }
0x11: {  	[smem:$0x3FAD] =	sst s9;
	s0 =	simm.s32 @!p0 $0x0  }
0x12: {  	s1 =	sld [smem:$0x3F93];
	s0 =	simm.s32 @p0 $0x1  }
0x13: {  	[smem:$0x3FAE] =	sst s0;
	s0 =	simm.s32 @!p1 $0x0  }
0x14: {  	s2 =	sld [smem:$0x3F92];
	s0 =	simm.s32 @p1 $0x1  }
0x15: {  	[smem:$0x3FAF] =	sst s0;
	s0 =	simm.s32 @!p2 $0x0  }
0x16: {  	s3 =	sld [smem:$0x3FDB];
	s0 =	simm.s32 @p2 $0x1  }
0x17: {  	s4 =	simm.s32 $0x1BF5;
	[smem:$0x3FB1] =	sst s0  }
0x18: {  	s0 =	sld [smem:$0x3F94];
	_ =	swait.ge [sflag:s4], $0x0  }
0x19: {  	s7 =	sld [smem:$0x3F95]  }
0x1a: {  	s8 =	sadd.s32 $0xFFFFE003, lr  }
0x1b: {  	s9 =	sadd.s32 $0xFFFFFEF7, lr;
	s5 =	simm.s32 $0xFFFFFFFF;
	p2 =	slt.u32 s8, $0xFFFFF086  }
0x1c: {  	p1 =	slt.u32 s9, $0xF7A;
	s5 =	simm.s32 @!p2 $0x0  }
0x1d: {  	s5 =	simm.s32 @p1 $0x1;
	p0 =	seq.s32 s7, s2  }
0x1e: {  	s7 =	smul.u32 @!p0 $0xF7A, s2;
	p2 =	seq.s32 @!p0 s5, $0x0  }
0x1f: {  	s9 =	smul.u32 $0xF7A, s1;
	s8 =	simm.s32 @!p0 $0x1BF5;
	p2 =	por !p2, p0  }
0x20: {  	[sflag:s8] =	ssyncset.s32 @!p0 $0xFFFFF086;
	s6 =	sadd.s32 @!p0 s3, s7;
	s7 =	simm.s32 @!p0 $0x108  }
0x21: {  	s3 =	sadd.s32 s3, s9;
	s6 =	sadd.s32 @!p0 $0x88, s6;
	s7 =	simm.s32 @p2 $0x1082  }
0x22: {  	[simem:s7], [sflag:s8] =	dma.local @!p0 [hbm:s6], $0xF7A  }
0x23: {  	s9 =	sor.u32 $0xD0000000, s2;
	s6 =	simm.s32 $0x108;
	_ =	swait.ge @!p0 [sflag:s8], $0x0  }
0x24: {  	s3 =	sadd.s32 $0x88, s3;
	s6 =	simm.s32 @!p1 $0x1082;
	[sflag:s4] =	ssyncset.s32 $0xFFFFF086  }
0x25: {  	[simem:s6], [sflag:s4] =	dma.local [hbm:s3], $0xF7A  }
0x26: {  	[smem:$0x3F95] =	sst s1;
	(tag) =	ssettag s2;
	_ =	strace s9  }
0x27: {  	s1 =	sld [smem:$0x3FA5]  }
0x28: {  	s2 =	sld [smem:$0x3FA6]  }
0x29: {  	s4 =	sld [smem:$0x3FA8]  }
0x2a: {  	p0 =	seq.s32 s5, $0x0;
	s5 =	sld [smem:$0x3FA9]  }
0x2b: {  	s6 =	sld [smem:$0x3FAA]  }
0x2c: {  	s7 =	sld [smem:$0x3FAB]  }
0x2d: {  	s3 =	simm.s32 $0x108;
	s8 =	sld [smem:$0x3FAC]  }
0x2e: {  	s3 =	simm.s32 @!p0 $0x1082;
	s9 =	sld [smem:$0x3FAD]  }
0x2f: {  	lr =	sadd.s32 s0, s3;
	s0 =	sld [smem:$0x3FA4]  }
0x30: {  	s3 =	sld [smem:$0x3FA7]  }
0x31: {  	[smem:$0x3FB0] =	sst s10  }
0x32: {  	s10 =	sld [smem:$0x3FAE];
	_ =	sdelay $0x3  }
0x33: {  	p0 =	seq.s32 s10, $0x1;
	s10 =	sld [smem:$0x3FB0];
	_ =	sdelay $0x3  }
0x34: {  	[smem:$0x3FB0] =	sst s10  }
0x35: {  	s10 =	sld [smem:$0x3FAF];
	_ =	sdelay $0x3  }
0x36: {  	p1 =	seq.s32 s10, $0x1;
	s10 =	sld [smem:$0x3FB0];
	_ =	sdelay $0x3  }
0x37: {  	[smem:$0x3FB0] =	sst s10  }
0x38: {  	s10 =	sld [smem:$0x3FB1]  }
0x39: {  	_ = 	snop;
	(pc) =	sbr.ind lr, $3  }
0x3a: {  	_ = 	snop  }
0x3b: {  	_ = 	snop  }
0x3c: {  	p2 =	seq.s32 s10, $0x1;
	s10 =	sld [smem:$0x3FB0]  }
0x3d: {  	_ =	shalt  }
0x3e: {  	_ =	shalt  }
0x3f: {  	_ =	shalt  }
0x40: {  	_ =	shalt  }
0x41: {  	_ =	shalt  }
0x42: {  	_ =	shalt  }
0x43: {  	_ =	shalt  }
0x44: {  	_ =	shalt  }
0x45: {  	_ =	shalt  }
0x46: {  	_ =	shalt  }
0x47: {  	_ =	shalt  }
0x48: {  	_ =	shalt  }
0x49: {  	_ =	shalt  }
0x4a: {  	_ =	shalt  }
0x4b: {  	_ =	shalt  }
0x4c: {  	_ =	shalt  }
0x4d: {  	_ =	shalt  }
0x4e: {  	_ =	shalt  }
0x4f: {  	_ =	shalt  }
0x50: {  	_ =	shalt  }
0x51: {  	_ =	shalt  }
0x52: {  	_ =	shalt  }
0x53: {  	_ =	shalt  }
0x54: {  	_ =	shalt  }
0x55: {  	_ =	shalt  }
0x56: {  	_ =	shalt  }
0x57: {  	_ =	shalt  }
0x58: {  	_ =	shalt  }
0x59: {  	_ =	shalt  }
0x5a: {  	_ =	shalt  }
0x5b: {  	_ =	shalt  }
0x5c: {  	_ =	shalt  }
0x5d: {  	_ =	shalt  }
0x5e: {  	_ =	shalt  }
0x5f: {  	_ =	shalt  }
0x60: {  	_ =	shalt  }
0x61: {  	_ =	shalt  }
0x62: {  	_ =	shalt  }
0x63: {  	_ =	shalt  }
0x64: {  	_ =	shalt  }
0x65: {  	_ =	shalt  }
0x66: {  	_ =	shalt  }
0x67: {  	_ =	shalt  }
0x68: {  	_ =	shalt  }
0x69: {  	_ =	shalt  }
0x6a: {  	_ =	shalt  }
0x6b: {  	_ =	shalt  }
0x6c: {  	_ =	shalt  }
0x6d: {  	_ =	shalt  }
0x6e: {  	_ =	shalt  }
0x6f: {  	_ =	shalt  }
0x70: {  	_ =	shalt  }
0x71: {  	_ =	shalt  }
0x72: {  	_ =	shalt  }
0x73: {  	_ =	shalt  }
0x74: {  	_ =	shalt  }
0x75: {  	_ =	shalt  }
0x76: {  	_ =	shalt  }
0x77: {  	_ =	shalt  }
0x78: {  	_ =	shalt  }
0x79: {  	_ =	shalt  }
0x7a: {  	_ =	shalt  }
0x7b: {  	_ =	shalt  }
0x7c: {  	_ =	shalt  }
0x7d: {  	_ =	shalt  }
0x7e: {  	_ =	shalt  }
0x7f: {  	_ =	shalt  }
0x80: {  	_ =	shalt  }
0x81: {  	_ =	shalt  }
0x82: {  	_ =	shalt  }
0x83: {  	_ =	shalt  }
0x84: {  	_ =	shalt  }
0x85: {  	_ =	shalt  }
0x86: {  	_ =	shalt  }
0x87: {  	_ =	shalt  }
.Lfunc_end0:
.L_simem_size_0:
called_computation.2_lowered:
.L_overlay_start_0:
0x88: {  	s2 =	sld [smem:$0x3FD9]  }
0x89: {  	s3 =	sld [smem:$0x3FFE];
	_ =	sdelay $0x1  }
0x8a: {  	s1 =	srdreg.scid  }
0x8b: {  	s0 =	sand.u32 $0x1, s1  }
0x8c: {  	s17 =	sshll.u32 s0, $0xA;
	s2 =	sadd.s32 s3, s2  }
0x8d: {  	s2 =	sadd.s32 s2, s17  }
0x8e: {  	[smem:$0x3FBC] =	sst s2  }
0x8f: {  	_ = 	snop  }
0x90: {  	s2 =	sld [smem:$0x3FD0];
	(tm) =	ssettm $0x1  }
0x91: {  	s18 =	sld [smem:$0x3FFB];
	_ =	sdelay $0x3  }
0x92: {  	_ =	strace s18  }
0x93: {  	s3 =	sld [smem:$0x3FFC];
	_ =	sdelay $0x3  }
0x94: {  	_ =	strace s3  }
0x95: {  	s3 =	sld [smem:$0x3FFD];
	_ =	sdelay $0x3  }
0x96: {  	_ =	strace s3  }
0x97: {  	_ =	strace $0x8FFFFFFF  }
0x98: {  	s19 =	sld [smem:$0x3FDB];
	_ =	sdelay $0x1  }
0x99: {  	s4 =	simm.s32 $_scs_section_size  }
0x9a: {  	s5 =	simm.s32 $_size__tile_overlayer_lowered;
	s6 =	simm.s32 $_tile_overlayer_lowered  }
0x9b: {  	s22 =	simm.s32 $0x1BFF;
	s21 =	sshll.u32 s6, $0x1;
	s3 =	sadd.s32 s4, s19  }
0x9c: {  	s7 =	simm.s32 $0x0;
	s20 =	sshll.u32 s5, $0x1;
	s5 =	sadd.s32 s21, s3  }
0x9d: {  	[timem:s7], [sflag:s22] =	dma.local [hbm:s5], s20  }
0x9e: {  	_ =	swait.ge [sflag:s22], s20  }
0x9f: {  	s4 =	ssub.s32 $0x0, s20;
	[sflag:s22] =	ssyncset.done $0x0  }
0xa0: {  	[sflag:s22] =	ssyncadd.s32 s4;
	_ =	sdelay $0x1  }
0xa1: {  	s23 =	simm.s32 $0x1B8B  }
0xa2: {  	_ =	swait.ge [sflag:s23], $0x1  }
0xa3: {  	[sflag:s23] =	ssyncset.done $0x0  }
0xa4: {  	s25 =	simm.s32 $0x1B8E;
	s24 =	sld [smem:$0x3FFE];
	[sflag:s23] =	ssyncadd.s32 $0xFFFFFFFF  }
0xa5: {  	s26 =	simm.s32 $execute0_lowered;
	[smem:$0x3FD2] =	sst s25  }
0xa6: {  	s5 =	sshll.u32 s26, $0x1;
	_ =	strace $0x8000004C;
	[dreg:$0x1] =	wrdreg $0xFFFFFFFF  }
0xa7: {  	s28 =	simm.s32 $_size_execute0_lowered;
	s3 =	sadd.s32 s3, s5;
	[dreg:$0x0] =	wrdreg $0x0  }
0xa8: {  	s5 =	sshll.u32 s28, $0x1;
	[dreg:$0x2] =	wrdreg s3  }
0xa9: {  	[dreg:$0x3] =	wrdreg s5  }
0xaa: {  	[dreg:$0x4] =	wrdreg $0xC0  }
0xab: {  	_ =	task [dreg:s7], $0x5FFFF  }
0xac: {  	[dreg:$0x1] =	wrdreg $0xFFFFFFFF  }
0xad: {  	[dreg:$0x0] =	wrdreg $0x60  }
0xae: {  	[dreg:$0x2] =	wrdreg s24  }
0xaf: {  	[dreg:$0x3] =	wrdreg s2  }
0xb0: {  	[dreg:$0x4] =	wrdreg $0x70800  }
0xb1: {  	[dreg:$0x5] =	wrdreg $0x9  }
0xb2: {  	_ =	task.clear_ibuf [dreg:s7], $0x6FFFF;
	_ =	strace $0x9000004C  }
0xb3: {  	s29 =	simm.s32 $0x9;
	_ =	strace $0x8000004E  }
0xb4: {  	_ =	swait.ge [sflag:s29], $0x1  }
0xb5: {  	[sflag:s29] =	ssyncadd.s32 $0xFFFFFFFF  }
0xb6: {  	_ =	strace $0x9000004E  }
0xb7: {  	_ =	sfence  }
0xb8: {  	s30 =	sld [smem:$0x0];
	_ =	sdelay $0x2  }
0xb9: {  	s31 =	sshll.u32 s1, $0xD;
	s1 =	sshrl.u32 s1, $0x2  }
0xba: {  	s3 =	sand.u32 $0x4000, s31;
	s1 =	sadd.s32 s1, s30  }
0xbb: {  	s0 =	sor.u32 s3, s0;
	s1 =	sshll.u32 s1, $0x11  }
0xbc: {  	s0 =	sor.u32 s1, s0  }
0xbd: {  	s0 =	sadd.s32 $0x8F2B, s0  }
0xbe: {  	[sflag:s0] =	ssyncadd.remote.s32 $0x1  }
0xbf: {  	_ =	sfence.sel $0xFFFF  }
0xc0: {  	[dreg:$0x0] =	wrdreg $0xFFFFFFFF;
	(pc) =	sbr.abs _section_cstart, $3  }
0xc1: {  	[dreg:$0x1] =	wrdreg $0xFFFFFFFF  }
0xc2: {  	_ =	task.clear_ibuf [dreg:s7], $0x2FFFF;
	_ =	strace $0x9FFFFFFF  }
0xc3: {  	(tm) =	ssettm $0x7FFFFFFF  }
tec
execute0_lowered:
.L_overlay_start_1:
0x0: {  	(tag) =	ssettag $0x1  }
0x1: {  	s0 =	rddreg [dreg:$0x0]  }
0x2: {  	s2 =	rddreg [dreg:$0x1]  }
0x3: {  	s1 =	rddreg [dreg:$0x2]  }
0x4: {  	s3 =	simm.s32 $0x0;
	s4 =	srdreg.scid;
	s10 =	stileid.u32  }
0x5: {  	s21 =	simm.s32 $0x4080;
	s28 =	simm.s32 $0x1FE0;
	s29 =	simm.s32 $0x4020  }
0x6: {  	s30 =	simm.s32 $0x0;
	[smem:$0x7FF] =	sst s3;
	s12 =	smul.u32 $0x14000, s10  }
0x7: {  	s17 =	sand.u32 $0x1, s4;
	s4 =	sadd.s32 $0x21000, s0;
	s24 =	smul.u32 $0xF00, s10  }
0x8: {  	s13 =	sadd.s32 $0x17000, s0;
	s14 =	sadd.s32 $0xD000, s0;
	s11 =	smul.u32 $0x810, s10  }
0x9: {  	s0 =	sadd.s32 $0x34A00, s0;
	s23 =	sshll.u32 s10, $0x6;
	s15 =	smul.u32 $0x4080, s10  }
0xa: {  	_ =	strace $0x8000004D;
	s5 =	ssub.s32 $0x2, s17;
	s19 =	smul.u32 $0x280000, s17  }
0xb: {  	p0 =	sne.s32 s17, $0x0;
	s6 =	sshrl.u32 s5, $0x1;
	s7 =	sshrl.u32 s12, $0x1  }
0xc: {  	s22 =	sshrl.u32 s12, $0x4;
	s25 =	sadd.s32 $0x140000, s12;
	s9 =	sshrl.u32 s24, $0x3  }
0xd: {  	s10 =	sadd.s32 s13, s11;
	s11 =	sadd.s32 s14, s11;
	s15 =	sshrl.u32 s15, $0x3  }
0xe: {  	s24 =	simm.s32 $0x2;
	s16 =	ssub.s32 s5, s6;
	s18 =	sadd.s32 s7, s1  }
0xf: {  	s5 =	sadd.s32 s2, s22;
	s6 =	sor.u32 $0x1C03, s23;
	s8 =	sshrl.u32 s25, $0x1  }
0x10: {  	s9 =	sadd.s32 $0x8100, s9;
	s15 =	sadd.s32 $0x408, s15;
	s20 =	sadd.s32 s12, s19  }
0x11: {  	s2 =	sadd.s32 s19, s25;
	s19 =	simm.s32 $0x2040;
	s22 =	simm.s32 $0x5880  }
0x12: {  	s23 =	simm.s32 $0x1;
	s25 =	simm.s32 $0xC0;
	s7 =	sadd.s32 s8, s1  }
.Ltmp0:
0x13: {  	s26 =	sadd.s32 s13, s9;
	s9 =	sadd.s32 s14, s9;
	(pc) =	sbr.rel .LBB2_1-.Ltmp0, $4  }
0x14: {  	s12 =	sadd.s32 s13, s15;
	s31 =	sshrl.u32 s20, $0x4;
	s2 =	sshrl.u32 s2, $0x4  }
0x15: {  	s13 =	sadd.s32 s14, s15;
	s16 =	smax.u32 s16, $0x1;
	s17 =	sshrl.u32 s18, $0x3  }
0x16: {  	s18 =	simm.s32 $0x3;
	s20 =	simm.s32 $0x60;
	[dreg:$0x4] =	wrdreg s26  }
0x17: {  	s14 =	sadd.s32 s0, s31;
	s15 =	sadd.s32 s0, s2;
	s26 =	simm.s32 $0x20A0  }
.LBB2_9:
0x18: {  	[spmem:s1] =	stream.indirect.scatter.add.bf16 [tilespmem:s22], [sflag:$0x2], $0x40, s2, s20, $0xb8;
	[tilespmem:$0x1B080] =	vst v63  }
0x19: {  	_ =	swait.ge [sflag:s24], $0x1800  }
0x1a: {  	s0 =	sshra.s32 s0, $0x2;
	[sflag:s24] =	ssyncset.done $0x0  }
0x1b: {  	s8 =	sadd.s32 $0xEA0, s0;
	[sflag:s24] =	ssyncadd.s32 $0xFFFFE800  }
0x1c: {  	[tilespmem:s22], [sflag:$0x1] =	stream.indirect.gather [hbm4b:s4+s20], $0x40, s8, s20, $0xb8;
	[tilespmem:$0x1B080] =	vst v63  }
0x1d: {  	_ =	swait.ge [sflag:s23], $0x1800  }
0x1e: {  	[sflag:s23] =	ssyncset.done $0x0  }
0x1f: {  	s8 =	sadd.s32 $0x2E80, s0;
	[sflag:s23] =	ssyncadd.s32 $0xFFFFE800  }
0x20: {  	[spmem:s1] =	stream.indirect.scatter.add.bf16 [tilespmem:s21], [sflag:$0x2], $0x40, s8, s20, $0xb8;
	[tilespmem:$0x1B080] =	vst v63  }
0x21: {  	_ =	swait.ge [sflag:s24], $0x1800  }
0x22: {  	[sflag:s24] =	ssyncset.done $0x0  }
0x23: {  	[sflag:s24] =	ssyncadd.s32 $0xFFFFE800  }
0x24: {  	_ =	swait.ge [sflag:s23], $0x1800  }
0x25: {  	[sflag:s23] =	ssyncset.done $0x0  }
0x26: {  	s0 =	sadd.s32 $0x2EE0, s0;
	[sflag:s23] =	ssyncadd.s32 $0xFFFFE800  }
0x27: {  	[spmem:s1] =	stream.indirect.scatter.add.bf16 [tilespmem:s22], [sflag:$0x2], $0x40, s0, s20, $0xb8;
	[tilespmem:$0x1B080] =	vst v63  }
.LBB2_10:
0x28: {  	_ =	swait.ge [sflag:s24], $0x1800  }
0x29: {  	[sflag:s24] =	ssyncset.done $0x0  }
0x2a: {  	[sflag:s24] =	ssyncadd.s32 $0xFFFFE800  }
0x2b: {  	[bflag:$0x0] =	sbarrier.arrive $0xFFFF  }
0x2c: {  	[hbm:s14], [sflag:s6] =	dma.local [spmem:s17], $0x1400  }
0x2d: {  	s30 =	sadd.s32 $0x1, s30;
	_ =	swait.ge [sflag:s18], $0x1400  }
0x2e: {  	p1 =	sne.s32 s30, s16;
	[sflag:s18] =	ssyncset.done $0x0  }
.Ltmp1:
0x2f: {  	[sflag:s18] =	ssyncadd.s32 $0xFFFFEC00;
	(pc) =	sbr.rel @!p1 .LBB2_11-.Ltmp1, $4  }
0x30: {  	[hbm:s15], [sflag:s6] =	dma.local [spmem:s31], $0x1400  }
0x31: {  	_ =	swait.ge [sflag:s18], $0x1400  }
0x32: {  	[sflag:s18] =	ssyncset.done $0x0  }
0x33: {  	[sflag:s18] =	ssyncadd.s32 $0xFFFFEC00  }
.LBB2_1:
0x34: {  	[spmem:s17], [sflag:s6] =	dma.local [hbm:s5], $0x1400  }
0x35: {  	_ =	swait.ge [sflag:s18], $0x1400  }
0x36: {  	[sflag:s18] =	ssyncset.done $0x0  }
0x37: {  	s31 =	sshrl.u32 s7, $0x3;
	[sflag:s18] =	ssyncadd.s32 $0xFFFFEC00  }
0x38: {  	[spmem:s31], [sflag:s6] =	dma.local [hbm:s5], $0x1400  }
.Ltmp2:
0x39: {  	_ =	swait.ge [sflag:s18], $0x1400;
	(pc) =	sbr.rel @p0 .LBB2_7-.Ltmp2, $3  }
0x3a: {  	[sflag:s18] =	ssyncset.done $0x0  }
0x3b: {  	[sflag:s18] =	ssyncadd.s32 $0xFFFFEC00  }
0x3c: {  	[bflag:$0x0] =	sbarrier.arrive $0xFFFF;
	_ =	sdelay $0x1  }
0x3d: {  	[tilespmem:s3], [sflag:$0x3] =	stream.linear.gather [hbm4b:s10+s3], $0x2040, $0x38;
	[tilespmem:$0x1B080] =	vst v63  }
0x3e: {  	_ =	swait.ge [sflag:s18], $0x2040  }
0x3f: {  	[sflag:s18] =	ssyncset.done $0x0  }
0x40: {  	[sflag:s18] =	ssyncadd.s32 $0xFFFFDFC0  }
0x41: {  	[tilespmem:s19], [sflag:$0x3] =	stream.linear.gather [hbm4b:s11+s3], $0x2040, $0x38;
	[tilespmem:$0x1B080] =	vst v63  }
0x42: {  	_ =	swait.ge [sflag:s18], $0x2040  }
0x43: {  	[sflag:s18] =	ssyncset.done $0x0  }
0x44: {  	[sflag:s18] =	ssyncadd.s32 $0xFFFFDFC0  }
0x45: {  	[tilespmem:s21], [sflag:$0x1] =	stream.indirect.gather [hbm4b:s4+s20], $0x40, s3, s20, $0xb8;
	[tilespmem:$0x1B080] =	vst v63  }
0x46: {  	_ = 	snop  }
0x47: {  	[tilespmem:s22], [sflag:$0x1] =	stream.indirect.gather [hbm4b:s4+s20], $0x40, s20, s20, $0xb8;
	[tilespmem:$0x1B080] =	vst v63  }
0x48: {  	_ =	swait.ge [sflag:s23], $0x1800  }
0x49: {  	[sflag:s23] =	ssyncset.done $0x0  }
0x4a: {  	[sflag:s23] =	ssyncadd.s32 $0xFFFFE800  }
0x4b: {  	[spmem:s1] =	stream.indirect.scatter.add.bf16 [tilespmem:s21], [sflag:$0x2], $0x40, s19, s20, $0xb8;
	[tilespmem:$0x1B080] =	vst v63  }
0x4c: {  	_ =	swait.ge [sflag:s24], $0x1800  }
0x4d: {  	[sflag:s24] =	ssyncset.done $0x0  }
0x4e: {  	[sflag:s24] =	ssyncadd.s32 $0xFFFFE800  }
0x4f: {  	[tilespmem:s21], [sflag:$0x1] =	stream.indirect.gather [hbm4b:s4+s20], $0x40, s25, s20, $0xb8;
	[tilespmem:$0x1B080] =	vst v63  }
0x50: {  	_ =	swait.ge [sflag:s23], $0x1800  }
0x51: {  	[sflag:s23] =	ssyncset.done $0x0  }
0x52: {  	[sflag:s23] =	ssyncadd.s32 $0xFFFFE800  }
0x53: {  	[spmem:s1] =	stream.indirect.scatter.add.bf16 [tilespmem:s22], [sflag:$0x2], $0x40, s26, s20, $0xb8;
	[tilespmem:$0x1B080] =	vst v63  }
0x54: {  	_ =	swait.ge [sflag:s24], $0x1800  }
0x55: {  	[sflag:s24] =	ssyncset.done $0x0  }
0x56: {  	s0 =	simm.s32 $0x120;
	[sflag:s24] =	ssyncadd.s32 $0xFFFFE800  }
0x57: {  	[tilespmem:s22], [sflag:$0x1] =	stream.indirect.gather [hbm4b:s4+s20], $0x40, s0, s20, $0xb8;
	[tilespmem:$0x1B080] =	vst v63  }
0x58: {  	_ =	swait.ge [sflag:s23], $0x1800  }
0x59: {  	[sflag:s23] =	ssyncset.done $0x0  }
0x5a: {  	s2 =	simm.s32 $0x2100;
	[sflag:s23] =	ssyncadd.s32 $0xFFFFE800  }
0x5b: {  	[spmem:s1] =	stream.indirect.scatter.add.bf16 [tilespmem:s21], [sflag:$0x2], $0x40, s2, s20, $0xb8;
	[tilespmem:$0x1B080] =	vst v63  }
0x5c: {  	_ =	swait.ge [sflag:s24], $0x1800  }
0x5d: {  	[sflag:s24] =	ssyncset.done $0x0  }
0x5e: {  	s8 =	simm.s32 $0x180;
	[sflag:s24] =	ssyncadd.s32 $0xFFFFE800  }
0x5f: {  	[tilespmem:s21], [sflag:$0x1] =	stream.indirect.gather [hbm4b:s4+s20], $0x40, s8, s20, $0xb8;
	[tilespmem:$0x1B080] =	vst v63  }
0x60: {  	_ =	swait.ge [sflag:s23], $0x1800  }
0x61: {  	[sflag:s23] =	ssyncset.done $0x0  }
0x62: {  	s0 =	simm.s32 $0xFFFF8800;
	s2 =	simm.s32 $0x2160;
	[sflag:s23] =	ssyncadd.s32 $0xFFFFE800  }
.LBB2_3:
0x63: {  	[spmem:s1] =	stream.indirect.scatter.add.bf16 [tilespmem:s22], [sflag:$0x2], $0x40, s2, s20, $0xb8;
	[tilespmem:$0x1B080] =	vst v63  }
0x64: {  	s2 =	smov.u32 s0;
	s0 =	sadd.s32 $0x300, s0;
	_ =	swait.ge [sflag:s24], $0x1800  }
0x65: {  	s2 =	sshra.s32 s2, $0x2;
	p1 =	sne.s32 s0, $0x0;
	[sflag:s24] =	ssyncset.done $0x0  }
0x66: {  	s8 =	sadd.s32 $0x1FE0, s2;
	[sflag:s24] =	ssyncadd.s32 $0xFFFFE800  }
0x67: {  	[tilespmem:s22], [sflag:$0x1] =	stream.indirect.gather [hbm4b:s4+s20], $0x40, s8, s20, $0xb8;
	[tilespmem:$0x1B080] =	vst v63  }
0x68: {  	_ =	swait.ge [sflag:s23], $0x1800  }
0x69: {  	[sflag:s23] =	ssyncset.done $0x0  }
0x6a: {  	s8 =	sadd.s32 $0x3FC0, s2;
	[sflag:s23] =	ssyncadd.s32 $0xFFFFE800  }
0x6b: {  	[spmem:s1] =	stream.indirect.scatter.add.bf16 [tilespmem:s21], [sflag:$0x2], $0x40, s8, s20, $0xb8;
	[tilespmem:$0x1B080] =	vst v63  }
0x6c: {  	_ =	swait.ge [sflag:s24], $0x1800  }
0x6d: {  	[sflag:s24] =	ssyncset.done $0x0  }
.Ltmp3:
0x6e: {  	s8 =	sadd.s32 $0x2040, s2;
	[sflag:s24] =	ssyncadd.s32 $0xFFFFE800;
	(pc) =	sbr.rel @p1 .LBB2_3-.Ltmp3, $4  }
0x6f: {  	[tilespmem:s21], [sflag:$0x1] =	stream.indirect.gather [hbm4b:s4+s20], $0x40, s8, s20, $0xb8;
	[tilespmem:$0x1B080] =	vst v63  }
0x70: {  	_ =	swait.ge [sflag:s23], $0x1800  }
0x71: {  	[sflag:s23] =	ssyncset.done $0x0  }
0x72: {  	s2 =	sadd.s32 $0x4020, s2;
	[sflag:s23] =	ssyncadd.s32 $0xFFFFE800  }
0x73: {  	[spmem:s1] =	stream.indirect.scatter.add.bf16 [tilespmem:s22], [sflag:$0x2], $0x40, s2, s20, $0xb8;
	[tilespmem:$0x1B080] =	vst v63  }
0x74: {  	_ =	swait.ge [sflag:s24], $0x1800  }
0x75: {  	[sflag:s24] =	ssyncset.done $0x0  }
0x76: {  	[sflag:s24] =	ssyncadd.s32 $0xFFFFE800  }
0x77: {  	[tilespmem:s22], [sflag:$0x1] =	stream.indirect.gather [hbm4b:s4+s20], $0x40, s28, s20, $0xb8;
	[tilespmem:$0x1B080] =	vst v63  }
0x78: {  	_ =	swait.ge [sflag:s23], $0x1800  }
0x79: {  	s0 =	sshra.s32 s0, $0x2;
	[sflag:s23] =	ssyncset.done $0x0  }
0x7a: {  	s0 =	sadd.s32 $0x3FC0, s0;
	[sflag:s23] =	ssyncadd.s32 $0xFFFFE800  }
0x7b: {  	[spmem:s1] =	stream.indirect.scatter.add.bf16 [tilespmem:s21], [sflag:$0x2], $0x40, s0, s20, $0xb8;
	[tilespmem:$0x1B080] =	vst v63  }
0x7c: {  	_ =	swait.ge [sflag:s24], $0x1800  }
0x7d: {  	[sflag:s24] =	ssyncset.done $0x0  }
0x7e: {  	[sflag:s24] =	ssyncadd.s32 $0xFFFFE800  }
0x7f: {  	_ =	swait.ge [sflag:s23], $0x1800  }
0x80: {  	[sflag:s23] =	ssyncset.done $0x0  }
0x81: {  	[sflag:s23] =	ssyncadd.s32 $0xFFFFE800  }
0x82: {  	[spmem:s1] =	stream.indirect.scatter.add.bf16 [tilespmem:s22], [sflag:$0x2], $0x40, s29, s20, $0xb8;
	[tilespmem:$0x1B080] =	vst v63  }
0x83: {  	_ =	swait.ge [sflag:s24], $0x1800  }
0x84: {  	[sflag:s24] =	ssyncset.done $0x0  }
0x85: {  	[sflag:s24] =	ssyncadd.s32 $0xFFFFE800  }
0x86: {  	[tilespmem:s3], [sflag:$0x3] =	stream.linear.gather [hbm4b:s12+s3], $0x2040, $0x38;
	[tilespmem:$0x1B080] =	vst v63  }
0x87: {  	_ =	swait.ge [sflag:s18], $0x2040  }
0x88: {  	[sflag:s18] =	ssyncset.done $0x0  }
0x89: {  	[sflag:s18] =	ssyncadd.s32 $0xFFFFDFC0  }
0x8a: {  	[tilespmem:s19], [sflag:$0x3] =	stream.linear.gather [hbm4b:s13+s3], $0x2040, $0x38;
	[tilespmem:$0x1B080] =	vst v63  }
0x8b: {  	_ =	swait.ge [sflag:s18], $0x2040  }
0x8c: {  	[sflag:s18] =	ssyncset.done $0x0  }
0x8d: {  	[sflag:s18] =	ssyncadd.s32 $0xFFFFDFC0  }
0x8e: {  	[tilespmem:s21], [sflag:$0x1] =	stream.indirect.gather [hbm4b:s4+s20], $0x40, s3, s20, $0xb8;
	[tilespmem:$0x1B080] =	vst v63  }
0x8f: {  	_ = 	snop  }
0x90: {  	[tilespmem:s22], [sflag:$0x1] =	stream.indirect.gather [hbm4b:s4+s20], $0x40, s20, s20, $0xb8;
	[tilespmem:$0x1B080] =	vst v63  }
0x91: {  	_ =	swait.ge [sflag:s23], $0x1800  }
0x92: {  	[sflag:s23] =	ssyncset.done $0x0  }
0x93: {  	[sflag:s23] =	ssyncadd.s32 $0xFFFFE800  }
0x94: {  	[spmem:s1] =	stream.indirect.scatter.add.bf16 [tilespmem:s21], [sflag:$0x2], $0x40, s19, s20, $0xb8;
	[tilespmem:$0x1B080] =	vst v63  }
0x95: {  	_ =	swait.ge [sflag:s24], $0x1800  }
0x96: {  	[sflag:s24] =	ssyncset.done $0x0  }
0x97: {  	[sflag:s24] =	ssyncadd.s32 $0xFFFFE800  }
0x98: {  	[tilespmem:s21], [sflag:$0x1] =	stream.indirect.gather [hbm4b:s4+s20], $0x40, s25, s20, $0xb8;
	[tilespmem:$0x1B080] =	vst v63  }
0x99: {  	_ =	swait.ge [sflag:s23], $0x1800  }
0x9a: {  	[sflag:s23] =	ssyncset.done $0x0  }
0x9b: {  	[sflag:s23] =	ssyncadd.s32 $0xFFFFE800  }
0x9c: {  	[spmem:s1] =	stream.indirect.scatter.add.bf16 [tilespmem:s22], [sflag:$0x2], $0x40, s26, s20, $0xb8;
	[tilespmem:$0x1B080] =	vst v63  }
0x9d: {  	_ =	swait.ge [sflag:s24], $0x1800  }
0x9e: {  	[sflag:s24] =	ssyncset.done $0x0  }
0x9f: {  	s8 =	simm.s32 $0x120;
	[sflag:s24] =	ssyncadd.s32 $0xFFFFE800  }
0xa0: {  	[tilespmem:s22], [sflag:$0x1] =	stream.indirect.gather [hbm4b:s4+s20], $0x40, s8, s20, $0xb8;
	[tilespmem:$0x1B080] =	vst v63  }
0xa1: {  	_ =	swait.ge [sflag:s23], $0x1800  }
0xa2: {  	[sflag:s23] =	ssyncset.done $0x0  }
0xa3: {  	s2 =	simm.s32 $0x2100;
	[sflag:s23] =	ssyncadd.s32 $0xFFFFE800  }
0xa4: {  	[spmem:s1] =	stream.indirect.scatter.add.bf16 [tilespmem:s21], [sflag:$0x2], $0x40, s2, s20, $0xb8;
	[tilespmem:$0x1B080] =	vst v63  }
0xa5: {  	_ =	swait.ge [sflag:s24], $0x1800  }
0xa6: {  	[sflag:s24] =	ssyncset.done $0x0  }
0xa7: {  	s8 =	simm.s32 $0x180;
	[sflag:s24] =	ssyncadd.s32 $0xFFFFE800  }
0xa8: {  	[tilespmem:s21], [sflag:$0x1] =	stream.indirect.gather [hbm4b:s4+s20], $0x40, s8, s20, $0xb8;
	[tilespmem:$0x1B080] =	vst v63  }
0xa9: {  	_ =	swait.ge [sflag:s23], $0x1800  }
0xaa: {  	[sflag:s23] =	ssyncset.done $0x0  }
0xab: {  	s0 =	simm.s32 $0xFFFF8800;
	s2 =	simm.s32 $0x2160;
	[sflag:s23] =	ssyncadd.s32 $0xFFFFE800  }
.LBB2_5:
0xac: {  	[spmem:s1] =	stream.indirect.scatter.add.bf16 [tilespmem:s22], [sflag:$0x2], $0x40, s2, s20, $0xb8;
	[tilespmem:$0x1B080] =	vst v63  }
0xad: {  	s2 =	smov.u32 s0;
	s0 =	sadd.s32 $0x300, s0;
	_ =	swait.ge [sflag:s24], $0x1800  }
0xae: {  	s2 =	sshra.s32 s2, $0x2;
	p1 =	seq.s32 s0, $0x0;
	[sflag:s24] =	ssyncset.done $0x0  }
0xaf: {  	s8 =	sadd.s32 $0x1FE0, s2;
	[sflag:s24] =	ssyncadd.s32 $0xFFFFE800  }
0xb0: {  	[tilespmem:s22], [sflag:$0x1] =	stream.indirect.gather [hbm4b:s4+s20], $0x40, s8, s20, $0xb8;
	[tilespmem:$0x1B080] =	vst v63  }
0xb1: {  	_ =	swait.ge [sflag:s23], $0x1800  }
0xb2: {  	[sflag:s23] =	ssyncset.done $0x0  }
0xb3: {  	s8 =	sadd.s32 $0x3FC0, s2;
	[sflag:s23] =	ssyncadd.s32 $0xFFFFE800  }
0xb4: {  	[spmem:s1] =	stream.indirect.scatter.add.bf16 [tilespmem:s21], [sflag:$0x2], $0x40, s8, s20, $0xb8;
	[tilespmem:$0x1B080] =	vst v63  }
0xb5: {  	_ =	swait.ge [sflag:s24], $0x1800  }
0xb6: {  	[sflag:s24] =	ssyncset.done $0x0  }
.Ltmp4:
0xb7: {  	s8 =	sadd.s32 $0x2040, s2;
	[sflag:s24] =	ssyncadd.s32 $0xFFFFE800;
	(pc) =	sbr.rel @!p1 .LBB2_5-.Ltmp4, $4  }
0xb8: {  	[tilespmem:s21], [sflag:$0x1] =	stream.indirect.gather [hbm4b:s4+s20], $0x40, s8, s20, $0xb8;
	[tilespmem:$0x1B080] =	vst v63  }
0xb9: {  	_ =	swait.ge [sflag:s23], $0x1800  }
0xba: {  	[sflag:s23] =	ssyncset.done $0x0  }
0xbb: {  	s2 =	sadd.s32 $0x4020, s2;
	[sflag:s23] =	ssyncadd.s32 $0xFFFFE800  }
0xbc: {  	[spmem:s1] =	stream.indirect.scatter.add.bf16 [tilespmem:s22], [sflag:$0x2], $0x40, s2, s20, $0xb8;
	[tilespmem:$0x1B080] =	vst v63  }
0xbd: {  	_ =	swait.ge [sflag:s24], $0x1800  }
0xbe: {  	[sflag:s24] =	ssyncset.done $0x0  }
0xbf: {  	[sflag:s24] =	ssyncadd.s32 $0xFFFFE800  }
0xc0: {  	[tilespmem:s22], [sflag:$0x1] =	stream.indirect.gather [hbm4b:s4+s20], $0x40, s28, s20, $0xb8;
	[tilespmem:$0x1B080] =	vst v63  }
0xc1: {  	_ =	swait.ge [sflag:s23], $0x1800  }
0xc2: {  	s0 =	sshra.s32 s0, $0x2;
	[sflag:s23] =	ssyncset.done $0x0  }
0xc3: {  	s0 =	sadd.s32 $0x3FC0, s0;
	[sflag:s23] =	ssyncadd.s32 $0xFFFFE800  }
0xc4: {  	[spmem:s1] =	stream.indirect.scatter.add.bf16 [tilespmem:s21], [sflag:$0x2], $0x40, s0, s20, $0xb8;
	[tilespmem:$0x1B080] =	vst v63  }
0xc5: {  	_ =	swait.ge [sflag:s24], $0x1800  }
0xc6: {  	[sflag:s24] =	ssyncset.done $0x0  }
.Ltmp5:
0xc7: {  	[sflag:s24] =	ssyncadd.s32 $0xFFFFE800;
	(pc) =	sbr.rel .LBB2_10-.Ltmp5, $4  }
0xc8: {  	_ =	swait.ge [sflag:s23], $0x1800  }
0xc9: {  	[sflag:s23] =	ssyncset.done $0x0  }
0xca: {  	[sflag:s23] =	ssyncadd.s32 $0xFFFFE800  }
0xcb: {  	[spmem:s1] =	stream.indirect.scatter.add.bf16 [tilespmem:s22], [sflag:$0x2], $0x40, s29, s20, $0xb8;
	[tilespmem:$0x1B080] =	vst v63  }
.LBB2_7:
0xcc: {  	s0 =	rddreg [dreg:$0x4]  }
0xcd: {  	[tilespmem:s3], [sflag:$0x3] =	stream.linear.gather [hbm4b:s0+s3], $0xF00, $0x38;
	[tilespmem:$0x1B080] =	vst v63  }
0xce: {  	_ =	swait.ge [sflag:s18], $0xF00  }
0xcf: {  	[sflag:s18] =	ssyncset.done $0x0  }
0xd0: {  	[sflag:s18] =	ssyncadd.s32 $0xFFFFF100  }
0xd1: {  	[tilespmem:s19], [sflag:$0x3] =	stream.linear.gather [hbm4b:s9+s3], $0xF00, $0x38;
	[tilespmem:$0x1B080] =	vst v63  }
0xd2: {  	_ =	swait.ge [sflag:s18], $0xF00  }
0xd3: {  	[sflag:s18] =	ssyncset.done $0x0  }
0xd4: {  	[sflag:s18] =	ssyncadd.s32 $0xFFFFF100  }
0xd5: {  	[tilespmem:s21], [sflag:$0x1] =	stream.indirect.gather [hbm4b:s4+s20], $0x40, s3, s20, $0xb8;
	[tilespmem:$0x1B080] =	vst v63  }
0xd6: {  	_ = 	snop  }
0xd7: {  	[tilespmem:s22], [sflag:$0x1] =	stream.indirect.gather [hbm4b:s4+s20], $0x40, s20, s20, $0xb8;
	[tilespmem:$0x1B080] =	vst v63  }
0xd8: {  	_ =	swait.ge [sflag:s23], $0x1800  }
0xd9: {  	[sflag:s23] =	ssyncset.done $0x0  }
0xda: {  	[sflag:s23] =	ssyncadd.s32 $0xFFFFE800  }
0xdb: {  	[spmem:s1] =	stream.indirect.scatter.add.bf16 [tilespmem:s21], [sflag:$0x2], $0x40, s19, s20, $0xb8;
	[tilespmem:$0x1B080] =	vst v63  }
0xdc: {  	_ =	swait.ge [sflag:s24], $0x1800  }
0xdd: {  	[sflag:s24] =	ssyncset.done $0x0  }
0xde: {  	[sflag:s24] =	ssyncadd.s32 $0xFFFFE800  }
0xdf: {  	[tilespmem:s21], [sflag:$0x1] =	stream.indirect.gather [hbm4b:s4+s20], $0x40, s25, s20, $0xb8;
	[tilespmem:$0x1B080] =	vst v63  }
0xe0: {  	_ =	swait.ge [sflag:s23], $0x1800  }
0xe1: {  	[sflag:s23] =	ssyncset.done $0x0  }
0xe2: {  	[sflag:s23] =	ssyncadd.s32 $0xFFFFE800  }
0xe3: {  	[spmem:s1] =	stream.indirect.scatter.add.bf16 [tilespmem:s22], [sflag:$0x2], $0x40, s26, s20, $0xb8;
	[tilespmem:$0x1B080] =	vst v63  }
0xe4: {  	_ =	swait.ge [sflag:s24], $0x1800  }
0xe5: {  	[sflag:s24] =	ssyncset.done $0x0  }
0xe6: {  	s8 =	simm.s32 $0x120;
	[sflag:s24] =	ssyncadd.s32 $0xFFFFE800  }
0xe7: {  	[tilespmem:s22], [sflag:$0x1] =	stream.indirect.gather [hbm4b:s4+s20], $0x40, s8, s20, $0xb8;
	[tilespmem:$0x1B080] =	vst v63  }
0xe8: {  	_ =	swait.ge [sflag:s23], $0x1800  }
0xe9: {  	[sflag:s23] =	ssyncset.done $0x0  }
0xea: {  	s2 =	simm.s32 $0x2100;
	[sflag:s23] =	ssyncadd.s32 $0xFFFFE800  }
0xeb: {  	[spmem:s1] =	stream.indirect.scatter.add.bf16 [tilespmem:s21], [sflag:$0x2], $0x40, s2, s20, $0xb8;
	[tilespmem:$0x1B080] =	vst v63  }
0xec: {  	_ =	swait.ge [sflag:s24], $0x1800  }
0xed: {  	[sflag:s24] =	ssyncset.done $0x0  }
0xee: {  	s8 =	simm.s32 $0x180;
	[sflag:s24] =	ssyncadd.s32 $0xFFFFE800  }
0xef: {  	[tilespmem:s21], [sflag:$0x1] =	stream.indirect.gather [hbm4b:s4+s20], $0x40, s8, s20, $0xb8;
	[tilespmem:$0x1B080] =	vst v63  }
0xf0: {  	_ =	swait.ge [sflag:s23], $0x1800  }
0xf1: {  	[sflag:s23] =	ssyncset.done $0x0  }
0xf2: {  	s0 =	simm.s32 $0xFFFFCD00;
	s2 =	simm.s32 $0x2160;
	[sflag:s23] =	ssyncadd.s32 $0xFFFFE800  }
.LBB2_8:
0xf3: {  	[spmem:s1] =	stream.indirect.scatter.add.bf16 [tilespmem:s22], [sflag:$0x2], $0x40, s2, s20, $0xb8;
	[tilespmem:$0x1B080] =	vst v63  }
0xf4: {  	s2 =	smov.u32 s0;
	s0 =	sadd.s32 $0x300, s0;
	_ =	swait.ge [sflag:s24], $0x1800  }
0xf5: {  	s2 =	sshra.s32 s2, $0x2;
	p1 =	seq.s32 s0, $0x0;
	[sflag:s24] =	ssyncset.done $0x0  }
0xf6: {  	s8 =	sadd.s32 $0xEA0, s2;
	[sflag:s24] =	ssyncadd.s32 $0xFFFFE800  }
0xf7: {  	[tilespmem:s22], [sflag:$0x1] =	stream.indirect.gather [hbm4b:s4+s20], $0x40, s8, s20, $0xb8;
	[tilespmem:$0x1B080] =	vst v63  }
0xf8: {  	_ =	swait.ge [sflag:s23], $0x1800  }
0xf9: {  	[sflag:s23] =	ssyncset.done $0x0  }
0xfa: {  	s8 =	sadd.s32 $0x2E80, s2;
	[sflag:s23] =	ssyncadd.s32 $0xFFFFE800  }
0xfb: {  	[spmem:s1] =	stream.indirect.scatter.add.bf16 [tilespmem:s21], [sflag:$0x2], $0x40, s8, s20, $0xb8;
	[tilespmem:$0x1B080] =	vst v63  }
0xfc: {  	_ =	swait.ge [sflag:s24], $0x1800  }
0xfd: {  	[sflag:s24] =	ssyncset.done $0x0  }
.Ltmp6:
0xfe: {  	s8 =	sadd.s32 $0xF00, s2;
	[sflag:s24] =	ssyncadd.s32 $0xFFFFE800;
	(pc) =	sbr.rel @!p1 .LBB2_8-.Ltmp6, $4  }
0xff: {  	[tilespmem:s21], [sflag:$0x1] =	stream.indirect.gather [hbm4b:s4+s20], $0x40, s8, s20, $0xb8;
	[tilespmem:$0x1B080] =	vst v63  }
0x100: {  	_ =	swait.ge [sflag:s23], $0x1800  }
0x101: {  	[sflag:s23] =	ssyncset.done $0x0  }
0x102: {  	s2 =	sadd.s32 $0x2EE0, s2;
	[sflag:s23] =	ssyncadd.s32 $0xFFFFE800  }
.Ltmp7:
0x103: {  	_ = 	snop;
	(pc) =	sbr.rel .LBB2_9-.Ltmp7, $1  }
0x104: {  	_ =	sdelay $0x3  }
.LBB2_11:
0x105: {  	_ =	sfence.sel $0x180000  }
0x106: {  	[bflag:$0x0] =	sbarrier.arrive $0xFFFF  }
0x107: {  	_ =	strace $0x9000004D  }
0x108: {  	s0 =	stileid.u32;
	[bflag:$0x2] =	sbarrier.arrive $0xFFFF  }
0x109: {  	p0 =	sne.s32 s0, $0x0;
	s0 =	rddreg [dreg:$0x3]  }
0x10a: {  	s0 =	sadd.s32 @!p0 $0x100000, s0  }
0x10b: {  	[sflag:s0] =	ssyncadd.tile.s32 @!p0 $0x1;
	_ =	shalt  }
.Lfunc_end2:
_tile_overlayer_lowered:
.L_overlay_start_2:
0x10c: {  	(tag) =	ssettag $0x2  }
0x10d: {  	s0 =	rddreg [dreg:$0x0];
	s2 =	stileid.u32  }
0x10e: {  	s1 =	rddreg [dreg:$0x1];
	p0 =	sne.s32 s2, $0x0  }
0x10f: {  	s3 =	rddreg [dreg:$0x2];
	[bflag:$0x3] =	sbarrier.arrive $0xFFFF;
	s2 =	simm.s32 @!p0 $0x1C03  }
0x110: {  	[timem:s3], [sflag:s2] =	dma.local @!p0 [hbm:s0], s1  }
0x111: {  	s0 =	simm.s32 @!p0 $0x3  }
0x112: {  	_ =	swait.ge @!p0 [sflag:s0], s1  }
0x113: {  	s1 =	ssub.s32 @!p0 $0x0, s1;
	[sflag:s0] =	ssyncset.done @!p0 $0x0  }
0x114: {  	[sflag:s0] =	ssyncadd.s32 @!p0 s1  }
0x115: {  	[bflag:$0x3] =	sbarrier.arrive $0xFFFF  }
0x116: {  	_ =	shalt  }

// kernel: kernel.8.cloned.1.call-start
scs
__scs_entry_jumppad:
0x0: {  	(pc) =	sbr.rel $0x88, $3  }
0x1: {  	(tag) =	ssettag $0x0;
	lr =	simm.s32 $0x1  }
0x2: {  	[smem:$0x3F95] =	sst lr;
	_ =	strace $0xD0000000  }
0x3: {  	_ = 	snop  }
0x4: {  	_ = 	snop  }
0x5: {  	_ = 	snop  }
0x6: {  	_ = 	snop  }
0x7: {  	_ = 	snop  }
__scs_overlays_trampoline_lowered:
0x8: {  	[smem:$0x3FA4] =	sst s0  }
0x9: {  	[smem:$0x3FA5] =	sst s1  }
0xa: {  	[smem:$0x3FA6] =	sst s2  }
0xb: {  	[smem:$0x3FA7] =	sst s3  }
0xc: {  	[smem:$0x3FA8] =	sst s4  }
0xd: {  	[smem:$0x3FA9] =	sst s5  }
0xe: {  	[smem:$0x3FAA] =	sst s6  }
0xf: {  	[smem:$0x3FAB] =	sst s7  }
0x10: {  	[smem:$0x3FAC] =	sst s8  }
0x11: {  	[smem:$0x3FAD] =	sst s9;
	s0 =	simm.s32 @!p0 $0x0  }
0x12: {  	s1 =	sld [smem:$0x3F93];
	s0 =	simm.s32 @p0 $0x1  }
0x13: {  	[smem:$0x3FAE] =	sst s0;
	s0 =	simm.s32 @!p1 $0x0  }
0x14: {  	s2 =	sld [smem:$0x3F92];
	s0 =	simm.s32 @p1 $0x1  }
0x15: {  	[smem:$0x3FAF] =	sst s0;
	s0 =	simm.s32 @!p2 $0x0  }
0x16: {  	s3 =	sld [smem:$0x3FDB];
	s0 =	simm.s32 @p2 $0x1  }
0x17: {  	s4 =	simm.s32 $0x1BF5;
	[smem:$0x3FB1] =	sst s0  }
0x18: {  	s0 =	sld [smem:$0x3F94];
	_ =	swait.ge [sflag:s4], $0x0  }
0x19: {  	s7 =	sld [smem:$0x3F95]  }
0x1a: {  	s8 =	sadd.s32 $0xFFFFE003, lr  }
0x1b: {  	s9 =	sadd.s32 $0xFFFFFEF7, lr;
	s5 =	simm.s32 $0xFFFFFFFF;
	p2 =	slt.u32 s8, $0xFFFFF086  }
0x1c: {  	p1 =	slt.u32 s9, $0xF7A;
	s5 =	simm.s32 @!p2 $0x0  }
0x1d: {  	s5 =	simm.s32 @p1 $0x1;
	p0 =	seq.s32 s7, s2  }
0x1e: {  	s7 =	smul.u32 @!p0 $0xF7A, s2;
	p2 =	seq.s32 @!p0 s5, $0x0  }
0x1f: {  	s9 =	smul.u32 $0xF7A, s1;
	s8 =	simm.s32 @!p0 $0x1BF5;
	p2 =	por !p2, p0  }
0x20: {  	[sflag:s8] =	ssyncset.s32 @!p0 $0xFFFFF086;
	s6 =	sadd.s32 @!p0 s3, s7;
	s7 =	simm.s32 @!p0 $0x108  }
0x21: {  	s3 =	sadd.s32 s3, s9;
	s6 =	sadd.s32 @!p0 $0x88, s6;
	s7 =	simm.s32 @p2 $0x1082  }
0x22: {  	[simem:s7], [sflag:s8] =	dma.local @!p0 [hbm:s6], $0xF7A  }
0x23: {  	s9 =	sor.u32 $0xD0000000, s2;
	s6 =	simm.s32 $0x108;
	_ =	swait.ge @!p0 [sflag:s8], $0x0  }
0x24: {  	s3 =	sadd.s32 $0x88, s3;
	s6 =	simm.s32 @!p1 $0x1082;
	[sflag:s4] =	ssyncset.s32 $0xFFFFF086  }
0x25: {  	[simem:s6], [sflag:s4] =	dma.local [hbm:s3], $0xF7A  }
0x26: {  	[smem:$0x3F95] =	sst s1;
	(tag) =	ssettag s2;
	_ =	strace s9  }
0x27: {  	s1 =	sld [smem:$0x3FA5]  }
0x28: {  	s2 =	sld [smem:$0x3FA6]  }
0x29: {  	s4 =	sld [smem:$0x3FA8]  }
0x2a: {  	p0 =	seq.s32 s5, $0x0;
	s5 =	sld [smem:$0x3FA9]  }
0x2b: {  	s6 =	sld [smem:$0x3FAA]  }
0x2c: {  	s7 =	sld [smem:$0x3FAB]  }
0x2d: {  	s3 =	simm.s32 $0x108;
	s8 =	sld [smem:$0x3FAC]  }
0x2e: {  	s3 =	simm.s32 @!p0 $0x1082;
	s9 =	sld [smem:$0x3FAD]  }
0x2f: {  	lr =	sadd.s32 s0, s3;
	s0 =	sld [smem:$0x3FA4]  }
0x30: {  	s3 =	sld [smem:$0x3FA7]  }
0x31: {  	[smem:$0x3FB0] =	sst s10  }
0x32: {  	s10 =	sld [smem:$0x3FAE];
	_ =	sdelay $0x3  }
0x33: {  	p0 =	seq.s32 s10, $0x1;
	s10 =	sld [smem:$0x3FB0];
	_ =	sdelay $0x3  }
0x34: {  	[smem:$0x3FB0] =	sst s10  }
0x35: {  	s10 =	sld [smem:$0x3FAF];
	_ =	sdelay $0x3  }
0x36: {  	p1 =	seq.s32 s10, $0x1;
	s10 =	sld [smem:$0x3FB0];
	_ =	sdelay $0x3  }
0x37: {  	[smem:$0x3FB0] =	sst s10  }
0x38: {  	s10 =	sld [smem:$0x3FB1]  }
0x39: {  	_ = 	snop;
	(pc) =	sbr.ind lr, $3  }
0x3a: {  	_ = 	snop  }
0x3b: {  	_ = 	snop  }
0x3c: {  	p2 =	seq.s32 s10, $0x1;
	s10 =	sld [smem:$0x3FB0]  }
0x3d: {  	_ =	shalt  }
0x3e: {  	_ =	shalt  }
0x3f: {  	_ =	shalt  }
0x40: {  	_ =	shalt  }
0x41: {  	_ =	shalt  }
0x42: {  	_ =	shalt  }
0x43: {  	_ =	shalt  }
0x44: {  	_ =	shalt  }
0x45: {  	_ =	shalt  }
0x46: {  	_ =	shalt  }
0x47: {  	_ =	shalt  }
0x48: {  	_ =	shalt  }
0x49: {  	_ =	shalt  }
0x4a: {  	_ =	shalt  }
0x4b: {  	_ =	shalt  }
0x4c: {  	_ =	shalt  }
0x4d: {  	_ =	shalt  }
0x4e: {  	_ =	shalt  }
0x4f: {  	_ =	shalt  }
0x50: {  	_ =	shalt  }
0x51: {  	_ =	shalt  }
0x52: {  	_ =	shalt  }
0x53: {  	_ =	shalt  }
0x54: {  	_ =	shalt  }
0x55: {  	_ =	shalt  }
0x56: {  	_ =	shalt  }
0x57: {  	_ =	shalt  }
0x58: {  	_ =	shalt  }
0x59: {  	_ =	shalt  }
0x5a: {  	_ =	shalt  }
0x5b: {  	_ =	shalt  }
0x5c: {  	_ =	shalt  }
0x5d: {  	_ =	shalt  }
0x5e: {  	_ =	shalt  }
0x5f: {  	_ =	shalt  }
0x60: {  	_ =	shalt  }
0x61: {  	_ =	shalt  }
0x62: {  	_ =	shalt  }
0x63: {  	_ =	shalt  }
0x64: {  	_ =	shalt  }
0x65: {  	_ =	shalt  }
0x66: {  	_ =	shalt  }
0x67: {  	_ =	shalt  }
0x68: {  	_ =	shalt  }
0x69: {  	_ =	shalt  }
0x6a: {  	_ =	shalt  }
0x6b: {  	_ =	shalt  }
0x6c: {  	_ =	shalt  }
0x6d: {  	_ =	shalt  }
0x6e: {  	_ =	shalt  }
0x6f: {  	_ =	shalt  }
0x70: {  	_ =	shalt  }
0x71: {  	_ =	shalt  }
0x72: {  	_ =	shalt  }
0x73: {  	_ =	shalt  }
0x74: {  	_ =	shalt  }
0x75: {  	_ =	shalt  }
0x76: {  	_ =	shalt  }
0x77: {  	_ =	shalt  }
0x78: {  	_ =	shalt  }
0x79: {  	_ =	shalt  }
0x7a: {  	_ =	shalt  }
0x7b: {  	_ =	shalt  }
0x7c: {  	_ =	shalt  }
0x7d: {  	_ =	shalt  }
0x7e: {  	_ =	shalt  }
0x7f: {  	_ =	shalt  }
0x80: {  	_ =	shalt  }
0x81: {  	_ =	shalt  }
0x82: {  	_ =	shalt  }
0x83: {  	_ =	shalt  }
0x84: {  	_ =	shalt  }
0x85: {  	_ =	shalt  }
0x86: {  	_ =	shalt  }
0x87: {  	_ =	shalt  }
.Lfunc_end0:
.L_simem_size_0:
called_computation_lowered:
.L_overlay_start_0:
0x88: {  	s2 =	sld [smem:$0x3FD9]  }
0x89: {  	s3 =	sld [smem:$0x3FFE];
	_ =	sdelay $0x1  }
0x8a: {  	s1 =	srdreg.scid  }
0x8b: {  	s0 =	sand.u32 $0x1, s1  }
0x8c: {  	s16 =	sshll.u32 s0, $0xA;
	s2 =	sadd.s32 s3, s2  }
0x8d: {  	s2 =	sadd.s32 s2, s16  }
0x8e: {  	[smem:$0x3FBC] =	sst s2  }
0x8f: {  	_ = 	snop  }
0x90: {  	(tm) =	ssettm $0x1  }
0x91: {  	s17 =	sld [smem:$0x3FFB];
	_ =	sdelay $0x3  }
0x92: {  	_ =	strace s17  }
0x93: {  	s2 =	sld [smem:$0x3FFC];
	_ =	sdelay $0x3  }
0x94: {  	_ =	strace s2  }
0x95: {  	s2 =	sld [smem:$0x3FFD];
	_ =	sdelay $0x3  }
0x96: {  	_ =	strace s2  }
0x97: {  	_ =	strace $0x8FFFFFFF  }
0x98: {  	s18 =	sld [smem:$0x3FDB];
	_ =	sdelay $0x1  }
0x99: {  	s19 =	simm.s32 $_scs_section_size  }
0x9a: {  	s4 =	simm.s32 $_size__tile_overlayer_lowered;
	s5 =	simm.s32 $_tile_overlayer_lowered  }
0x9b: {  	s22 =	simm.s32 $0x1BFF;
	s21 =	sshll.u32 s5, $0x1;
	s2 =	sadd.s32 s19, s18  }
0x9c: {  	s6 =	simm.s32 $0x0;
	s20 =	sshll.u32 s4, $0x1;
	s4 =	sadd.s32 s21, s2  }
0x9d: {  	[timem:s6], [sflag:s22] =	dma.local [hbm:s4], s20  }
0x9e: {  	_ =	swait.ge [sflag:s22], s20  }
0x9f: {  	s3 =	ssub.s32 $0x0, s20;
	[sflag:s22] =	ssyncset.done $0x0  }
0xa0: {  	[sflag:s22] =	ssyncadd.s32 s3;
	_ =	sdelay $0x1  }
0xa1: {  	s23 =	simm.s32 $0x1B8B  }
0xa2: {  	_ =	swait.ge [sflag:s23], $0x1  }
0xa3: {  	[sflag:s23] =	ssyncset.done $0x0  }
0xa4: {  	s25 =	simm.s32 $0x1B8E;
	s24 =	sld [smem:$0x3FFE];
	[sflag:s23] =	ssyncadd.s32 $0xFFFFFFFF  }
0xa5: {  	s26 =	simm.s32 $execute0_lowered;
	[smem:$0x3FD2] =	sst s25  }
0xa6: {  	s4 =	sshll.u32 s26, $0x1;
	_ =	strace $0x80000046;
	[dreg:$0x1] =	wrdreg $0xFFFFFFFF  }
0xa7: {  	s28 =	simm.s32 $_size_execute0_lowered;
	s2 =	sadd.s32 s2, s4;
	[dreg:$0x0] =	wrdreg $0x0  }
0xa8: {  	s4 =	sshll.u32 s28, $0x1;
	[dreg:$0x2] =	wrdreg s2  }
0xa9: {  	[dreg:$0x3] =	wrdreg s4  }
0xaa: {  	[dreg:$0x4] =	wrdreg $0xC0  }
0xab: {  	_ =	task [dreg:s6], $0x5FFFF  }
0xac: {  	[dreg:$0x1] =	wrdreg $0xFFFFFFFF  }
0xad: {  	[dreg:$0x0] =	wrdreg $0x60  }
0xae: {  	[dreg:$0x2] =	wrdreg s24  }
0xaf: {  	[dreg:$0x3] =	wrdreg $0x7A400  }
0xb0: {  	[dreg:$0x4] =	wrdreg $0x9  }
0xb1: {  	_ =	task.clear_ibuf [dreg:s6], $0x5FFFF;
	_ =	strace $0x90000046  }
0xb2: {  	s29 =	simm.s32 $0x9;
	_ =	strace $0x80000048  }
0xb3: {  	_ =	swait.ge [sflag:s29], $0x1  }
0xb4: {  	[sflag:s29] =	ssyncadd.s32 $0xFFFFFFFF  }
0xb5: {  	_ =	strace $0x90000048  }
0xb6: {  	_ =	sfence  }
0xb7: {  	s30 =	sld [smem:$0x0];
	_ =	sdelay $0x2  }
0xb8: {  	s31 =	sshll.u32 s1, $0xD;
	s1 =	sshrl.u32 s1, $0x2  }
0xb9: {  	s3 =	sand.u32 $0x4000, s31;
	s1 =	sadd.s32 s1, s30  }
0xba: {  	s0 =	sor.u32 s3, s0;
	s1 =	sshll.u32 s1, $0x11  }
0xbb: {  	s0 =	sor.u32 s1, s0  }
0xbc: {  	s0 =	sadd.s32 $0x8F2B, s0  }
0xbd: {  	[sflag:s0] =	ssyncadd.remote.s32 $0x1  }
0xbe: {  	_ =	sfence.sel $0xFFFF  }
0xbf: {  	[dreg:$0x0] =	wrdreg $0xFFFFFFFF;
	(pc) =	sbr.abs _section_cstart, $3  }
0xc0: {  	[dreg:$0x1] =	wrdreg $0xFFFFFFFF  }
0xc1: {  	_ =	task.clear_ibuf [dreg:s6], $0x2FFFF;
	_ =	strace $0x9FFFFFFF  }
0xc2: {  	(tm) =	ssettm $0x7FFFFFFF  }
0xc3: {  	_ =	shalt  }
tec
execute0_lowered:
.L_overlay_start_1:
0x0: {  	(tag) =	ssettag $0x1  }
0x1: {  	s0 =	rddreg [dreg:$0x0]  }
0x2: {  	s1 =	rddreg [dreg:$0x1];
	s2 =	srdreg.scid  }
0x3: {  	s5 =	simm.s32 $0x0;
	s7 =	stileid.u32;
	s23 =	simm.s32 $0x1  }
0x4: {  	s24 =	simm.s32 $0x27C0;
	s30 =	simm.s32 $0x7040;
	s25 =	smul.u32 $0x280, s7  }
0x5: {  	s31 =	simm.s32 $0x72C0;
	s2 =	sand.u32 $0x1, s2;
	s26 =	smul.u32 $0xA000, s7  }
0x6: {  	[smem:$0x7FF] =	sst s5;
	s3 =	sshll.u32 s2, $0x4;
	s4 =	smul.u32 $0x2800, s2  }
0x7: {  	_ =	strace $0x80000047;
	s2 =	ssub.s32 $0x2, s2;
	s3 =	sor.u32 s7, s3  }
0x8: {  	s6 =	sshrl.u32 s2, $0x1;
	s7 =	smul.u32 $0xA00, s7;
	s28 =	sshrl.u32 s26, $0x2  }
0x9: {  	s3 =	smul.u32 $0x4F8, s3;
	s4 =	sadd.s32 s25, s4;
	s2 =	ssub.s32 s2, s6  }
0xa: {  	s4 =	sshrl.u32 s4, $0x3;
	s29 =	sshrl.u32 s7, $0x2;
	s7 =	smax.u32 s2, $0x1  }
0xb: {  	s2 =	simm.s32 $0x0;
	s3 =	sadd.s32 s3, s0;
	s0 =	sadd.s32 s4, s0  }
0xc: {  	s4 =	sadd.s32 s28, s1;
	s5 =	sadd.s32 s29, s1;
	s1 =	simm.s32 $0x77C0  }
0xd: {  	s3 =	sadd.s32 $0x2600, s3;
	s6 =	sadd.s32 $0xC600, s0;
	s8 =	sadd.s32 $0x2800, s5  }
0xe: {  	s9 =	sadd.s32 $0x5000, s5;
	s10 =	sadd.s32 $0x7800, s5;
	s11 =	sadd.s32 $0xA000, s5  }
0xf: {  	s12 =	sadd.s32 $0xC800, s5;
	s13 =	sadd.s32 $0xF000, s5;
	s14 =	sadd.s32 $0x11800, s5  }
0x10: {  	s15 =	sadd.s32 $0x14000, s5;
	s16 =	sadd.s32 $0x16800, s5;
	s17 =	sadd.s32 $0x19000, s5  }
0x11: {  	s18 =	sadd.s32 $0x1B800, s5;
	s19 =	sadd.s32 $0x1E000, s5;
	s20 =	sadd.s32 $0x20800, s5  }
0x12: {  	v0 =	vimm.f32 $0.0e+00;
	v1 =	vimm.f32 $1.000000000e+00;
	s21 =	sadd.s32 $0x23000, s5;
	s22 =	sadd.s32 $0x25800, s5;
	s0 =	simm.s32 $0x7540  }
.LBB2_1:
0x13: {  	s25 =	simm.s32 $0x40;
	s26 =	simm.s32 $0x0  }
.LBB2_2:
0x14: {  	p0 =	sne.s32 s25, $0x9FC0;
	[tilespmem:s26+$0x27C0] =	vst v0;
	s26 =	smov.u32 s25;
	s25 =	sadd.s32 $0x40, s25  }
.Ltmp0:
0x15: {  	(pc) =	sbr.rel @p0 .LBB2_2-.Ltmp0, $2  }
0x16: {  	_ =	sdelay $0x2  }
0x17: {  	s26 =	sshra.s32 s26, $0x2  }
0x18: {  	[tilespmem:s26+$0x27C0] =	vst v0;
	s25 =	simm.s32 $0x0  }
0x19: {  	[tilespmem:s25], [sflag:$0x1] =	stream.linear.gather [hbm4b:s3+s25], $0x27C0, $0x38;
	[tilespmem:$0xA240] =	vst v63  }
0x1a: {  	_ =	swait.ge [sflag:s23], $0x27C0  }
0x1b: {  	[sflag:s23] =	ssyncset.done $0x0  }
0x1c: {  	[sflag:s23] =	ssyncadd.s32 $0xFFFFD840  }
.LBB2_4:
0x1d: {  	s26 =	sshra.s32 s25, $0x2  }
0x1e: {  	v2 =	vld [tilespmem:s26+$0x0];
	_ =	sdelay $0x7  }
0x1f: {  	[tilespmem:v2+s24+$0x0] =	vst.idx.add.f32.msk $0xffff, v1  }
0x20: {  	v2 =	vld [tilespmem:s26+$0x10];
	_ =	sdelay $0x7  }
0x21: {  	[tilespmem:v2+s24+$0x0] =	vst.idx.add.f32.msk $0xffff, v1  }
0x22: {  	v2 =	vld [tilespmem:s26+$0x20];
	_ =	sdelay $0x7  }
0x23: {  	[tilespmem:v2+s24+$0x0] =	vst.idx.add.f32.msk $0xffff, v1  }
0x24: {  	v2 =	vld [tilespmem:s26+$0x30];
	_ =	sdelay $0x7  }
0x25: {  	[tilespmem:v2+s24+$0x0] =	vst.idx.add.f32.msk $0xffff, v1  }
0x26: {  	v2 =	vld [tilespmem:s26+$0x40];
	_ =	sdelay $0x7  }
0x27: {  	[tilespmem:v2+s24+$0x0] =	vst.idx.add.f32.msk $0xffff, v1  }
0x28: {  	v2 =	vld [tilespmem:s26+$0x50];
	_ =	sdelay $0x2  }
0x29: {  	p0 =	sne.s32 s25, $0x9D80  }
.Ltmp1:
0x2a: {  	_ = 	snop;
	(pc) =	sbr.rel @p0 .LBB2_4-.Ltmp1, $2  }
0x2b: {  	_ =	sdelay $0x2  }
0x2c: {  	s25 =	sadd.s32 $0x180, s25;
	[tilespmem:v2+s24+$0x0] =	vst.idx.add.f32.msk $0xffff, v1  }
0x2d: {  	[spmem:s4] =	stream.linear.scatter [tilespmem:s24], [sflag:$0x1], $0x2800, $0x38;
	[tilespmem:$0xA240] =	vst v63  }
0x2e: {  	_ =	swait.ge [sflag:s23], $0x2800  }
0x2f: {  	[sflag:s23] =	ssyncset.done $0x0  }
0x30: {  	[sflag:s23] =	ssyncadd.s32 $0xFFFFD800  }
0x31: {  	s25 =	simm.s32 $0x4FC0;
	[bflag:$0x0] =	sbarrier.arrive $0xFFFF  }
0x32: {  	[tilespmem:s25], [sflag:$0x1] =	stream.linear.gather [spmem:s5], $0x280, $0x38;
	[tilespmem:$0xA240] =	vst v63  }
0x33: {  	_ =	swait.ge [sflag:s23], $0x280  }
0x34: {  	[sflag:s23] =	ssyncset.done $0x0  }
0x35: {  	s26 =	simm.s32 $0x5240;
	[sflag:s23] =	ssyncadd.s32 $0xFFFFFD80  }
0x36: {  	[tilespmem:s26], [sflag:$0x1] =	stream.linear.gather [spmem:s8], $0x280, $0x38;
	[tilespmem:$0xA240] =	vst v63  }
0x37: {  	_ =	swait.ge [sflag:s23], $0x280  }
0x38: {  	[sflag:s23] =	ssyncset.done $0x0  }
0x39: {  	s26 =	simm.s32 $0x54C0;
	[sflag:s23] =	ssyncadd.s32 $0xFFFFFD80  }
0x3a: {  	[tilespmem:s26], [sflag:$0x1] =	stream.linear.gather [spmem:s9], $0x280, $0x38;
	[tilespmem:$0xA240] =	vst v63  }
0x3b: {  	_ =	swait.ge [sflag:s23], $0x280  }
0x3c: {  	[sflag:s23] =	ssyncset.done $0x0  }
0x3d: {  	s26 =	simm.s32 $0x5740;
	[sflag:s23] =	ssyncadd.s32 $0xFFFFFD80  }
0x3e: {  	[tilespmem:s26], [sflag:$0x1] =	stream.linear.gather [spmem:s10], $0x280, $0x38;
	[tilespmem:$0xA240] =	vst v63  }
0x3f: {  	_ =	swait.ge [sflag:s23], $0x280  }
0x40: {  	[sflag:s23] =	ssyncset.done $0x0  }
0x41: {  	s26 =	simm.s32 $0x59C0;
	[sflag:s23] =	ssyncadd.s32 $0xFFFFFD80  }
0x42: {  	[tilespmem:s26], [sflag:$0x1] =	stream.linear.gather [spmem:s11], $0x280, $0x38;
	[tilespmem:$0xA240] =	vst v63  }
0x43: {  	_ =	swait.ge [sflag:s23], $0x280  }
0x44: {  	[sflag:s23] =	ssyncset.done $0x0  }
0x45: {  	s26 =	simm.s32 $0x5C40;
	[sflag:s23] =	ssyncadd.s32 $0xFFFFFD80  }
0x46: {  	[tilespmem:s26], [sflag:$0x1] =	stream.linear.gather [spmem:s12], $0x280, $0x38;
	[tilespmem:$0xA240] =	vst v63  }
0x47: {  	_ =	swait.ge [sflag:s23], $0x280  }
0x48: {  	[sflag:s23] =	ssyncset.done $0x0  }
0x49: {  	s26 =	simm.s32 $0x5EC0;
	[sflag:s23] =	ssyncadd.s32 $0xFFFFFD80  }
0x4a: {  	[tilespmem:s26], [sflag:$0x1] =	stream.linear.gather [spmem:s13], $0x280, $0x38;
	[tilespmem:$0xA240] =	vst v63  }
0x4b: {  	_ =	swait.ge [sflag:s23], $0x280  }
0x4c: {  	[sflag:s23] =	ssyncset.done $0x0  }
0x4d: {  	s26 =	simm.s32 $0x6140;
	[sflag:s23] =	ssyncadd.s32 $0xFFFFFD80  }
0x4e: {  	[tilespmem:s26], [sflag:$0x1] =	stream.linear.gather [spmem:s14], $0x280, $0x38;
	[tilespmem:$0xA240] =	vst v63  }
0x4f: {  	_ =	swait.ge [sflag:s23], $0x280  }
0x50: {  	[sflag:s23] =	ssyncset.done $0x0  }
0x51: {  	s26 =	simm.s32 $0x63C0;
	[sflag:s23] =	ssyncadd.s32 $0xFFFFFD80  }
0x52: {  	[tilespmem:s26], [sflag:$0x1] =	stream.linear.gather [spmem:s15], $0x280, $0x38;
	[tilespmem:$0xA240] =	vst v63  }
0x53: {  	_ =	swait.ge [sflag:s23], $0x280  }
0x54: {  	[sflag:s23] =	ssyncset.done $0x0  }
0x55: {  	s26 =	simm.s32 $0x6640;
	[sflag:s23] =	ssyncadd.s32 $0xFFFFFD80  }
0x56: {  	[tilespmem:s26], [sflag:$0x1] =	stream.linear.gather [spmem:s16], $0x280, $0x38;
	[tilespmem:$0xA240] =	vst v63  }
0x57: {  	_ =	swait.ge [sflag:s23], $0x280  }
0x58: {  	[sflag:s23] =	ssyncset.done $0x0  }
0x59: {  	s26 =	simm.s32 $0x68C0;
	[sflag:s23] =	ssyncadd.s32 $0xFFFFFD80  }
0x5a: {  	[tilespmem:s26], [sflag:$0x1] =	stream.linear.gather [spmem:s17], $0x280, $0x38;
	[tilespmem:$0xA240] =	vst v63  }
0x5b: {  	_ =	swait.ge [sflag:s23], $0x280  }
0x5c: {  	[sflag:s23] =	ssyncset.done $0x0  }
0x5d: {  	s26 =	simm.s32 $0x6B40;
	[sflag:s23] =	ssyncadd.s32 $0xFFFFFD80  }
0x5e: {  	[tilespmem:s26], [sflag:$0x1] =	stream.linear.gather [spmem:s18], $0x280, $0x38;
	[tilespmem:$0xA240] =	vst v63  }
0x5f: {  	_ =	swait.ge [sflag:s23], $0x280  }
0x60: {  	[sflag:s23] =	ssyncset.done $0x0  }
0x61: {  	s26 =	simm.s32 $0x6DC0;
	[sflag:s23] =	ssyncadd.s32 $0xFFFFFD80  }
0x62: {  	[tilespmem:s26], [sflag:$0x1] =	stream.linear.gather [spmem:s19], $0x280, $0x38;
	[tilespmem:$0xA240] =	vst v63  }
0x63: {  	_ =	swait.ge [sflag:s23], $0x280  }
0x64: {  	[sflag:s23] =	ssyncset.done $0x0  }
0x65: {  	[sflag:s23] =	ssyncadd.s32 $0xFFFFFD80  }
0x66: {  	[tilespmem:s30], [sflag:$0x1] =	stream.linear.gather [spmem:s20], $0x280, $0x38;
	[tilespmem:$0xA240] =	vst v63  }
0x67: {  	_ =	swait.ge [sflag:s23], $0x280  }
0x68: {  	[sflag:s23] =	ssyncset.done $0x0  }
0x69: {  	[sflag:s23] =	ssyncadd.s32 $0xFFFFFD80  }
0x6a: {  	[tilespmem:s31], [sflag:$0x1] =	stream.linear.gather [spmem:s21], $0x280, $0x38;
	[tilespmem:$0xA240] =	vst v63  }
0x6b: {  	_ =	swait.ge [sflag:s23], $0x280  }
0x6c: {  	[sflag:s23] =	ssyncset.done $0x0  }
0x6d: {  	[sflag:s23] =	ssyncadd.s32 $0xFFFFFD80  }
0x6e: {  	[tilespmem:s0], [sflag:$0x1] =	stream.linear.gather [spmem:s22], $0x280, $0x38;
	[tilespmem:$0xA240] =	vst v63  }
0x6f: {  	_ =	swait.ge [sflag:s23], $0x280  }
0x70: {  	[sflag:s23] =	ssyncset.done $0x0  }
0x71: {  	s26 =	simm.s32 $0x0;
	[sflag:s23] =	ssyncadd.s32 $0xFFFFFD80  }
0x72: {  	v2 =	vld [tilespmem:s26+$0x4FC0]  }
0x73: {  	v3 =	vld [tilespmem:s26+$0x5240];
	_ =	sdelay $0x1  }
0x74: {  	v4 =	vld [tilespmem:s26+$0x54C0];
	_ =	sdelay $0x1  }
0x75: {  	v5 =	vld [tilespmem:s26+$0x5740]  }
0x76: {  	v2 =	vadd.f32 v3, v2  }
0x77: {  	v3 =	vld [tilespmem:s26+$0x59C0]  }
0x78: {  	v2 =	vadd.f32 v4, v2  }
0x79: {  	v4 =	vld [tilespmem:s26+$0x5C40]  }
0x7a: {  	v2 =	vadd.f32 v5, v2  }
0x7b: {  	v5 =	vld [tilespmem:s26+$0x5EC0]  }
0x7c: {  	v2 =	vadd.f32 v3, v2  }
0x7d: {  	v3 =	vld [tilespmem:s26+$0x6140]  }
0x7e: {  	s25 =	simm.s32 $0x10;
	v6 =	vld [tilespmem:s26+$0x63C0];
	v2 =	vadd.f32 v4, v2  }
0x7f: {  	v7 =	vld [tilespmem:s25+$0x4FC0]  }
0x80: {  	v4 =	vld [tilespmem:s26+$0x6640];
	v2 =	vadd.f32 v5, v2  }
0x81: {  	v5 =	vld [tilespmem:s25+$0x5240]  }
0x82: {  	v8 =	vld [tilespmem:s25+$0x54C0];
	v2 =	vadd.f32 v3, v2  }
0x83: {  	v3 =	vld [tilespmem:s26+$0x68C0]  }
0x84: {  	v9 =	vld [tilespmem:s25+$0x5740];
	v2 =	vadd.f32 v6, v2  }
0x85: {  	v6 =	vld [tilespmem:s26+$0x6B40]  }
0x86: {  	v5 =	vadd.f32 v5, v7;
	v7 =	vld [tilespmem:s25+$0x59C0];
	v2 =	vadd.f32 v4, v2  }
0x87: {  	v4 =	vld [tilespmem:s26+$0x6DC0]  }
0x88: {  	v5 =	vadd.f32 v8, v5;
	v8 =	vld [tilespmem:s25+$0x5C40];
	v2 =	vadd.f32 v3, v2  }
0x89: {  	v3 =	vld [tilespmem:s26+$0x7040]  }
0x8a: {  	v10 =	vld [tilespmem:s25+$0x5EC0];
	v5 =	vadd.f32 v9, v5;
	v2 =	vadd.f32 v6, v2  }
0x8b: {  	v9 =	vld [tilespmem:s26+$0x72C0]  }
0x8c: {  	v6 =	vadd.f32 v7, v5;
	v5 =	vld [tilespmem:s25+$0x6140];
	v7 =	vadd.f32 v4, v2  }
0x8d: {  	v4 =	vld [tilespmem:s26+$0x7540]  }
0x8e: {  	v2 =	vld [tilespmem:s25+$0x6640];
	v8 =	vadd.f32 v8, v6;
	v11 =	vadd.f32 v3, v7  }
0x8f: {  	s28 =	simm.s32 $0x20;
	v6 =	vld [tilespmem:s25+$0x63C0]  }
0x90: {  	s29 =	simm.s32 $0xC0;
	v3 =	vld [tilespmem:s28+$0x4FC0];
	v7 =	vadd.f32 v10, v8;
	v8 =	vadd.f32 v9, v11  }
.LBB2_6:
0x91: {  	p0 =	sne.s32 s29, $0x9C0;
	v9 =	vld [tilespmem:s28+$0x5240]  }
0x92: {  	v5 =	vadd.f32 v5, v7;
	v7 =	vld [tilespmem:s25+$0x68C0];
	v4 =	vadd.f32 v4, v8  }
0x93: {  	v8 =	vld [tilespmem:s28+$0x54C0]  }
0x94: {  	v5 =	vadd.f32 v6, v5;
	v6 =	vld [tilespmem:s25+$0x6B40];
	[tilespmem:s26+$0x77C0] =	vst v4;
	s26 =	smov.u32 s25;
	s25 =	smov.u32 s28  }
0x95: {  	v4 =	vld [tilespmem:s25+$0x5740]  }
0x96: {  	v3 =	vadd.f32 v9, v3;
	v2 =	vadd.f32 v2, v5;
	v5 =	vld [tilespmem:s26+$0x6DC0]  }
0x97: {  	v9 =	vld [tilespmem:s25+$0x59C0]  }
0x98: {  	v3 =	vadd.f32 v8, v3;
	v2 =	vadd.f32 v7, v2;
	v7 =	vld [tilespmem:s26+$0x7040]  }
0x99: {  	v8 =	vld [tilespmem:s25+$0x5C40]  }
0x9a: {  	v3 =	vadd.f32 v4, v3;
	v2 =	vadd.f32 v6, v2;
	v10 =	vld [tilespmem:s26+$0x72C0]  }
0x9b: {  	v11 =	vld [tilespmem:s25+$0x5EC0]  }
.Ltmp2:
0x9c: {  	v3 =	vadd.f32 v9, v3;
	v6 =	vadd.f32 v5, v2;
	v4 =	vld [tilespmem:s26+$0x7540];
	(pc) =	sbr.rel @p0 .LBB2_6-.Ltmp2, $4  }
0x9d: {  	v5 =	vld [tilespmem:s25+$0x6140]  }
0x9e: {  	v8 =	vadd.f32 v8, v3;
	v2 =	vld [tilespmem:s25+$0x6640];
	v9 =	vadd.f32 v7, v6  }
0x9f: {  	s28 =	sshra.s32 s29, $0x2;
	v6 =	vld [tilespmem:s25+$0x63C0]  }
0xa0: {  	s29 =	sadd.s32 $0x40, s29;
	v3 =	vld [tilespmem:s28+$0x4FC0];
	v7 =	vadd.f32 v11, v8;
	v8 =	vadd.f32 v10, v9  }
0xa1: {  	v9 =	vld [tilespmem:s28+$0x5240]  }
0xa2: {  	v10 =	vld [tilespmem:s25+$0x68C0];
	v4 =	vadd.f32 v4, v8  }
0xa3: {  	v49 =	vld [tilespmem:s28+$0x54C0]  }
0xa4: {  	v11 =	vld [tilespmem:s25+$0x6B40];
	v5 =	vadd.f32 v5, v7;
	[tilespmem:s26+$0x77C0] =	vst v4  }
0xa5: {  	v4 =	vld [tilespmem:s28+$0x5740]  }
0xa6: {  	v5 =	vadd.f32 v6, v5;
	v3 =	vadd.f32 v9, v3  }
0xa7: {  	v50 =	vld [tilespmem:s28+$0x59C0]  }
0xa8: {  	v51 =	vld [tilespmem:s25+$0x6DC0];
	v2 =	vadd.f32 v2, v5;
	v3 =	vadd.f32 v49, v3  }
0xa9: {  	v52 =	vld [tilespmem:s28+$0x5C40]  }
0xaa: {  	v53 =	vld [tilespmem:s25+$0x7040];
	v2 =	vadd.f32 v10, v2;
	v3 =	vadd.f32 v4, v3  }
0xab: {  	v54 =	vld [tilespmem:s28+$0x5EC0]  }
0xac: {  	v55 =	vld [tilespmem:s25+$0x72C0];
	v2 =	vadd.f32 v11, v2;
	v3 =	vadd.f32 v50, v3  }
0xad: {  	v56 =	vld [tilespmem:s28+$0x6140]  }
0xae: {  	v57 =	vld [tilespmem:s25+$0x7540];
	v2 =	vadd.f32 v51, v2;
	v3 =	vadd.f32 v52, v3  }
0xaf: {  	v58 =	vld [tilespmem:s28+$0x63C0]  }
0xb0: {  	v2 =	vadd.f32 v53, v2;
	v3 =	vadd.f32 v54, v3  }
0xb1: {  	v59 =	vld [tilespmem:s28+$0x6640]  }
0xb2: {  	v2 =	vadd.f32 v55, v2;
	v3 =	vadd.f32 v56, v3  }
0xb3: {  	v60 =	vld [tilespmem:s28+$0x68C0]  }
0xb4: {  	v2 =	vadd.f32 v57, v2;
	v3 =	vadd.f32 v58, v3  }
0xb5: {  	v61 =	vld [tilespmem:s28+$0x6B40]  }
0xb6: {  	[tilespmem:s25+$0x77C0] =	vst v2;
	v2 =	vadd.f32 v59, v3  }
0xb7: {  	v3 =	vld [tilespmem:s28+$0x6DC0]  }
0xb8: {  	v2 =	vadd.f32 v60, v2  }
0xb9: {  	v62 =	vld [tilespmem:s28+$0x7040]  }
0xba: {  	v2 =	vadd.f32 v61, v2  }
0xbb: {  	v63 =	vld [tilespmem:s28+$0x72C0]  }
0xbc: {  	v2 =	vadd.f32 v3, v2  }
0xbd: {  	v3 =	vld [tilespmem:s28+$0x7540]  }
0xbe: {  	v2 =	vadd.f32 v62, v2;
	_ =	sdelay $0x1  }
0xbf: {  	v2 =	vadd.f32 v63, v2;
	_ =	sdelay $0x1  }
0xc0: {  	s2 =	sadd.s32 $0x1, s2;
	v2 =	vadd.f32 v3, v2  }
0xc1: {  	p0 =	sne.s32 s2, s7  }
.Ltmp3:
0xc2: {  	s29 =	simm.s32 $0x0;
	[tilespmem:s28+$0x77C0] =	vst v2;
	(pc) =	sbr.rel @p0 .LBB2_1-.Ltmp3, $4  }
0xc3: {  	[hbm4b:s6+s29] =	stream.linear.scatter [tilespmem:s1], [sflag:$0x1], $0x280, $0x38;
	[tilespmem:$0xA240] =	vst v63  }
0xc4: {  	_ =	swait.ge [sflag:s23], $0x280  }
0xc5: {  	[sflag:s23] =	ssyncset.done $0x0  }
0xc6: {  	[sflag:s23] =	ssyncadd.s32 $0xFFFFFD80  }
0xc7: {  	_ =	sfence.sel $0x180000  }
0xc8: {  	[bflag:$0x0] =	sbarrier.arrive $0xFFFF  }
0xc9: {  	_ =	strace $0x90000047  }
0xca: {  	s0 =	stileid.u32;
	[bflag:$0x2] =	sbarrier.arrive $0xFFFF  }
0xcb: {  	p0 =	sne.s32 s0, $0x0;
	s0 =	rddreg [dreg:$0x2]  }
0xcc: {  	s0 =	sadd.s32 @!p0 $0x100000, s0  }
0xcd: {  	[sflag:s0] =	ssyncadd.tile.s32 @!p0 $0x1;
	_ =	shalt  }
.Lfunc_end2:
_tile_overlayer_lowered:
.L_overlay_start_2:
0xce: {  	(tag) =	ssettag $0x2  }
0xcf: {  	s0 =	rddreg [dreg:$0x0];
	s2 =	stileid.u32  }
0xd0: {  	s1 =	rddreg [dreg:$0x1];
	p0 =	sne.s32 s2, $0x0  }
0xd1: {  	s3 =	rddreg [dreg:$0x2];
	[bflag:$0x3] =	sbarrier.arrive $0xFFFF;
	s2 =	simm.s32 @!p0 $0x1C01  }
0xd2: {  	[timem:s3], [sflag:s2] =	dma.local @!p0 [hbm:s0], s1  }
0xd3: {  	s0 =	simm.s32 @!p0 $0x1  }
0xd4: {  	_ =	swait.ge @!p0 [sflag:s0], s1  }
0xd5: {  	s1 =	ssub.s32 @!p0 $0x0, s1;
	[sflag:s0] =	ssyncset.done @!p0 $0x0  }
0xd6: {  	[sflag:s0] =	ssyncadd.s32 @!p0 s1  }
0xd7: {  	[bflag:$0x3] =	sbarrier.arrive $0xFFFF  }
0xd8: {  	_ =	shalt  }

</sc_bundles>
